<compile_context>
chip_gen: v7x
topology: tpu7x:2x2x1
jax: 0.10.2.dev20260603
libtpu: 0.0.44.dev20260713+nightly
codegen_flags: <defaults>
</compile_context>

<pallas_src>
import functools

import jax
import jax.numpy as jnp
from jax import lax
from jax.experimental import pallas as pl
from jax.experimental.pallas import tpu as pltpu
from jax.experimental.pallas import tpu_sc as plsc

BIN = 128
F32 = jnp.float32


def _elu(v):
    return jnp.where(v > 0, v, jnp.exp(v) - 1.0)


def _front_body(bin_ref, pos_ref):
    b = pl.program_id(0)
    binv = bin_ref[0]
    n = binv.shape[0]
    nbins = n // BIN
    iot = lax.broadcasted_iota(jnp.int32, (n, nbins), 1)
    oh = jnp.where(iot == binv, 1.0, 0.0).astype(F32)
    C = 256
    r = lax.broadcasted_iota(jnp.int32, (C, C), 0)
    c = lax.broadcasted_iota(jnp.int32, (C, C), 1)
    tril = jnp.where(r >= c, 1.0, 0.0).astype(F32)
    acc = jnp.zeros((1, nbins), F32)
    parts = []
    for k in range(n // C):
        ohc = oh[k * C:(k + 1) * C, :]
        incl = jnp.dot(tril, ohc, preferred_element_type=F32)
        within = jnp.sum(ohc * incl, -1, keepdims=True)
        base = jnp.sum(ohc * acc, -1, keepdims=True)
        parts.append(within - 1.0 + base)
        acc = acc + incl[C - 1:C, :]
    posf = jnp.concatenate(parts, axis=0)
    goff = jnp.sum(jnp.where(iot < binv, 1.0, 0.0) * acc, -1, keepdims=True)
    pos_ref[0] = (posf + goff).astype(jnp.int32) + b * n


GBINS = 16


def _chunk_body(xs_ref, g_ref, be_ref, w0_ref, b0_ref, w1_ref, b1_ref,
                w2_ref, b2_ref, wcat_ref, bt_ref, out_ref):
    xr = xs_ref[...]
    d = xr.shape[1]
    mu = jnp.mean(xr, -1, keepdims=True)
    var = jnp.mean(jnp.square(xr - mu), -1, keepdims=True)
    xf = (xr - mu) / jnp.sqrt(var + 1e-5) * g_ref[0] + be_ref[0]
    h = _elu(jnp.dot(xf, w0_ref[...], preferred_element_type=F32) + b0_ref[0])
    h = _elu(jnp.dot(h, w1_ref[...], preferred_element_type=F32) + b1_ref[0])
    xd = _elu(jnp.dot(h, w2_ref[...], preferred_element_type=F32) + b2_ref[0])
    ym = jnp.dot(xf, wcat_ref[...], preferred_element_type=F32)
    ft = ym[:, :d]
    gate = 1.0 / (1.0 + jnp.exp(-(ym[:, d:2 * d] + bt_ref[0])))
    f_het = ym[:, 2 * d:]
    for k in range(GBINS):
        xdk = xd[k * BIN:(k + 1) * BIN, :]
        ab = lax.dot_general(xdk, xdk, (((1,), (1,)), ((), ())),
                             preferred_element_type=F32)
        na = jnp.sum(xdk * xdk, -1, keepdims=True)
        ones = jnp.ones((BIN, 1), F32)
        nb = lax.dot_general(ones, na, (((1,), (1,)), ((), ())),
                             preferred_element_type=F32)
        d2 = jnp.clip(na - 2.0 * ab + nb, 1e-6, 1e6)
        adj = jnp.clip(jnp.exp(-0.1 * jnp.sqrt(d2)), 0.0, 1.0)
        f_hom = jnp.dot(adj, ft[k * BIN:(k + 1) * BIN, :],
                        preferred_element_type=F32)
        gk = gate[k * BIN:(k + 1) * BIN, :]
        out_ref[k * BIN:(k + 1) * BIN, :] = _elu(
            gk * f_hom + (1.0 - gk) * f_het[k * BIN:(k + 1) * BIN, :])


def _make_sc_permute(rows, d, scatter):
    info = plsc.get_sparse_core_info()
    nw = info.num_cores * info.num_subcores
    rpw = rows // nw
    ch = 128
    nch = rpw // ch
    mesh = plsc.VectorSubcoreMesh(core_axis_name="c", subcore_axis_name="s")

    nbuf = 4
    scratch = [pltpu.VMEM((nch, ch), jnp.int32)]
    scratch += [pltpu.VMEM((ch, d), F32) for _ in range(nbuf)]
    scratch += [pltpu.SemaphoreType.DMA for _ in range(2 * nbuf)]

    @functools.partial(
        pl.kernel, mesh=mesh,
        out_type=jax.ShapeDtypeStruct((rows, d), F32),
        scratch_types=scratch,
    )
    def k(src_hbm, idx_hbm, out_hbm, idx_v, *bufsem):
        bufs, sems = bufsem[:nbuf], bufsem[nbuf:]
        lsems, xsems = sems[:nbuf], sems[nbuf:]
        wid = lax.axis_index("s") * info.num_cores + lax.axis_index("c")
        base = wid * rpw
        pltpu.sync_copy(idx_hbm.at[wid], idx_v)
        if scatter:
            ld = [None] * nch
            xc = [None] * nch
            for j in range(min(2, nch)):
                ld[j] = pltpu.async_copy(
                    src_hbm.at[pl.ds(base + j * ch, ch)], bufs[j % nbuf],
                    lsems[j % nbuf])
            for j in range(nch):
                ld[j].wait()
                xc[j] = pltpu.async_copy(bufs[j % nbuf],
                                         out_hbm.at[idx_v.at[j]],
                                         xsems[j % nbuf])
                if j >= 2:
                    xc[j - 2].wait()
                if j + 2 < nch:
                    ld[j + 2] = pltpu.async_copy(
                        src_hbm.at[pl.ds(base + (j + 2) * ch, ch)],
                        bufs[(j + 2) % nbuf], lsems[(j + 2) % nbuf])
            for j in range(max(0, nch - 2), nch):
                xc[j].wait()
        else:
            gt = [None] * nch
            st = [None] * nch
            for j in range(min(2, nch)):
                gt[j] = pltpu.async_copy(src_hbm.at[idx_v.at[j]],
                                         bufs[j % nbuf], xsems[j % nbuf])
            for j in range(nch):
                gt[j].wait()
                st[j] = pltpu.async_copy(bufs[j % nbuf],
                                         out_hbm.at[pl.ds(base + j * ch, ch)],
                                         lsems[j % nbuf])
                if j >= 2:
                    st[j - 2].wait()
                if j + 2 < nch:
                    gt[j + 2] = pltpu.async_copy(src_hbm.at[idx_v.at[j + 2]],
                                                 bufs[(j + 2) % nbuf],
                                                 xsems[(j + 2) % nbuf])
            for j in range(max(0, nch - 2), nch):
                st[j].wait()

    return k


def _front_call(bin_idx):
    B, N = bin_idx.shape
    return pl.pallas_call(
        _front_body,
        grid=(B,),
        in_specs=[pl.BlockSpec((1, N, 1), lambda b: (b, 0, 0))],
        out_specs=pl.BlockSpec((1, N, 1), lambda b: (b, 0, 0)),
        out_shape=jax.ShapeDtypeStruct((B, N, 1), jnp.int32),
    )(bin_idx.reshape(B, N, 1))


def _chunk_call(xs, g, be, w0, b0, w1, b1, w2, b2, th, wh, wt, bt):
    R, D = xs.shape
    wcat = jnp.concatenate([th, wt, wh], axis=1)
    blk = GBINS * BIN
    full = lambda shp: pl.BlockSpec(shp, lambda i: (0,) * len(shp))
    return pl.pallas_call(
        _chunk_body,
        grid=(R // blk,),
        in_specs=[
            pl.BlockSpec((blk, D), lambda i: (i, 0)),
            full((1, D)), full((1, D)),
            full(w0.shape), full((1, b0.shape[-1])),
            full(w1.shape), full((1, b1.shape[-1])),
            full(w2.shape), full((1, b2.shape[-1])),
            full(wcat.shape), full((1, D)),
        ],
        out_specs=pl.BlockSpec((blk, D), lambda i: (i, 0)),
        out_shape=jax.ShapeDtypeStruct((R, D), F32),
    )(xs, g.reshape(1, D), be.reshape(1, D), w0, b0.reshape(1, -1),
      w1, b1.reshape(1, -1), w2, b2.reshape(1, -1),
      wcat, bt.reshape(1, D))


def kernel(x, msk, ln_gamma, ln_beta, ffn_w0, ffn_b0, ffn_w1, ffn_b1,
           ffn_w2, ffn_b2, W_t, b_t, W_h, theta, codebook):
    B, N, D = x.shape
    nbins = N // BIN
    ncols = max(1, nbins // 2)
    mu = jnp.mean(x, -1, keepdims=True)
    var = jnp.mean(jnp.square(x - mu), -1, keepdims=True)
    xn_r = (x - mu) / jnp.sqrt(var + 1e-05) * ln_gamma + ln_beta
    h_r = jax.nn.elu(jnp.matmul(xn_r, ffn_w0) + ffn_b0)
    h_r = jax.nn.elu(jnp.matmul(h_r, ffn_w1) + ffn_b1)
    x_dist_r = jax.nn.elu(jnp.matmul(h_r, ffn_w2) + ffn_b2)
    mul = jnp.matmul(x_dist_r, codebook[:, :ncols])
    cmul = jnp.concatenate([mul, -mul], axis=-1)
    a = jnp.argmax(cmul, axis=-1)
    bin_idx = (a + jnp.where(msk, 0, nbins - 1)).astype(jnp.int32)

    pos = _front_call(bin_idx)

    rows = B * N
    info = plsc.get_sparse_core_info()
    nw = info.num_cores * info.num_subcores
    idx = pos.reshape(nw, rows // (nw * 128), 128)

    xs = _make_sc_permute(rows, D, scatter=True)(x.reshape(rows, D), idx)
    out_sorted = _chunk_call(xs, ln_gamma, ln_beta, ffn_w0, ffn_b0, ffn_w1,
                             ffn_b1, ffn_w2, ffn_b2, theta, W_h, W_t, b_t)
    ret = _make_sc_permute(rows, D, scatter=False)(out_sorted, idx)
    return ret.reshape(B, N, D)

# --- scband reference (transcript-rebuilt; emitter-appended) ---
"""Pipeline reference for scband-combined-graph-layer-33724083208430 (READ-ONLY COPY).

The authoritative reference and input builder live on the scoring server;
editing this copy changes nothing except your own understanding.
"""

import jax, jax.numpy as jnp
import numpy as np

BIN_SIZE = 128


def pairwise_l2_dist(A, B):
    na = jnp.sum(jnp.square(A), -1)
    nb = jnp.sum(jnp.square(B), -1)
    na = na[..., :, None]
    nb = nb[..., None, :]
    return jnp.sqrt(jnp.clip(na - 2.0 * jnp.matmul(A, jnp.swapaxes(B, -1, -2)) + nb, 1e-06, 1e6))


def setup_inputs(seed: int = 0):
    key = jax.random.key(seed)
    ks = jax.random.split(key, 12)
    B, N, D, DD, H = 4, 8192, 128, 64, 128
    max_num_bins = 200
    inp = {}
    inp['x'] = jax.random.normal(ks[0], (B, N, D), dtype=jnp.float32)
    inp['msk'] = jnp.ones((B, N), dtype=bool)
    inp['ln_gamma'] = jnp.ones((D,), jnp.float32)
    inp['ln_beta'] = jnp.zeros((D,), jnp.float32)
    inp['ffn_w0'] = jax.random.normal(ks[1], (D, H), jnp.float32) * 0.05
    inp['ffn_b0'] = jnp.zeros((H,), jnp.float32)
    inp['ffn_w1'] = jax.random.normal(ks[2], (H, H), jnp.float32) * 0.05
    inp['ffn_b1'] = jnp.zeros((H,), jnp.float32)
    inp['ffn_w2'] = jax.random.normal(ks[3], (H, DD), jnp.float32) * 0.05
    inp['ffn_b2'] = jnp.zeros((DD,), jnp.float32)
    inp['W_t'] = jax.random.normal(ks[4], (D, D), jnp.float32) * 0.05
    inp['b_t'] = jax.random.normal(ks[5], (D,), jnp.float32) * 0.05
    inp['W_h'] = jax.random.normal(ks[6], (D, D), jnp.float32) * 0.05
    inp['theta'] = jax.random.normal(ks[7], (D, D), jnp.float32) * 0.05
    inp['codebook'] = jax.random.normal(ks[8], (DD, max_num_bins // 2), jnp.float32)
    return inp


def _forward(x, msk, ln_gamma, ln_beta, ffn_w0, ffn_b0, ffn_w1, ffn_b1, ffn_w2, ffn_b2, W_t, b_t, W_h, theta, codebook):
    B, N, D = x.shape
    n_bins = N // BIN_SIZE
    # layernorm1
    mu = jnp.mean(x, -1, keepdims=True)
    var = jnp.mean(jnp.square(x - mu), -1, keepdims=True)
    xn = (x - mu) / jnp.sqrt(var + 1e-05) * ln_gamma + ln_beta
    # ffn_dist (2 hidden layers, ELU) + dist_activation
    h = jax.nn.elu(jnp.matmul(xn, ffn_w0) + ffn_b0)
    h = jax.nn.elu(jnp.matmul(h, ffn_w1) + ffn_b1)
    x_dist = jax.nn.elu(jnp.matmul(h, ffn_w2) + ffn_b2)
    # MessageBuildingLayerLSH: random rotation LSH binning
    ncols = max(1, n_bins // 2)
    mul = jnp.matmul(x_dist, codebook[:, :ncols])
    cmul = jnp.concatenate([mul, -mul], axis=-1)
    a = jnp.argmax(cmul, axis=-1)
    bin_idx = a + jnp.where(msk, 0, n_bins - 1)
    bins_split2 = jnp.argsort(bin_idx, axis=-1)  # (B, N)
    x_msg_binned = jnp.take_along_axis(x_dist, bins_split2[..., None], axis=1).reshape(B, n_bins, BIN_SIZE, -1)
    x_feat_binned = jnp.take_along_axis(xn, bins_split2[..., None], axis=1).reshape(B, n_bins, BIN_SIZE, -1)
    msk_f = jnp.take_along_axis(msk, bins_split2, axis=1).reshape(B, n_bins, BIN_SIZE, 1).astype(x.dtype)
    # NodePairGaussianKernel
    xm = x_msg_binned * msk_f
    dm = jnp.exp(-0.1 * pairwise_l2_dist(xm, xm))[..., None]
    dm = jnp.clip(dm, 0.0, 1.0)
    msk_sq = msk_f[..., 0]
    dm = dm * msk_sq[:, :, :, None, None]
    dm = dm * msk_sq[:, :, None, :, None]
    # GHConvDense (activation=elu, normalize_degrees=False)
    adj = dm[..., 0]
    f_hom = jnp.matmul(x_feat_binned * msk_f, theta) * msk_f
    f_hom = jnp.matmul(adj, f_hom)
    f_het = jnp.matmul(x_feat_binned * msk_f, W_h)
    gate = jax.nn.sigmoid(jnp.matmul(x_feat_binned, W_t) + b_t)
    out = jax.nn.elu(gate * f_hom + (1.0 - gate) * f_het) * msk_f
    # reverse_lsh: scatter encoded points back to original positions
    flat = out.reshape(B, n_bins * BIN_SIZE, D)
    ret = jnp.zeros((B, N, D), flat.dtype)
    ret = ret.at[jnp.arange(B)[:, None], bins_split2].set(flat)
    return ret


def reference(x, msk, ln_gamma, ln_beta, ffn_w0, ffn_b0, ffn_w1, ffn_b1, ffn_w2, ffn_b2, W_t, b_t, W_h, theta, codebook):
    return _forward(x, msk, ln_gamma, ln_beta, ffn_w0, ffn_b0, ffn_w1, ffn_b1, ffn_w2, ffn_b2, W_t, b_t, W_h, theta, codebook)

if __name__ == "__main__":
    import jax
    _d = setup_inputs()
    print(jax.jit(kernel)(*tuple(_d.values())))

</pallas_src>

<mosaic_0001>
#map = affine_map<(d0, d1) -> (0, 0)>
#map1 = affine_map<(d0, d1) -> (0, 0, 0)>
module attributes {stable_mosaic.version = 14 : i64} {
  func.func @k(%arg0: i32, %arg1: i32, %arg2: memref<32768x128xf32, #tpu.memory_space<hbm>>, %arg3: memref<32x8x128xi32, #tpu.memory_space<hbm>>, %arg4: memref<32768x128xf32, #tpu.memory_space<hbm>>, %arg5: memref<8x128xi32, #tpu.memory_space<vmem>>, %arg6: memref<128x128xf32, #tpu.memory_space<vmem>>, %arg7: memref<128x128xf32, #tpu.memory_space<vmem>>, %arg8: memref<128x128xf32, #tpu.memory_space<vmem>>, %arg9: memref<128x128xf32, #tpu.memory_space<vmem>>, %arg10: memref<!tpu.dma_semaphore, #tpu.memory_space<semaphore_mem>>, %arg11: memref<!tpu.dma_semaphore, #tpu.memory_space<semaphore_mem>>, %arg12: memref<!tpu.dma_semaphore, #tpu.memory_space<semaphore_mem>>, %arg13: memref<!tpu.dma_semaphore, #tpu.memory_space<semaphore_mem>>, %arg14: memref<!tpu.dma_semaphore, #tpu.memory_space<semaphore_mem>>, %arg15: memref<!tpu.dma_semaphore, #tpu.memory_space<semaphore_mem>>, %arg16: memref<!tpu.dma_semaphore, #tpu.memory_space<semaphore_mem>>, %arg17: memref<!tpu.dma_semaphore, #tpu.memory_space<semaphore_mem>>) attributes {dimension_semantics = [#tpu.dimension_semantics<core_parallel>, #tpu.dimension_semantics<subcore_parallel>], iteration_bounds = array<i64: 2, 16>, scalar_prefetch = 0 : i64, scratch_operands = 13 : i64, tpu.core_type = #tpu.core_type<sc_vector_subcore>, window_params = [{transform_indices = #map}, {transform_indices = #map1}, {transform_indices = #map}]} {
    %mul3A = arith.constant 2 : i32
    %mul3A_0 = arith.muli %arg1, %mul3A : i32
    %add3A = arith.addi %mul3A_0, %arg0 : i32
    %mul3A_1 = arith.constant 1024 : i32
    %mul3A_2 = arith.muli %add3A, %mul3A_1 : i32
    "tpu.region"() ({
      %run_scoped3A = tpu.sem_alloc : memref<!tpu.dma_semaphore, #tpu.memory_space<semaphore_mem>>
      %dma_start3A_193 = arith.constant 0 : i32
      %dma_start3A_194 = arith.constant 0 : i32
      %dma_start3A_195 = tpu.memref_slice %arg3[%add3A, %dma_start3A_193, %dma_start3A_194] : memref<32x8x128xi32, #tpu.memory_space<hbm>> -> memref<1x8x128xi32, #tpu.memory_space<hbm>>
      %dma_start3A_196 = tpu.memref_squeeze %dma_start3A_195 : memref<1x8x128xi32, #tpu.memory_space<hbm>> -> memref<8x128xi32, #tpu.memory_space<hbm>>
      %dma_start3A_197 = arith.constant 0 : i32
      %dma_start3A_198 = arith.constant 0 : i32
      %dma_start3A_199 = tpu.memref_slice %arg3[%add3A, %dma_start3A_197, %dma_start3A_198] : memref<32x8x128xi32, #tpu.memory_space<hbm>> -> memref<1x8x128xi32, #tpu.memory_space<hbm>>
      %dma_start3A_200 = tpu.memref_squeeze %dma_start3A_199 : memref<1x8x128xi32, #tpu.memory_space<hbm>> -> memref<8x128xi32, #tpu.memory_space<hbm>>
      tpu.enqueue_dma source(%dma_start3A_200 : memref<8x128xi32, #tpu.memory_space<hbm>>) target(%arg5 : memref<8x128xi32, #tpu.memory_space<vmem>>) target_semaphore(%run_scoped3A : memref<!tpu.dma_semaphore, #tpu.memory_space<semaphore_mem>>)
      %dma_wait3A_201 = arith.constant 0 : i32
      %dma_wait3A_202 = arith.constant 0 : i32
      %dma_wait3A_203 = tpu.memref_slice %arg3[%add3A, %dma_wait3A_201, %dma_wait3A_202] : memref<32x8x128xi32, #tpu.memory_space<hbm>> -> memref<1x8x128xi32, #tpu.memory_space<hbm>>
      %dma_wait3A_204 = tpu.memref_squeeze %dma_wait3A_203 : memref<1x8x128xi32, #tpu.memory_space<hbm>> -> memref<8x128xi32, #tpu.memory_space<hbm>>
      %dma_wait3A_205 = arith.constant 0 : i32
      %dma_wait3A_206 = arith.constant 0 : i32
      %dma_wait3A_207 = tpu.memref_slice %arg3[%add3A, %dma_wait3A_205, %dma_wait3A_206] : memref<32x8x128xi32, #tpu.memory_space<hbm>> -> memref<1x8x128xi32, #tpu.memory_space<hbm>>
      %dma_wait3A_208 = tpu.memref_squeeze %dma_wait3A_207 : memref<1x8x128xi32, #tpu.memory_space<hbm>> -> memref<8x128xi32, #tpu.memory_space<hbm>>
      tpu.wait_dma2 semaphore(%run_scoped3A : memref<!tpu.dma_semaphore, #tpu.memory_space<semaphore_mem>>) src(%dma_wait3A_208 : memref<8x128xi32, #tpu.memory_space<hbm>>) dst(%arg5 : memref<8x128xi32, #tpu.memory_space<vmem>>)
      tpu.yield
    }) : () -> ()
    %add3A_3 = arith.constant 0 : i32
    %add3A_4 = arith.addi %mul3A_2, %add3A_3 : i32
    %dma_start3A = arith.constant 0 : i32
    %dma_start3A_5 = tpu.memref_slice %arg2[%add3A_4, %dma_start3A] : memref<32768x128xf32, #tpu.memory_space<hbm>> -> memref<128x128xf32, #tpu.memory_space<hbm>>
    %dma_start3A_6 = arith.constant 0 : i32
    %dma_start3A_7 = tpu.memref_slice %arg2[%add3A_4, %dma_start3A_6] : memref<32768x128xf32, #tpu.memory_space<hbm>> -> memref<128x128xf32, #tpu.memory_space<hbm>>
    tpu.enqueue_dma source(%dma_start3A_7 : memref<128x128xf32, #tpu.memory_space<hbm>>) target(%arg6 : memref<128x128xf32, #tpu.memory_space<vmem>>) target_semaphore(%arg10 : memref<!tpu.dma_semaphore, #tpu.memory_space<semaphore_mem>>)
    %add3A_8 = arith.constant 128 : i32
    %add3A_9 = arith.addi %mul3A_2, %add3A_8 : i32
    %dma_start3A_10 = arith.constant 0 : i32
    %dma_start3A_11 = tpu.memref_slice %arg2[%add3A_9, %dma_start3A_10] : memref<32768x128xf32, #tpu.memory_space<hbm>> -> memref<128x128xf32, #tpu.memory_space<hbm>>
    %dma_start3A_12 = arith.constant 0 : i32
    %dma_start3A_13 = tpu.memref_slice %arg2[%add3A_9, %dma_start3A_12] : memref<32768x128xf32, #tpu.memory_space<hbm>> -> memref<128x128xf32, #tpu.memory_space<hbm>>
    tpu.enqueue_dma source(%dma_start3A_13 : memref<128x128xf32, #tpu.memory_space<hbm>>) target(%arg7 : memref<128x128xf32, #tpu.memory_space<vmem>>) target_semaphore(%arg11 : memref<!tpu.dma_semaphore, #tpu.memory_space<semaphore_mem>>)
    %dma_wait3A = arith.constant 0 : i32
    %dma_wait3A_14 = tpu.memref_slice %arg2[%add3A_4, %dma_wait3A] : memref<32768x128xf32, #tpu.memory_space<hbm>> -> memref<128x128xf32, #tpu.memory_space<hbm>>
    %dma_wait3A_15 = arith.constant 0 : i32
    %dma_wait3A_16 = tpu.memref_slice %arg2[%add3A_4, %dma_wait3A_15] : memref<32768x128xf32, #tpu.memory_space<hbm>> -> memref<128x128xf32, #tpu.memory_space<hbm>>
    tpu.wait_dma2 semaphore(%arg10 : memref<!tpu.dma_semaphore, #tpu.memory_space<semaphore_mem>>) src(%dma_wait3A_16 : memref<128x128xf32, #tpu.memory_space<hbm>>) dst(%arg6 : memref<128x128xf32, #tpu.memory_space<vmem>>)
    %dma_start3A_17 = arith.constant 0 : i32
    %dma_start3A_18 = arith.constant 0 : i32
    %dma_start3A_19 = tpu.memref_slice %arg5[%dma_start3A_17, %dma_start3A_18] : memref<8x128xi32, #tpu.memory_space<vmem>> -> memref<1x128xi32, #tpu.memory_space<vmem>>
    %dma_start3A_20 = tpu.memref_squeeze %dma_start3A_19 : memref<1x128xi32, #tpu.memory_space<vmem>> -> memref<128xi32, #tpu.memory_space<vmem>>
    %dma_start3A_21 = arith.constant 0 : i32
    %dma_start3A_22 = arith.constant 0 : i32
    %dma_start3A_23 = tpu.memref_slice %arg4[%dma_start3A_21, %dma_start3A_22] : memref<32768x128xf32, #tpu.memory_space<hbm>> -> memref<32768x128xf32, #tpu.memory_space<hbm>>
    tpu.enqueue_indirect_dma source(%arg6 : memref<128x128xf32, #tpu.memory_space<vmem>>) target(%dma_start3A_23 : memref<32768x128xf32, #tpu.memory_space<hbm>>) offsets(%dma_start3A_20 : memref<128xi32, #tpu.memory_space<vmem>>) semaphore(%arg14 : memref<!tpu.dma_semaphore, #tpu.memory_space<semaphore_mem>>)
    %add3A_24 = arith.constant 256 : i32
    %add3A_25 = arith.addi %mul3A_2, %add3A_24 : i32
    %dma_start3A_26 = arith.constant 0 : i32
    %dma_start3A_27 = tpu.memref_slice %arg2[%add3A_25, %dma_start3A_26] : memref<32768x128xf32, #tpu.memory_space<hbm>> -> memref<128x128xf32, #tpu.memory_space<hbm>>
    %dma_start3A_28 = arith.constant 0 : i32
    %dma_start3A_29 = tpu.memref_slice %arg2[%add3A_25, %dma_start3A_28] : memref<32768x128xf32, #tpu.memory_space<hbm>> -> memref<128x128xf32, #tpu.memory_space<hbm>>
    tpu.enqueue_dma source(%dma_start3A_29 : memref<128x128xf32, #tpu.memory_space<hbm>>) target(%arg8 : memref<128x128xf32, #tpu.memory_space<vmem>>) target_semaphore(%arg12 : memref<!tpu.dma_semaphore, #tpu.memory_space<semaphore_mem>>)
    %dma_wait3A_30 = arith.constant 0 : i32
    %dma_wait3A_31 = tpu.memref_slice %arg2[%add3A_9, %dma_wait3A_30] : memref<32768x128xf32, #tpu.memory_space<hbm>> -> memref<128x128xf32, #tpu.memory_space<hbm>>
    %dma_wait3A_32 = arith.constant 0 : i32
    %dma_wait3A_33 = tpu.memref_slice %arg2[%add3A_9, %dma_wait3A_32] : memref<32768x128xf32, #tpu.memory_space<hbm>> -> memref<128x128xf32, #tpu.memory_space<hbm>>
    tpu.wait_dma2 semaphore(%arg11 : memref<!tpu.dma_semaphore, #tpu.memory_space<semaphore_mem>>) src(%dma_wait3A_33 : memref<128x128xf32, #tpu.memory_space<hbm>>) dst(%arg7 : memref<128x128xf32, #tpu.memory_space<vmem>>)
    %dma_start3A_34 = arith.constant 1 : i32
    %dma_start3A_35 = arith.constant 0 : i32
    %dma_start3A_36 = tpu.memref_slice %arg5[%dma_start3A_34, %dma_start3A_35] : memref<8x128xi32, #tpu.memory_space<vmem>> -> memref<1x128xi32, #tpu.memory_space<vmem>>
    %dma_start3A_37 = tpu.memref_squeeze %dma_start3A_36 : memref<1x128xi32, #tpu.memory_space<vmem>> -> memref<128xi32, #tpu.memory_space<vmem>>
    %dma_start3A_38 = arith.constant 0 : i32
    %dma_start3A_39 = arith.constant 0 : i32
    %dma_start3A_40 = tpu.memref_slice %arg4[%dma_start3A_38, %dma_start3A_39] : memref<32768x128xf32, #tpu.memory_space<hbm>> -> memref<32768x128xf32, #tpu.memory_space<hbm>>
    tpu.enqueue_indirect_dma source(%arg7 : memref<128x128xf32, #tpu.memory_space<vmem>>) target(%dma_start3A_40 : memref<32768x128xf32, #tpu.memory_space<hbm>>) offsets(%dma_start3A_37 : memref<128xi32, #tpu.memory_space<vmem>>) semaphore(%arg15 : memref<!tpu.dma_semaphore, #tpu.memory_space<semaphore_mem>>)
    %add3A_41 = arith.constant 384 : i32
    %add3A_42 = arith.addi %mul3A_2, %add3A_41 : i32
    %dma_start3A_43 = arith.constant 0 : i32
    %dma_start3A_44 = tpu.memref_slice %arg2[%add3A_42, %dma_start3A_43] : memref<32768x128xf32, #tpu.memory_space<hbm>> -> memref<128x128xf32, #tpu.memory_space<hbm>>
    %dma_start3A_45 = arith.constant 0 : i32
    %dma_start3A_46 = tpu.memref_slice %arg2[%add3A_42, %dma_start3A_45] : memref<32768x128xf32, #tpu.memory_space<hbm>> -> memref<128x128xf32, #tpu.memory_space<hbm>>
    tpu.enqueue_dma source(%dma_start3A_46 : memref<128x128xf32, #tpu.memory_space<hbm>>) target(%arg9 : memref<128x128xf32, #tpu.memory_space<vmem>>) target_semaphore(%arg13 : memref<!tpu.dma_semaphore, #tpu.memory_space<semaphore_mem>>)
    %dma_wait3A_47 = arith.constant 0 : i32
    %dma_wait3A_48 = tpu.memref_slice %arg2[%add3A_25, %dma_wait3A_47] : memref<32768x128xf32, #tpu.memory_space<hbm>> -> memref<128x128xf32, #tpu.memory_space<hbm>>
    %dma_wait3A_49 = arith.constant 0 : i32
    %dma_wait3A_50 = tpu.memref_slice %arg2[%add3A_25, %dma_wait3A_49] : memref<32768x128xf32, #tpu.memory_space<hbm>> -> memref<128x128xf32, #tpu.memory_space<hbm>>
    tpu.wait_dma2 semaphore(%arg12 : memref<!tpu.dma_semaphore, #tpu.memory_space<semaphore_mem>>) src(%dma_wait3A_50 : memref<128x128xf32, #tpu.memory_space<hbm>>) dst(%arg8 : memref<128x128xf32, #tpu.memory_space<vmem>>)
    %dma_start3A_51 = arith.constant 2 : i32
    %dma_start3A_52 = arith.constant 0 : i32
    %dma_start3A_53 = tpu.memref_slice %arg5[%dma_start3A_51, %dma_start3A_52] : memref<8x128xi32, #tpu.memory_space<vmem>> -> memref<1x128xi32, #tpu.memory_space<vmem>>
    %dma_start3A_54 = tpu.memref_squeeze %dma_start3A_53 : memref<1x128xi32, #tpu.memory_space<vmem>> -> memref<128xi32, #tpu.memory_space<vmem>>
    %dma_start3A_55 = arith.constant 0 : i32
    %dma_start3A_56 = arith.constant 0 : i32
    %dma_start3A_57 = tpu.memref_slice %arg4[%dma_start3A_55, %dma_start3A_56] : memref<32768x128xf32, #tpu.memory_space<hbm>> -> memref<32768x128xf32, #tpu.memory_space<hbm>>
    tpu.enqueue_indirect_dma source(%arg8 : memref<128x128xf32, #tpu.memory_space<vmem>>) target(%dma_start3A_57 : memref<32768x128xf32, #tpu.memory_space<hbm>>) offsets(%dma_start3A_54 : memref<128xi32, #tpu.memory_space<vmem>>) semaphore(%arg16 : memref<!tpu.dma_semaphore, #tpu.memory_space<semaphore_mem>>)
    %dma_wait3A_58 = arith.constant 0 : i32
    %dma_wait3A_59 = arith.constant 0 : i32
    %dma_wait3A_60 = tpu.memref_slice %arg5[%dma_wait3A_58, %dma_wait3A_59] : memref<8x128xi32, #tpu.memory_space<vmem>> -> memref<1x128xi32, #tpu.memory_space<vmem>>
    %dma_wait3A_61 = tpu.memref_squeeze %dma_wait3A_60 : memref<1x128xi32, #tpu.memory_space<vmem>> -> memref<128xi32, #tpu.memory_space<vmem>>
    %dma_wait3A_62 = arith.constant 0 : i32
    %dma_wait3A_63 = arith.constant 0 : i32
    %dma_wait3A_64 = tpu.memref_slice %arg4[%dma_wait3A_62, %dma_wait3A_63] : memref<32768x128xf32, #tpu.memory_space<hbm>> -> memref<32768x128xf32, #tpu.memory_space<hbm>>
    tpu.wait_indirect_dma semaphore(%arg14 : memref<!tpu.dma_semaphore, #tpu.memory_space<semaphore_mem>>) src(%arg6 : memref<128x128xf32, #tpu.memory_space<vmem>>) dst(%dma_wait3A_64 : memref<32768x128xf32, #tpu.memory_space<hbm>>)
    %add3A_65 = arith.constant 512 : i32
    %add3A_66 = arith.addi %mul3A_2, %add3A_65 : i32
    %dma_start3A_67 = arith.constant 0 : i32
    %dma_start3A_68 = tpu.memref_slice %arg2[%add3A_66, %dma_start3A_67] : memref<32768x128xf32, #tpu.memory_space<hbm>> -> memref<128x128xf32, #tpu.memory_space<hbm>>
    %dma_start3A_69 = arith.constant 0 : i32
    %dma_start3A_70 = tpu.memref_slice %arg2[%add3A_66, %dma_start3A_69] : memref<32768x128xf32, #tpu.memory_space<hbm>> -> memref<128x128xf32, #tpu.memory_space<hbm>>
    tpu.enqueue_dma source(%dma_start3A_70 : memref<128x128xf32, #tpu.memory_space<hbm>>) target(%arg6 : memref<128x128xf32, #tpu.memory_space<vmem>>) target_semaphore(%arg10 : memref<!tpu.dma_semaphore, #tpu.memory_space<semaphore_mem>>)
    %dma_wait3A_71 = arith.constant 0 : i32
    %dma_wait3A_72 = tpu.memref_slice %arg2[%add3A_42, %dma_wait3A_71] : memref<32768x128xf32, #tpu.memory_space<hbm>> -> memref<128x128xf32, #tpu.memory_space<hbm>>
    %dma_wait3A_73 = arith.constant 0 : i32
    %dma_wait3A_74 = tpu.memref_slice %arg2[%add3A_42, %dma_wait3A_73] : memref<32768x128xf32, #tpu.memory_space<hbm>> -> memref<128x128xf32, #tpu.memory_space<hbm>>
    tpu.wait_dma2 semaphore(%arg13 : memref<!tpu.dma_semaphore, #tpu.memory_space<semaphore_mem>>) src(%dma_wait3A_74 : memref<128x128xf32, #tpu.memory_space<hbm>>) dst(%arg9 : memref<128x128xf32, #tpu.memory_space<vmem>>)
    %dma_start3A_75 = arith.constant 3 : i32
    %dma_start3A_76 = arith.constant 0 : i32
    %dma_start3A_77 = tpu.memref_slice %arg5[%dma_start3A_75, %dma_start3A_76] : memref<8x128xi32, #tpu.memory_space<vmem>> -> memref<1x128xi32, #tpu.memory_space<vmem>>
    %dma_start3A_78 = tpu.memref_squeeze %dma_start3A_77 : memref<1x128xi32, #tpu.memory_space<vmem>> -> memref<128xi32, #tpu.memory_space<vmem>>
    %dma_start3A_79 = arith.constant 0 : i32
    %dma_start3A_80 = arith.constant 0 : i32
    %dma_start3A_81 = tpu.memref_slice %arg4[%dma_start3A_79, %dma_start3A_80] : memref<32768x128xf32, #tpu.memory_space<hbm>> -> memref<32768x128xf32, #tpu.memory_space<hbm>>
    tpu.enqueue_indirect_dma source(%arg9 : memref<128x128xf32, #tpu.memory_space<vmem>>) target(%dma_start3A_81 : memref<32768x128xf32, #tpu.memory_space<hbm>>) offsets(%dma_start3A_78 : memref<128xi32, #tpu.memory_space<vmem>>) semaphore(%arg17 : memref<!tpu.dma_semaphore, #tpu.memory_space<semaphore_mem>>)
    %dma_wait3A_82 = arith.constant 1 : i32
    %dma_wait3A_83 = arith.constant 0 : i32
    %dma_wait3A_84 = tpu.memref_slice %arg5[%dma_wait3A_82, %dma_wait3A_83] : memref<8x128xi32, #tpu.memory_space<vmem>> -> memref<1x128xi32, #tpu.memory_space<vmem>>
    %dma_wait3A_85 = tpu.memref_squeeze %dma_wait3A_84 : memref<1x128xi32, #tpu.memory_space<vmem>> -> memref<128xi32, #tpu.memory_space<vmem>>
    %dma_wait3A_86 = arith.constant 0 : i32
    %dma_wait3A_87 = arith.constant 0 : i32
    %dma_wait3A_88 = tpu.memref_slice %arg4[%dma_wait3A_86, %dma_wait3A_87] : memref<32768x128xf32, #tpu.memory_space<hbm>> -> memref<32768x128xf32, #tpu.memory_space<hbm>>
    tpu.wait_indirect_dma semaphore(%arg15 : memref<!tpu.dma_semaphore, #tpu.memory_space<semaphore_mem>>) src(%arg7 : memref<128x128xf32, #tpu.memory_space<vmem>>) dst(%dma_wait3A_88 : memref<32768x128xf32, #tpu.memory_space<hbm>>)
    %add3A_89 = arith.constant 640 : i32
    %add3A_90 = arith.addi %mul3A_2, %add3A_89 : i32
    %dma_start3A_91 = arith.constant 0 : i32
    %dma_start3A_92 = tpu.memref_slice %arg2[%add3A_90, %dma_start3A_91] : memref<32768x128xf32, #tpu.memory_space<hbm>> -> memref<128x128xf32, #tpu.memory_space<hbm>>
    %dma_start3A_93 = arith.constant 0 : i32
    %dma_start3A_94 = tpu.memref_slice %arg2[%add3A_90, %dma_start3A_93] : memref<32768x128xf32, #tpu.memory_space<hbm>> -> memref<128x128xf32, #tpu.memory_space<hbm>>
    tpu.enqueue_dma source(%dma_start3A_94 : memref<128x128xf32, #tpu.memory_space<hbm>>) target(%arg7 : memref<128x128xf32, #tpu.memory_space<vmem>>) target_semaphore(%arg11 : memref<!tpu.dma_semaphore, #tpu.memory_space<semaphore_mem>>)
    %dma_wait3A_95 = arith.constant 0 : i32
    %dma_wait3A_96 = tpu.memref_slice %arg2[%add3A_66, %dma_wait3A_95] : memref<32768x128xf32, #tpu.memory_space<hbm>> -> memref<128x128xf32, #tpu.memory_space<hbm>>
    %dma_wait3A_97 = arith.constant 0 : i32
    %dma_wait3A_98 = tpu.memref_slice %arg2[%add3A_66, %dma_wait3A_97] : memref<32768x128xf32, #tpu.memory_space<hbm>> -> memref<128x128xf32, #tpu.memory_space<hbm>>
    tpu.wait_dma2 semaphore(%arg10 : memref<!tpu.dma_semaphore, #tpu.memory_space<semaphore_mem>>) src(%dma_wait3A_98 : memref<128x128xf32, #tpu.memory_space<hbm>>) dst(%arg6 : memref<128x128xf32, #tpu.memory_space<vmem>>)
    %dma_start3A_99 = arith.constant 4 : i32
    %dma_start3A_100 = arith.constant 0 : i32
    %dma_start3A_101 = tpu.memref_slice %arg5[%dma_start3A_99, %dma_start3A_100] : memref<8x128xi32, #tpu.memory_space<vmem>> -> memref<1x128xi32, #tpu.memory_space<vmem>>
    %dma_start3A_102 = tpu.memref_squeeze %dma_start3A_101 : memref<1x128xi32, #tpu.memory_space<vmem>> -> memref<128xi32, #tpu.memory_space<vmem>>
    %dma_start3A_103 = arith.constant 0 : i32
    %dma_start3A_104 = arith.constant 0 : i32
    %dma_start3A_105 = tpu.memref_slice %arg4[%dma_start3A_103, %dma_start3A_104] : memref<32768x128xf32, #tpu.memory_space<hbm>> -> memref<32768x128xf32, #tpu.memory_space<hbm>>
    tpu.enqueue_indirect_dma source(%arg6 : memref<128x128xf32, #tpu.memory_space<vmem>>) target(%dma_start3A_105 : memref<32768x128xf32, #tpu.memory_space<hbm>>) offsets(%dma_start3A_102 : memref<128xi32, #tpu.memory_space<vmem>>) semaphore(%arg14 : memref<!tpu.dma_semaphore, #tpu.memory_space<semaphore_mem>>)
    %dma_wait3A_106 = arith.constant 2 : i32
    %dma_wait3A_107 = arith.constant 0 : i32
    %dma_wait3A_108 = tpu.memref_slice %arg5[%dma_wait3A_106, %dma_wait3A_107] : memref<8x128xi32, #tpu.memory_space<vmem>> -> memref<1x128xi32, #tpu.memory_space<vmem>>
    %dma_wait3A_109 = tpu.memref_squeeze %dma_wait3A_108 : memref<1x128xi32, #tpu.memory_space<vmem>> -> memref<128xi32, #tpu.memory_space<vmem>>
    %dma_wait3A_110 = arith.constant 0 : i32
    %dma_wait3A_111 = arith.constant 0 : i32
    %dma_wait3A_112 = tpu.memref_slice %arg4[%dma_wait3A_110, %dma_wait3A_111] : memref<32768x128xf32, #tpu.memory_space<hbm>> -> memref<32768x128xf32, #tpu.memory_space<hbm>>
    tpu.wait_indirect_dma semaphore(%arg16 : memref<!tpu.dma_semaphore, #tpu.memory_space<semaphore_mem>>) src(%arg8 : memref<128x128xf32, #tpu.memory_space<vmem>>) dst(%dma_wait3A_112 : memref<32768x128xf32, #tpu.memory_space<hbm>>)
    %add3A_113 = arith.constant 768 : i32
    %add3A_114 = arith.addi %mul3A_2, %add3A_113 : i32
    %dma_start3A_115 = arith.constant 0 : i32
    %dma_start3A_116 = tpu.memref_slice %arg2[%add3A_114, %dma_start3A_115] : memref<32768x128xf32, #tpu.memory_space<hbm>> -> memref<128x128xf32, #tpu.memory_space<hbm>>
    %dma_start3A_117 = arith.constant 0 : i32
    %dma_start3A_118 = tpu.memref_slice %arg2[%add3A_114, %dma_start3A_117] : memref<32768x128xf32, #tpu.memory_space<hbm>> -> memref<128x128xf32, #tpu.memory_space<hbm>>
    tpu.enqueue_dma source(%dma_start3A_118 : memref<128x128xf32, #tpu.memory_space<hbm>>) target(%arg8 : memref<128x128xf32, #tpu.memory_space<vmem>>) target_semaphore(%arg12 : memref<!tpu.dma_semaphore, #tpu.memory_space<semaphore_mem>>)
    %dma_wait3A_119 = arith.constant 0 : i32
    %dma_wait3A_120 = tpu.memref_slice %arg2[%add3A_90, %dma_wait3A_119] : memref<32768x128xf32, #tpu.memory_space<hbm>> -> memref<128x128xf32, #tpu.memory_space<hbm>>
    %dma_wait3A_121 = arith.constant 0 : i32
    %dma_wait3A_122 = tpu.memref_slice %arg2[%add3A_90, %dma_wait3A_121] : memref<32768x128xf32, #tpu.memory_space<hbm>> -> memref<128x128xf32, #tpu.memory_space<hbm>>
    tpu.wait_dma2 semaphore(%arg11 : memref<!tpu.dma_semaphore, #tpu.memory_space<semaphore_mem>>) src(%dma_wait3A_122 : memref<128x128xf32, #tpu.memory_space<hbm>>) dst(%arg7 : memref<128x128xf32, #tpu.memory_space<vmem>>)
    %dma_start3A_123 = arith.constant 5 : i32
    %dma_start3A_124 = arith.constant 0 : i32
    %dma_start3A_125 = tpu.memref_slice %arg5[%dma_start3A_123, %dma_start3A_124] : memref<8x128xi32, #tpu.memory_space<vmem>> -> memref<1x128xi32, #tpu.memory_space<vmem>>
    %dma_start3A_126 = tpu.memref_squeeze %dma_start3A_125 : memref<1x128xi32, #tpu.memory_space<vmem>> -> memref<128xi32, #tpu.memory_space<vmem>>
    %dma_start3A_127 = arith.constant 0 : i32
    %dma_start3A_128 = arith.constant 0 : i32
    %dma_start3A_129 = tpu.memref_slice %arg4[%dma_start3A_127, %dma_start3A_128] : memref<32768x128xf32, #tpu.memory_space<hbm>> -> memref<32768x128xf32, #tpu.memory_space<hbm>>
    tpu.enqueue_indirect_dma source(%arg7 : memref<128x128xf32, #tpu.memory_space<vmem>>) target(%dma_start3A_129 : memref<32768x128xf32, #tpu.memory_space<hbm>>) offsets(%dma_start3A_126 : memref<128xi32, #tpu.memory_space<vmem>>) semaphore(%arg15 : memref<!tpu.dma_semaphore, #tpu.memory_space<semaphore_mem>>)
    %dma_wait3A_130 = arith.constant 3 : i32
    %dma_wait3A_131 = arith.constant 0 : i32
    %dma_wait3A_132 = tpu.memref_slice %arg5[%dma_wait3A_130, %dma_wait3A_131] : memref<8x128xi32, #tpu.memory_space<vmem>> -> memref<1x128xi32, #tpu.memory_space<vmem>>
    %dma_wait3A_133 = tpu.memref_squeeze %dma_wait3A_132 : memref<1x128xi32, #tpu.memory_space<vmem>> -> memref<128xi32, #tpu.memory_space<vmem>>
    %dma_wait3A_134 = arith.constant 0 : i32
    %dma_wait3A_135 = arith.constant 0 : i32
    %dma_wait3A_136 = tpu.memref_slice %arg4[%dma_wait3A_134, %dma_wait3A_135] : memref<32768x128xf32, #tpu.memory_space<hbm>> -> memref<32768x128xf32, #tpu.memory_space<hbm>>
    tpu.wait_indirect_dma semaphore(%arg17 : memref<!tpu.dma_semaphore, #tpu.memory_space<semaphore_mem>>) src(%arg9 : memref<128x128xf32, #tpu.memory_space<vmem>>) dst(%dma_wait3A_136 : memref<32768x128xf32, #tpu.memory_space<hbm>>)
    %add3A_137 = arith.constant 896 : i32
    %add3A_138 = arith.addi %mul3A_2, %add3A_137 : i32
    %dma_start3A_139 = arith.constant 0 : i32
    %dma_start3A_140 = tpu.memref_slice %arg2[%add3A_138, %dma_start3A_139] : memref<32768x128xf32, #tpu.memory_space<hbm>> -> memref<128x128xf32, #tpu.memory_space<hbm>>
    %dma_start3A_141 = arith.constant 0 : i32
    %dma_start3A_142 = tpu.memref_slice %arg2[%add3A_138, %dma_start3A_141] : memref<32768x128xf32, #tpu.memory_space<hbm>> -> memref<128x128xf32, #tpu.memory_space<hbm>>
    tpu.enqueue_dma source(%dma_start3A_142 : memref<128x128xf32, #tpu.memory_space<hbm>>) target(%arg9 : memref<128x128xf32, #tpu.memory_space<vmem>>) target_semaphore(%arg13 : memref<!tpu.dma_semaphore, #tpu.memory_space<semaphore_mem>>)
    %dma_wait3A_143 = arith.constant 0 : i32
    %dma_wait3A_144 = tpu.memref_slice %arg2[%add3A_114, %dma_wait3A_143] : memref<32768x128xf32, #tpu.memory_space<hbm>> -> memref<128x128xf32, #tpu.memory_space<hbm>>
    %dma_wait3A_145 = arith.constant 0 : i32
    %dma_wait3A_146 = tpu.memref_slice %arg2[%add3A_114, %dma_wait3A_145] : memref<32768x128xf32, #tpu.memory_space<hbm>> -> memref<128x128xf32, #tpu.memory_space<hbm>>
    tpu.wait_dma2 semaphore(%arg12 : memref<!tpu.dma_semaphore, #tpu.memory_space<semaphore_mem>>) src(%dma_wait3A_146 : memref<128x128xf32, #tpu.memory_space<hbm>>) dst(%arg8 : memref<128x128xf32, #tpu.memory_space<vmem>>)
    %dma_start3A_147 = arith.constant 6 : i32
    %dma_start3A_148 = arith.constant 0 : i32
    %dma_start3A_149 = tpu.memref_slice %arg5[%dma_start3A_147, %dma_start3A_148] : memref<8x128xi32, #tpu.memory_space<vmem>> -> memref<1x128xi32, #tpu.memory_space<vmem>>
    %dma_start3A_150 = tpu.memref_squeeze %dma_start3A_149 : memref<1x128xi32, #tpu.memory_space<vmem>> -> memref<128xi32, #tpu.memory_space<vmem>>
    %dma_start3A_151 = arith.constant 0 : i32
    %dma_start3A_152 = arith.constant 0 : i32
    %dma_start3A_153 = tpu.memref_slice %arg4[%dma_start3A_151, %dma_start3A_152] : memref<32768x128xf32, #tpu.memory_space<hbm>> -> memref<32768x128xf32, #tpu.memory_space<hbm>>
    tpu.enqueue_indirect_dma source(%arg8 : memref<128x128xf32, #tpu.memory_space<vmem>>) target(%dma_start3A_153 : memref<32768x128xf32, #tpu.memory_space<hbm>>) offsets(%dma_start3A_150 : memref<128xi32, #tpu.memory_space<vmem>>) semaphore(%arg16 : memref<!tpu.dma_semaphore, #tpu.memory_space<semaphore_mem>>)
    %dma_wait3A_154 = arith.constant 4 : i32
    %dma_wait3A_155 = arith.constant 0 : i32
    %dma_wait3A_156 = tpu.memref_slice %arg5[%dma_wait3A_154, %dma_wait3A_155] : memref<8x128xi32, #tpu.memory_space<vmem>> -> memref<1x128xi32, #tpu.memory_space<vmem>>
    %dma_wait3A_157 = tpu.memref_squeeze %dma_wait3A_156 : memref<1x128xi32, #tpu.memory_space<vmem>> -> memref<128xi32, #tpu.memory_space<vmem>>
    %dma_wait3A_158 = arith.constant 0 : i32
    %dma_wait3A_159 = arith.constant 0 : i32
    %dma_wait3A_160 = tpu.memref_slice %arg4[%dma_wait3A_158, %dma_wait3A_159] : memref<32768x128xf32, #tpu.memory_space<hbm>> -> memref<32768x128xf32, #tpu.memory_space<hbm>>
    tpu.wait_indirect_dma semaphore(%arg14 : memref<!tpu.dma_semaphore, #tpu.memory_space<semaphore_mem>>) src(%arg6 : memref<128x128xf32, #tpu.memory_space<vmem>>) dst(%dma_wait3A_160 : memref<32768x128xf32, #tpu.memory_space<hbm>>)
    %dma_wait3A_161 = arith.constant 0 : i32
    %dma_wait3A_162 = tpu.memref_slice %arg2[%add3A_138, %dma_wait3A_161] : memref<32768x128xf32, #tpu.memory_space<hbm>> -> memref<128x128xf32, #tpu.memory_space<hbm>>
    %dma_wait3A_163 = arith.constant 0 : i32
    %dma_wait3A_164 = tpu.memref_slice %arg2[%add3A_138, %dma_wait3A_163] : memref<32768x128xf32, #tpu.memory_space<hbm>> -> memref<128x128xf32, #tpu.memory_space<hbm>>
    tpu.wait_dma2 semaphore(%arg13 : memref<!tpu.dma_semaphore, #tpu.memory_space<semaphore_mem>>) src(%dma_wait3A_164 : memref<128x128xf32, #tpu.memory_space<hbm>>) dst(%arg9 : memref<128x128xf32, #tpu.memory_space<vmem>>)
    %dma_start3A_165 = arith.constant 7 : i32
    %dma_start3A_166 = arith.constant 0 : i32
    %dma_start3A_167 = tpu.memref_slice %arg5[%dma_start3A_165, %dma_start3A_166] : memref<8x128xi32, #tpu.memory_space<vmem>> -> memref<1x128xi32, #tpu.memory_space<vmem>>
    %dma_start3A_168 = tpu.memref_squeeze %dma_start3A_167 : memref<1x128xi32, #tpu.memory_space<vmem>> -> memref<128xi32, #tpu.memory_space<vmem>>
    %dma_start3A_169 = arith.constant 0 : i32
    %dma_start3A_170 = arith.constant 0 : i32
    %dma_start3A_171 = tpu.memref_slice %arg4[%dma_start3A_169, %dma_start3A_170] : memref<32768x128xf32, #tpu.memory_space<hbm>> -> memref<32768x128xf32, #tpu.memory_space<hbm>>
    tpu.enqueue_indirect_dma source(%arg9 : memref<128x128xf32, #tpu.memory_space<vmem>>) target(%dma_start3A_171 : memref<32768x128xf32, #tpu.memory_space<hbm>>) offsets(%dma_start3A_168 : memref<128xi32, #tpu.memory_space<vmem>>) semaphore(%arg17 : memref<!tpu.dma_semaphore, #tpu.memory_space<semaphore_mem>>)
    %dma_wait3A_172 = arith.constant 5 : i32
    %dma_wait3A_173 = arith.constant 0 : i32
    %dma_wait3A_174 = tpu.memref_slice %arg5[%dma_wait3A_172, %dma_wait3A_173] : memref<8x128xi32, #tpu.memory_space<vmem>> -> memref<1x128xi32, #tpu.memory_space<vmem>>
    %dma_wait3A_175 = tpu.memref_squeeze %dma_wait3A_174 : memref<1x128xi32, #tpu.memory_space<vmem>> -> memref<128xi32, #tpu.memory_space<vmem>>
    %dma_wait3A_176 = arith.constant 0 : i32
    %dma_wait3A_177 = arith.constant 0 : i32
    %dma_wait3A_178 = tpu.memref_slice %arg4[%dma_wait3A_176, %dma_wait3A_177] : memref<32768x128xf32, #tpu.memory_space<hbm>> -> memref<32768x128xf32, #tpu.memory_space<hbm>>
    tpu.wait_indirect_dma semaphore(%arg15 : memref<!tpu.dma_semaphore, #tpu.memory_space<semaphore_mem>>) src(%arg7 : memref<128x128xf32, #tpu.memory_space<vmem>>) dst(%dma_wait3A_178 : memref<32768x128xf32, #tpu.memory_space<hbm>>)
    %dma_wait3A_179 = arith.constant 6 : i32
    %dma_wait3A_180 = arith.constant 0 : i32
    %dma_wait3A_181 = tpu.memref_slice %arg5[%dma_wait3A_179, %dma_wait3A_180] : memref<8x128xi32, #tpu.memory_space<vmem>> -> memref<1x128xi32, #tpu.memory_space<vmem>>
    %dma_wait3A_182 = tpu.memref_squeeze %dma_wait3A_181 : memref<1x128xi32, #tpu.memory_space<vmem>> -> memref<128xi32, #tpu.memory_space<vmem>>
    %dma_wait3A_183 = arith.constant 0 : i32
    %dma_wait3A_184 = arith.constant 0 : i32
    %dma_wait3A_185 = tpu.memref_slice %arg4[%dma_wait3A_183, %dma_wait3A_184] : memref<32768x128xf32, #tpu.memory_space<hbm>> -> memref<32768x128xf32, #tpu.memory_space<hbm>>
    tpu.wait_indirect_dma semaphore(%arg16 : memref<!tpu.dma_semaphore, #tpu.memory_space<semaphore_mem>>) src(%arg8 : memref<128x128xf32, #tpu.memory_space<vmem>>) dst(%dma_wait3A_185 : memref<32768x128xf32, #tpu.memory_space<hbm>>)
    %dma_wait3A_186 = arith.constant 7 : i32
    %dma_wait3A_187 = arith.constant 0 : i32
    %dma_wait3A_188 = tpu.memref_slice %arg5[%dma_wait3A_186, %dma_wait3A_187] : memref<8x128xi32, #tpu.memory_space<vmem>> -> memref<1x128xi32, #tpu.memory_space<vmem>>
    %dma_wait3A_189 = tpu.memref_squeeze %dma_wait3A_188 : memref<1x128xi32, #tpu.memory_space<vmem>> -> memref<128xi32, #tpu.memory_space<vmem>>
    %dma_wait3A_190 = arith.constant 0 : i32
    %dma_wait3A_191 = arith.constant 0 : i32
    %dma_wait3A_192 = tpu.memref_slice %arg4[%dma_wait3A_190, %dma_wait3A_191] : memref<32768x128xf32, #tpu.memory_space<hbm>> -> memref<32768x128xf32, #tpu.memory_space<hbm>>
    tpu.wait_indirect_dma semaphore(%arg17 : memref<!tpu.dma_semaphore, #tpu.memory_space<semaphore_mem>>) src(%arg9 : memref<128x128xf32, #tpu.memory_space<vmem>>) dst(%dma_wait3A_192 : memref<32768x128xf32, #tpu.memory_space<hbm>>)
    return
  }
}

#map = affine_map<(d0, d1) -> (0, 0)>
#map1 = affine_map<(d0, d1) -> (0, 0, 0)>
module attributes {stable_mosaic.version = 14 : i64} {
  func.func @k(%arg0: i32, %arg1: i32, %arg2: memref<32768x128xf32, #tpu.memory_space<hbm>>, %arg3: memref<32x8x128xi32, #tpu.memory_space<hbm>>, %arg4: memref<32768x128xf32, #tpu.memory_space<hbm>>, %arg5: memref<8x128xi32, #tpu.memory_space<vmem>>, %arg6: memref<128x128xf32, #tpu.memory_space<vmem>>, %arg7: memref<128x128xf32, #tpu.memory_space<vmem>>, %arg8: memref<128x128xf32, #tpu.memory_space<vmem>>, %arg9: memref<128x128xf32, #tpu.memory_space<vmem>>, %arg10: memref<!tpu.dma_semaphore, #tpu.memory_space<semaphore_mem>>, %arg11: memref<!tpu.dma_semaphore, #tpu.memory_space<semaphore_mem>>, %arg12: memref<!tpu.dma_semaphore, #tpu.memory_space<semaphore_mem>>, %arg13: memref<!tpu.dma_semaphore, #tpu.memory_space<semaphore_mem>>, %arg14: memref<!tpu.dma_semaphore, #tpu.memory_space<semaphore_mem>>, %arg15: memref<!tpu.dma_semaphore, #tpu.memory_space<semaphore_mem>>, %arg16: memref<!tpu.dma_semaphore, #tpu.memory_space<semaphore_mem>>, %arg17: memref<!tpu.dma_semaphore, #tpu.memory_space<semaphore_mem>>) attributes {dimension_semantics = [#tpu.dimension_semantics<core_parallel>, #tpu.dimension_semantics<subcore_parallel>], iteration_bounds = array<i64: 2, 16>, scalar_prefetch = 0 : i64, scratch_operands = 13 : i64, tpu.core_type = #tpu.core_type<sc_vector_subcore>, window_params = [{transform_indices = #map}, {transform_indices = #map1}, {transform_indices = #map}]} {
    %mul3A = arith.constant 2 : i32
    %mul3A_0 = arith.muli %arg1, %mul3A : i32
    %add3A = arith.addi %mul3A_0, %arg0 : i32
    %mul3A_1 = arith.constant 1024 : i32
    %mul3A_2 = arith.muli %add3A, %mul3A_1 : i32
    "tpu.region"() ({
      %run_scoped3A = tpu.sem_alloc : memref<!tpu.dma_semaphore, #tpu.memory_space<semaphore_mem>>
      %dma_start3A_193 = arith.constant 0 : i32
      %dma_start3A_194 = arith.constant 0 : i32
      %dma_start3A_195 = tpu.memref_slice %arg3[%add3A, %dma_start3A_193, %dma_start3A_194] : memref<32x8x128xi32, #tpu.memory_space<hbm>> -> memref<1x8x128xi32, #tpu.memory_space<hbm>>
      %dma_start3A_196 = tpu.memref_squeeze %dma_start3A_195 : memref<1x8x128xi32, #tpu.memory_space<hbm>> -> memref<8x128xi32, #tpu.memory_space<hbm>>
      %dma_start3A_197 = arith.constant 0 : i32
      %dma_start3A_198 = arith.constant 0 : i32
      %dma_start3A_199 = tpu.memref_slice %arg3[%add3A, %dma_start3A_197, %dma_start3A_198] : memref<32x8x128xi32, #tpu.memory_space<hbm>> -> memref<1x8x128xi32, #tpu.memory_space<hbm>>
      %dma_start3A_200 = tpu.memref_squeeze %dma_start3A_199 : memref<1x8x128xi32, #tpu.memory_space<hbm>> -> memref<8x128xi32, #tpu.memory_space<hbm>>
      tpu.enqueue_dma source(%dma_start3A_200 : memref<8x128xi32, #tpu.memory_space<hbm>>) target(%arg5 : memref<8x128xi32, #tpu.memory_space<vmem>>) target_semaphore(%run_scoped3A : memref<!tpu.dma_semaphore, #tpu.memory_space<semaphore_mem>>)
      %dma_wait3A_201 = arith.constant 0 : i32
      %dma_wait3A_202 = arith.constant 0 : i32
      %dma_wait3A_203 = tpu.memref_slice %arg3[%add3A, %dma_wait3A_201, %dma_wait3A_202] : memref<32x8x128xi32, #tpu.memory_space<hbm>> -> memref<1x8x128xi32, #tpu.memory_space<hbm>>
      %dma_wait3A_204 = tpu.memref_squeeze %dma_wait3A_203 : memref<1x8x128xi32, #tpu.memory_space<hbm>> -> memref<8x128xi32, #tpu.memory_space<hbm>>
      %dma_wait3A_205 = arith.constant 0 : i32
      %dma_wait3A_206 = arith.constant 0 : i32
      %dma_wait3A_207 = tpu.memref_slice %arg3[%add3A, %dma_wait3A_205, %dma_wait3A_206] : memref<32x8x128xi32, #tpu.memory_space<hbm>> -> memref<1x8x128xi32, #tpu.memory_space<hbm>>
      %dma_wait3A_208 = tpu.memref_squeeze %dma_wait3A_207 : memref<1x8x128xi32, #tpu.memory_space<hbm>> -> memref<8x128xi32, #tpu.memory_space<hbm>>
      tpu.wait_dma2 semaphore(%run_scoped3A : memref<!tpu.dma_semaphore, #tpu.memory_space<semaphore_mem>>) src(%dma_wait3A_208 : memref<8x128xi32, #tpu.memory_space<hbm>>) dst(%arg5 : memref<8x128xi32, #tpu.memory_space<vmem>>)
      tpu.yield
    }) : () -> ()
    %dma_start3A = arith.constant 0 : i32
    %dma_start3A_3 = arith.constant 0 : i32
    %dma_start3A_4 = tpu.memref_slice %arg5[%dma_start3A, %dma_start3A_3] : memref<8x128xi32, #tpu.memory_space<vmem>> -> memref<1x128xi32, #tpu.memory_space<vmem>>
    %dma_start3A_5 = tpu.memref_squeeze %dma_start3A_4 : memref<1x128xi32, #tpu.memory_space<vmem>> -> memref<128xi32, #tpu.memory_space<vmem>>
    %dma_start3A_6 = arith.constant 0 : i32
    %dma_start3A_7 = arith.constant 0 : i32
    %dma_start3A_8 = tpu.memref_slice %arg2[%dma_start3A_6, %dma_start3A_7] : memref<32768x128xf32, #tpu.memory_space<hbm>> -> memref<32768x128xf32, #tpu.memory_space<hbm>>
    tpu.enqueue_indirect_dma source(%dma_start3A_8 : memref<32768x128xf32, #tpu.memory_space<hbm>>) target(%arg6 : memref<128x128xf32, #tpu.memory_space<vmem>>) offsets(%dma_start3A_5 : memref<128xi32, #tpu.memory_space<vmem>>) semaphore(%arg14 : memref<!tpu.dma_semaphore, #tpu.memory_space<semaphore_mem>>)
    %dma_start3A_9 = arith.constant 1 : i32
    %dma_start3A_10 = arith.constant 0 : i32
    %dma_start3A_11 = tpu.memref_slice %arg5[%dma_start3A_9, %dma_start3A_10] : memref<8x128xi32, #tpu.memory_space<vmem>> -> memref<1x128xi32, #tpu.memory_space<vmem>>
    %dma_start3A_12 = tpu.memref_squeeze %dma_start3A_11 : memref<1x128xi32, #tpu.memory_space<vmem>> -> memref<128xi32, #tpu.memory_space<vmem>>
    %dma_start3A_13 = arith.constant 0 : i32
    %dma_start3A_14 = arith.constant 0 : i32
    %dma_start3A_15 = tpu.memref_slice %arg2[%dma_start3A_13, %dma_start3A_14] : memref<32768x128xf32, #tpu.memory_space<hbm>> -> memref<32768x128xf32, #tpu.memory_space<hbm>>
    tpu.enqueue_indirect_dma source(%dma_start3A_15 : memref<32768x128xf32, #tpu.memory_space<hbm>>) target(%arg7 : memref<128x128xf32, #tpu.memory_space<vmem>>) offsets(%dma_start3A_12 : memref<128xi32, #tpu.memory_space<vmem>>) semaphore(%arg15 : memref<!tpu.dma_semaphore, #tpu.memory_space<semaphore_mem>>)
    %dma_wait3A = arith.constant 0 : i32
    %dma_wait3A_16 = arith.constant 0 : i32
    %dma_wait3A_17 = tpu.memref_slice %arg5[%dma_wait3A, %dma_wait3A_16] : memref<8x128xi32, #tpu.memory_space<vmem>> -> memref<1x128xi32, #tpu.memory_space<vmem>>
    %dma_wait3A_18 = tpu.memref_squeeze %dma_wait3A_17 : memref<1x128xi32, #tpu.memory_space<vmem>> -> memref<128xi32, #tpu.memory_space<vmem>>
    %dma_wait3A_19 = arith.constant 0 : i32
    %dma_wait3A_20 = arith.constant 0 : i32
    %dma_wait3A_21 = tpu.memref_slice %arg2[%dma_wait3A_19, %dma_wait3A_20] : memref<32768x128xf32, #tpu.memory_space<hbm>> -> memref<32768x128xf32, #tpu.memory_space<hbm>>
    tpu.wait_indirect_dma semaphore(%arg14 : memref<!tpu.dma_semaphore, #tpu.memory_space<semaphore_mem>>) src(%dma_wait3A_21 : memref<32768x128xf32, #tpu.memory_space<hbm>>) dst(%arg6 : memref<128x128xf32, #tpu.memory_space<vmem>>)
    %add3A_22 = arith.constant 0 : i32
    %add3A_23 = arith.addi %mul3A_2, %add3A_22 : i32
    %dma_start3A_24 = arith.constant 0 : i32
    %dma_start3A_25 = tpu.memref_slice %arg4[%add3A_23, %dma_start3A_24] : memref<32768x128xf32, #tpu.memory_space<hbm>> -> memref<128x128xf32, #tpu.memory_space<hbm>>
    %dma_start3A_26 = arith.constant 0 : i32
    %dma_start3A_27 = tpu.memref_slice %arg4[%add3A_23, %dma_start3A_26] : memref<32768x128xf32, #tpu.memory_space<hbm>> -> memref<128x128xf32, #tpu.memory_space<hbm>>
    tpu.enqueue_dma source(%arg6 : memref<128x128xf32, #tpu.memory_space<vmem>>) target(%dma_start3A_27 : memref<128x128xf32, #tpu.memory_space<hbm>>) target_semaphore(%arg10 : memref<!tpu.dma_semaphore, #tpu.memory_space<semaphore_mem>>)
    %dma_start3A_28 = arith.constant 2 : i32
    %dma_start3A_29 = arith.constant 0 : i32
    %dma_start3A_30 = tpu.memref_slice %arg5[%dma_start3A_28, %dma_start3A_29] : memref<8x128xi32, #tpu.memory_space<vmem>> -> memref<1x128xi32, #tpu.memory_space<vmem>>
    %dma_start3A_31 = tpu.memref_squeeze %dma_start3A_30 : memref<1x128xi32, #tpu.memory_space<vmem>> -> memref<128xi32, #tpu.memory_space<vmem>>
    %dma_start3A_32 = arith.constant 0 : i32
    %dma_start3A_33 = arith.constant 0 : i32
    %dma_start3A_34 = tpu.memref_slice %arg2[%dma_start3A_32, %dma_start3A_33] : memref<32768x128xf32, #tpu.memory_space<hbm>> -> memref<32768x128xf32, #tpu.memory_space<hbm>>
    tpu.enqueue_indirect_dma source(%dma_start3A_34 : memref<32768x128xf32, #tpu.memory_space<hbm>>) target(%arg8 : memref<128x128xf32, #tpu.memory_space<vmem>>) offsets(%dma_start3A_31 : memref<128xi32, #tpu.memory_space<vmem>>) semaphore(%arg16 : memref<!tpu.dma_semaphore, #tpu.memory_space<semaphore_mem>>)
    %dma_wait3A_35 = arith.constant 1 : i32
    %dma_wait3A_36 = arith.constant 0 : i32
    %dma_wait3A_37 = tpu.memref_slice %arg5[%dma_wait3A_35, %dma_wait3A_36] : memref<8x128xi32, #tpu.memory_space<vmem>> -> memref<1x128xi32, #tpu.memory_space<vmem>>
    %dma_wait3A_38 = tpu.memref_squeeze %dma_wait3A_37 : memref<1x128xi32, #tpu.memory_space<vmem>> -> memref<128xi32, #tpu.memory_space<vmem>>
    %dma_wait3A_39 = arith.constant 0 : i32
    %dma_wait3A_40 = arith.constant 0 : i32
    %dma_wait3A_41 = tpu.memref_slice %arg2[%dma_wait3A_39, %dma_wait3A_40] : memref<32768x128xf32, #tpu.memory_space<hbm>> -> memref<32768x128xf32, #tpu.memory_space<hbm>>
    tpu.wait_indirect_dma semaphore(%arg15 : memref<!tpu.dma_semaphore, #tpu.memory_space<semaphore_mem>>) src(%dma_wait3A_41 : memref<32768x128xf32, #tpu.memory_space<hbm>>) dst(%arg7 : memref<128x128xf32, #tpu.memory_space<vmem>>)
    %add3A_42 = arith.constant 128 : i32
    %add3A_43 = arith.addi %mul3A_2, %add3A_42 : i32
    %dma_start3A_44 = arith.constant 0 : i32
    %dma_start3A_45 = tpu.memref_slice %arg4[%add3A_43, %dma_start3A_44] : memref<32768x128xf32, #tpu.memory_space<hbm>> -> memref<128x128xf32, #tpu.memory_space<hbm>>
    %dma_start3A_46 = arith.constant 0 : i32
    %dma_start3A_47 = tpu.memref_slice %arg4[%add3A_43, %dma_start3A_46] : memref<32768x128xf32, #tpu.memory_space<hbm>> -> memref<128x128xf32, #tpu.memory_space<hbm>>
    tpu.enqueue_dma source(%arg7 : memref<128x128xf32, #tpu.memory_space<vmem>>) target(%dma_start3A_47 : memref<128x128xf32, #tpu.memory_space<hbm>>) target_semaphore(%arg11 : memref<!tpu.dma_semaphore, #tpu.memory_space<semaphore_mem>>)
    %dma_start3A_48 = arith.constant 3 : i32
    %dma_start3A_49 = arith.constant 0 : i32
    %dma_start3A_50 = tpu.memref_slice %arg5[%dma_start3A_48, %dma_start3A_49] : memref<8x128xi32, #tpu.memory_space<vmem>> -> memref<1x128xi32, #tpu.memory_space<vmem>>
    %dma_start3A_51 = tpu.memref_squeeze %dma_start3A_50 : memref<1x128xi32, #tpu.memory_space<vmem>> -> memref<128xi32, #tpu.memory_space<vmem>>
    %dma_start3A_52 = arith.constant 0 : i32
    %dma_start3A_53 = arith.constant 0 : i32
    %dma_start3A_54 = tpu.memref_slice %arg2[%dma_start3A_52, %dma_start3A_53] : memref<32768x128xf32, #tpu.memory_space<hbm>> -> memref<32768x128xf32, #tpu.memory_space<hbm>>
    tpu.enqueue_indirect_dma source(%dma_start3A_54 : memref<32768x128xf32, #tpu.memory_space<hbm>>) target(%arg9 : memref<128x128xf32, #tpu.memory_space<vmem>>) offsets(%dma_start3A_51 : memref<128xi32, #tpu.memory_space<vmem>>) semaphore(%arg17 : memref<!tpu.dma_semaphore, #tpu.memory_space<semaphore_mem>>)
    %dma_wait3A_55 = arith.constant 2 : i32
    %dma_wait3A_56 = arith.constant 0 : i32
    %dma_wait3A_57 = tpu.memref_slice %arg5[%dma_wait3A_55, %dma_wait3A_56] : memref<8x128xi32, #tpu.memory_space<vmem>> -> memref<1x128xi32, #tpu.memory_space<vmem>>
    %dma_wait3A_58 = tpu.memref_squeeze %dma_wait3A_57 : memref<1x128xi32, #tpu.memory_space<vmem>> -> memref<128xi32, #tpu.memory_space<vmem>>
    %dma_wait3A_59 = arith.constant 0 : i32
    %dma_wait3A_60 = arith.constant 0 : i32
    %dma_wait3A_61 = tpu.memref_slice %arg2[%dma_wait3A_59, %dma_wait3A_60] : memref<32768x128xf32, #tpu.memory_space<hbm>> -> memref<32768x128xf32, #tpu.memory_space<hbm>>
    tpu.wait_indirect_dma semaphore(%arg16 : memref<!tpu.dma_semaphore, #tpu.memory_space<semaphore_mem>>) src(%dma_wait3A_61 : memref<32768x128xf32, #tpu.memory_space<hbm>>) dst(%arg8 : memref<128x128xf32, #tpu.memory_space<vmem>>)
    %add3A_62 = arith.constant 256 : i32
    %add3A_63 = arith.addi %mul3A_2, %add3A_62 : i32
    %dma_start3A_64 = arith.constant 0 : i32
    %dma_start3A_65 = tpu.memref_slice %arg4[%add3A_63, %dma_start3A_64] : memref<32768x128xf32, #tpu.memory_space<hbm>> -> memref<128x128xf32, #tpu.memory_space<hbm>>
    %dma_start3A_66 = arith.constant 0 : i32
    %dma_start3A_67 = tpu.memref_slice %arg4[%add3A_63, %dma_start3A_66] : memref<32768x128xf32, #tpu.memory_space<hbm>> -> memref<128x128xf32, #tpu.memory_space<hbm>>
    tpu.enqueue_dma source(%arg8 : memref<128x128xf32, #tpu.memory_space<vmem>>) target(%dma_start3A_67 : memref<128x128xf32, #tpu.memory_space<hbm>>) target_semaphore(%arg12 : memref<!tpu.dma_semaphore, #tpu.memory_space<semaphore_mem>>)
    %dma_wait3A_68 = arith.constant 0 : i32
    %dma_wait3A_69 = tpu.memref_slice %arg4[%add3A_23, %dma_wait3A_68] : memref<32768x128xf32, #tpu.memory_space<hbm>> -> memref<128x128xf32, #tpu.memory_space<hbm>>
    %dma_wait3A_70 = arith.constant 0 : i32
    %dma_wait3A_71 = tpu.memref_slice %arg4[%add3A_23, %dma_wait3A_70] : memref<32768x128xf32, #tpu.memory_space<hbm>> -> memref<128x128xf32, #tpu.memory_space<hbm>>
    tpu.wait_dma2 semaphore(%arg10 : memref<!tpu.dma_semaphore, #tpu.memory_space<semaphore_mem>>) src(%arg6 : memref<128x128xf32, #tpu.memory_space<vmem>>) dst(%dma_wait3A_71 : memref<128x128xf32, #tpu.memory_space<hbm>>)
    %dma_start3A_72 = arith.constant 4 : i32
    %dma_start3A_73 = arith.constant 0 : i32
    %dma_start3A_74 = tpu.memref_slice %arg5[%dma_start3A_72, %dma_start3A_73] : memref<8x128xi32, #tpu.memory_space<vmem>> -> memref<1x128xi32, #tpu.memory_space<vmem>>
    %dma_start3A_75 = tpu.memref_squeeze %dma_start3A_74 : memref<1x128xi32, #tpu.memory_space<vmem>> -> memref<128xi32, #tpu.memory_space<vmem>>
    %dma_start3A_76 = arith.constant 0 : i32
    %dma_start3A_77 = arith.constant 0 : i32
    %dma_start3A_78 = tpu.memref_slice %arg2[%dma_start3A_76, %dma_start3A_77] : memref<32768x128xf32, #tpu.memory_space<hbm>> -> memref<32768x128xf32, #tpu.memory_space<hbm>>
    tpu.enqueue_indirect_dma source(%dma_start3A_78 : memref<32768x128xf32, #tpu.memory_space<hbm>>) target(%arg6 : memref<128x128xf32, #tpu.memory_space<vmem>>) offsets(%dma_start3A_75 : memref<128xi32, #tpu.memory_space<vmem>>) semaphore(%arg14 : memref<!tpu.dma_semaphore, #tpu.memory_space<semaphore_mem>>)
    %dma_wait3A_79 = arith.constant 3 : i32
    %dma_wait3A_80 = arith.constant 0 : i32
    %dma_wait3A_81 = tpu.memref_slice %arg5[%dma_wait3A_79, %dma_wait3A_80] : memref<8x128xi32, #tpu.memory_space<vmem>> -> memref<1x128xi32, #tpu.memory_space<vmem>>
    %dma_wait3A_82 = tpu.memref_squeeze %dma_wait3A_81 : memref<1x128xi32, #tpu.memory_space<vmem>> -> memref<128xi32, #tpu.memory_space<vmem>>
    %dma_wait3A_83 = arith.constant 0 : i32
    %dma_wait3A_84 = arith.constant 0 : i32
    %dma_wait3A_85 = tpu.memref_slice %arg2[%dma_wait3A_83, %dma_wait3A_84] : memref<32768x128xf32, #tpu.memory_space<hbm>> -> memref<32768x128xf32, #tpu.memory_space<hbm>>
    tpu.wait_indirect_dma semaphore(%arg17 : memref<!tpu.dma_semaphore, #tpu.memory_space<semaphore_mem>>) src(%dma_wait3A_85 : memref<32768x128xf32, #tpu.memory_space<hbm>>) dst(%arg9 : memref<128x128xf32, #tpu.memory_space<vmem>>)
    %add3A_86 = arith.constant 384 : i32
    %add3A_87 = arith.addi %mul3A_2, %add3A_86 : i32
    %dma_start3A_88 = arith.constant 0 : i32
    %dma_start3A_89 = tpu.memref_slice %arg4[%add3A_87, %dma_start3A_88] : memref<32768x128xf32, #tpu.memory_space<hbm>> -> memref<128x128xf32, #tpu.memory_space<hbm>>
    %dma_start3A_90 = arith.constant 0 : i32
    %dma_start3A_91 = tpu.memref_slice %arg4[%add3A_87, %dma_start3A_90] : memref<32768x128xf32, #tpu.memory_space<hbm>> -> memref<128x128xf32, #tpu.memory_space<hbm>>
    tpu.enqueue_dma source(%arg9 : memref<128x128xf32, #tpu.memory_space<vmem>>) target(%dma_start3A_91 : memref<128x128xf32, #tpu.memory_space<hbm>>) target_semaphore(%arg13 : memref<!tpu.dma_semaphore, #tpu.memory_space<semaphore_mem>>)
    %dma_wait3A_92 = arith.constant 0 : i32
    %dma_wait3A_93 = tpu.memref_slice %arg4[%add3A_43, %dma_wait3A_92] : memref<32768x128xf32, #tpu.memory_space<hbm>> -> memref<128x128xf32, #tpu.memory_space<hbm>>
    %dma_wait3A_94 = arith.constant 0 : i32
    %dma_wait3A_95 = tpu.memref_slice %arg4[%add3A_43, %dma_wait3A_94] : memref<32768x128xf32, #tpu.memory_space<hbm>> -> memref<128x128xf32, #tpu.memory_space<hbm>>
    tpu.wait_dma2 semaphore(%arg11 : memref<!tpu.dma_semaphore, #tpu.memory_space<semaphore_mem>>) src(%arg7 : memref<128x128xf32, #tpu.memory_space<vmem>>) dst(%dma_wait3A_95 : memref<128x128xf32, #tpu.memory_space<hbm>>)
    %dma_start3A_96 = arith.constant 5 : i32
    %dma_start3A_97 = arith.constant 0 : i32
    %dma_start3A_98 = tpu.memref_slice %arg5[%dma_start3A_96, %dma_start3A_97] : memref<8x128xi32, #tpu.memory_space<vmem>> -> memref<1x128xi32, #tpu.memory_space<vmem>>
    %dma_start3A_99 = tpu.memref_squeeze %dma_start3A_98 : memref<1x128xi32, #tpu.memory_space<vmem>> -> memref<128xi32, #tpu.memory_space<vmem>>
    %dma_start3A_100 = arith.constant 0 : i32
    %dma_start3A_101 = arith.constant 0 : i32
    %dma_start3A_102 = tpu.memref_slice %arg2[%dma_start3A_100, %dma_start3A_101] : memref<32768x128xf32, #tpu.memory_space<hbm>> -> memref<32768x128xf32, #tpu.memory_space<hbm>>
    tpu.enqueue_indirect_dma source(%dma_start3A_102 : memref<32768x128xf32, #tpu.memory_space<hbm>>) target(%arg7 : memref<128x128xf32, #tpu.memory_space<vmem>>) offsets(%dma_start3A_99 : memref<128xi32, #tpu.memory_space<vmem>>) semaphore(%arg15 : memref<!tpu.dma_semaphore, #tpu.memory_space<semaphore_mem>>)
    %dma_wait3A_103 = arith.constant 4 : i32
    %dma_wait3A_104 = arith.constant 0 : i32
    %dma_wait3A_105 = tpu.memref_slice %arg5[%dma_wait3A_103, %dma_wait3A_104] : memref<8x128xi32, #tpu.memory_space<vmem>> -> memref<1x128xi32, #tpu.memory_space<vmem>>
    %dma_wait3A_106 = tpu.memref_squeeze %dma_wait3A_105 : memref<1x128xi32, #tpu.memory_space<vmem>> -> memref<128xi32, #tpu.memory_space<vmem>>
    %dma_wait3A_107 = arith.constant 0 : i32
    %dma_wait3A_108 = arith.constant 0 : i32
    %dma_wait3A_109 = tpu.memref_slice %arg2[%dma_wait3A_107, %dma_wait3A_108] : memref<32768x128xf32, #tpu.memory_space<hbm>> -> memref<32768x128xf32, #tpu.memory_space<hbm>>
    tpu.wait_indirect_dma semaphore(%arg14 : memref<!tpu.dma_semaphore, #tpu.memory_space<semaphore_mem>>) src(%dma_wait3A_109 : memref<32768x128xf32, #tpu.memory_space<hbm>>) dst(%arg6 : memref<128x128xf32, #tpu.memory_space<vmem>>)
    %add3A_110 = arith.constant 512 : i32
    %add3A_111 = arith.addi %mul3A_2, %add3A_110 : i32
    %dma_start3A_112 = arith.constant 0 : i32
    %dma_start3A_113 = tpu.memref_slice %arg4[%add3A_111, %dma_start3A_112] : memref<32768x128xf32, #tpu.memory_space<hbm>> -> memref<128x128xf32, #tpu.memory_space<hbm>>
    %dma_start3A_114 = arith.constant 0 : i32
    %dma_start3A_115 = tpu.memref_slice %arg4[%add3A_111, %dma_start3A_114] : memref<32768x128xf32, #tpu.memory_space<hbm>> -> memref<128x128xf32, #tpu.memory_space<hbm>>
    tpu.enqueue_dma source(%arg6 : memref<128x128xf32, #tpu.memory_space<vmem>>) target(%dma_start3A_115 : memref<128x128xf32, #tpu.memory_space<hbm>>) target_semaphore(%arg10 : memref<!tpu.dma_semaphore, #tpu.memory_space<semaphore_mem>>)
    %dma_wait3A_116 = arith.constant 0 : i32
    %dma_wait3A_117 = tpu.memref_slice %arg4[%add3A_63, %dma_wait3A_116] : memref<32768x128xf32, #tpu.memory_space<hbm>> -> memref<128x128xf32, #tpu.memory_space<hbm>>
    %dma_wait3A_118 = arith.constant 0 : i32
    %dma_wait3A_119 = tpu.memref_slice %arg4[%add3A_63, %dma_wait3A_118] : memref<32768x128xf32, #tpu.memory_space<hbm>> -> memref<128x128xf32, #tpu.memory_space<hbm>>
    tpu.wait_dma2 semaphore(%arg12 : memref<!tpu.dma_semaphore, #tpu.memory_space<semaphore_mem>>) src(%arg8 : memref<128x128xf32, #tpu.memory_space<vmem>>) dst(%dma_wait3A_119 : memref<128x128xf32, #tpu.memory_space<hbm>>)
    %dma_start3A_120 = arith.constant 6 : i32
    %dma_start3A_121 = arith.constant 0 : i32
    %dma_start3A_122 = tpu.memref_slice %arg5[%dma_start3A_120, %dma_start3A_121] : memref<8x128xi32, #tpu.memory_space<vmem>> -> memref<1x128xi32, #tpu.memory_space<vmem>>
    %dma_start3A_123 = tpu.memref_squeeze %dma_start3A_122 : memref<1x128xi32, #tpu.memory_space<vmem>> -> memref<128xi32, #tpu.memory_space<vmem>>
    %dma_start3A_124 = arith.constant 0 : i32
    %dma_start3A_125 = arith.constant 0 : i32
    %dma_start3A_126 = tpu.memref_slice %arg2[%dma_start3A_124, %dma_start3A_125] : memref<32768x128xf32, #tpu.memory_space<hbm>> -> memref<32768x128xf32, #tpu.memory_space<hbm>>
    tpu.enqueue_indirect_dma source(%dma_start3A_126 : memref<32768x128xf32, #tpu.memory_space<hbm>>) target(%arg8 : memref<128x128xf32, #tpu.memory_space<vmem>>) offsets(%dma_start3A_123 : memref<128xi32, #tpu.memory_space<vmem>>) semaphore(%arg16 : memref<!tpu.dma_semaphore, #tpu.memory_space<semaphore_mem>>)
    %dma_wait3A_127 = arith.constant 5 : i32
    %dma_wait3A_128 = arith.constant 0 : i32
    %dma_wait3A_129 = tpu.memref_slice %arg5[%dma_wait3A_127, %dma_wait3A_128] : memref<8x128xi32, #tpu.memory_space<vmem>> -> memref<1x128xi32, #tpu.memory_space<vmem>>
    %dma_wait3A_130 = tpu.memref_squeeze %dma_wait3A_129 : memref<1x128xi32, #tpu.memory_space<vmem>> -> memref<128xi32, #tpu.memory_space<vmem>>
    %dma_wait3A_131 = arith.constant 0 : i32
    %dma_wait3A_132 = arith.constant 0 : i32
    %dma_wait3A_133 = tpu.memref_slice %arg2[%dma_wait3A_131, %dma_wait3A_132] : memref<32768x128xf32, #tpu.memory_space<hbm>> -> memref<32768x128xf32, #tpu.memory_space<hbm>>
    tpu.wait_indirect_dma semaphore(%arg15 : memref<!tpu.dma_semaphore, #tpu.memory_space<semaphore_mem>>) src(%dma_wait3A_133 : memref<32768x128xf32, #tpu.memory_space<hbm>>) dst(%arg7 : memref<128x128xf32, #tpu.memory_space<vmem>>)
    %add3A_134 = arith.constant 640 : i32
    %add3A_135 = arith.addi %mul3A_2, %add3A_134 : i32
    %dma_start3A_136 = arith.constant 0 : i32
    %dma_start3A_137 = tpu.memref_slice %arg4[%add3A_135, %dma_start3A_136] : memref<32768x128xf32, #tpu.memory_space<hbm>> -> memref<128x128xf32, #tpu.memory_space<hbm>>
    %dma_start3A_138 = arith.constant 0 : i32
    %dma_start3A_139 = tpu.memref_slice %arg4[%add3A_135, %dma_start3A_138] : memref<32768x128xf32, #tpu.memory_space<hbm>> -> memref<128x128xf32, #tpu.memory_space<hbm>>
    tpu.enqueue_dma source(%arg7 : memref<128x128xf32, #tpu.memory_space<vmem>>) target(%dma_start3A_139 : memref<128x128xf32, #tpu.memory_space<hbm>>) target_semaphore(%arg11 : memref<!tpu.dma_semaphore, #tpu.memory_space<semaphore_mem>>)
    %dma_wait3A_140 = arith.constant 0 : i32
    %dma_wait3A_141 = tpu.memref_slice %arg4[%add3A_87, %dma_wait3A_140] : memref<32768x128xf32, #tpu.memory_space<hbm>> -> memref<128x128xf32, #tpu.memory_space<hbm>>
    %dma_wait3A_142 = arith.constant 0 : i32
    %dma_wait3A_143 = tpu.memref_slice %arg4[%add3A_87, %dma_wait3A_142] : memref<32768x128xf32, #tpu.memory_space<hbm>> -> memref<128x128xf32, #tpu.memory_space<hbm>>
    tpu.wait_dma2 semaphore(%arg13 : memref<!tpu.dma_semaphore, #tpu.memory_space<semaphore_mem>>) src(%arg9 : memref<128x128xf32, #tpu.memory_space<vmem>>) dst(%dma_wait3A_143 : memref<128x128xf32, #tpu.memory_space<hbm>>)
    %dma_start3A_144 = arith.constant 7 : i32
    %dma_start3A_145 = arith.constant 0 : i32
    %dma_start3A_146 = tpu.memref_slice %arg5[%dma_start3A_144, %dma_start3A_145] : memref<8x128xi32, #tpu.memory_space<vmem>> -> memref<1x128xi32, #tpu.memory_space<vmem>>
    %dma_start3A_147 = tpu.memref_squeeze %dma_start3A_146 : memref<1x128xi32, #tpu.memory_space<vmem>> -> memref<128xi32, #tpu.memory_space<vmem>>
    %dma_start3A_148 = arith.constant 0 : i32
    %dma_start3A_149 = arith.constant 0 : i32
    %dma_start3A_150 = tpu.memref_slice %arg2[%dma_start3A_148, %dma_start3A_149] : memref<32768x128xf32, #tpu.memory_space<hbm>> -> memref<32768x128xf32, #tpu.memory_space<hbm>>
    tpu.enqueue_indirect_dma source(%dma_start3A_150 : memref<32768x128xf32, #tpu.memory_space<hbm>>) target(%arg9 : memref<128x128xf32, #tpu.memory_space<vmem>>) offsets(%dma_start3A_147 : memref<128xi32, #tpu.memory_space<vmem>>) semaphore(%arg17 : memref<!tpu.dma_semaphore, #tpu.memory_space<semaphore_mem>>)
    %dma_wait3A_151 = arith.constant 6 : i32
    %dma_wait3A_152 = arith.constant 0 : i32
    %dma_wait3A_153 = tpu.memref_slice %arg5[%dma_wait3A_151, %dma_wait3A_152] : memref<8x128xi32, #tpu.memory_space<vmem>> -> memref<1x128xi32, #tpu.memory_space<vmem>>
    %dma_wait3A_154 = tpu.memref_squeeze %dma_wait3A_153 : memref<1x128xi32, #tpu.memory_space<vmem>> -> memref<128xi32, #tpu.memory_space<vmem>>
    %dma_wait3A_155 = arith.constant 0 : i32
    %dma_wait3A_156 = arith.constant 0 : i32
    %dma_wait3A_157 = tpu.memref_slice %arg2[%dma_wait3A_155, %dma_wait3A_156] : memref<32768x128xf32, #tpu.memory_space<hbm>> -> memref<32768x128xf32, #tpu.memory_space<hbm>>
    tpu.wait_indirect_dma semaphore(%arg16 : memref<!tpu.dma_semaphore, #tpu.memory_space<semaphore_mem>>) src(%dma_wait3A_157 : memref<32768x128xf32, #tpu.memory_space<hbm>>) dst(%arg8 : memref<128x128xf32, #tpu.memory_space<vmem>>)
    %add3A_158 = arith.constant 768 : i32
    %add3A_159 = arith.addi %mul3A_2, %add3A_158 : i32
    %dma_start3A_160 = arith.constant 0 : i32
    %dma_start3A_161 = tpu.memref_slice %arg4[%add3A_159, %dma_start3A_160] : memref<32768x128xf32, #tpu.memory_space<hbm>> -> memref<128x128xf32, #tpu.memory_space<hbm>>
    %dma_start3A_162 = arith.constant 0 : i32
    %dma_start3A_163 = tpu.memref_slice %arg4[%add3A_159, %dma_start3A_162] : memref<32768x128xf32, #tpu.memory_space<hbm>> -> memref<128x128xf32, #tpu.memory_space<hbm>>
    tpu.enqueue_dma source(%arg8 : memref<128x128xf32, #tpu.memory_space<vmem>>) target(%dma_start3A_163 : memref<128x128xf32, #tpu.memory_space<hbm>>) target_semaphore(%arg12 : memref<!tpu.dma_semaphore, #tpu.memory_space<semaphore_mem>>)
    %dma_wait3A_164 = arith.constant 0 : i32
    %dma_wait3A_165 = tpu.memref_slice %arg4[%add3A_111, %dma_wait3A_164] : memref<32768x128xf32, #tpu.memory_space<hbm>> -> memref<128x128xf32, #tpu.memory_space<hbm>>
    %dma_wait3A_166 = arith.constant 0 : i32
    %dma_wait3A_167 = tpu.memref_slice %arg4[%add3A_111, %dma_wait3A_166] : memref<32768x128xf32, #tpu.memory_space<hbm>> -> memref<128x128xf32, #tpu.memory_space<hbm>>
    tpu.wait_dma2 semaphore(%arg10 : memref<!tpu.dma_semaphore, #tpu.memory_space<semaphore_mem>>) src(%arg6 : memref<128x128xf32, #tpu.memory_space<vmem>>) dst(%dma_wait3A_167 : memref<128x128xf32, #tpu.memory_space<hbm>>)
    %dma_wait3A_168 = arith.constant 7 : i32
    %dma_wait3A_169 = arith.constant 0 : i32
    %dma_wait3A_170 = tpu.memref_slice %arg5[%dma_wait3A_168, %dma_wait3A_169] : memref<8x128xi32, #tpu.memory_space<vmem>> -> memref<1x128xi32, #tpu.memory_space<vmem>>
    %dma_wait3A_171 = tpu.memref_squeeze %dma_wait3A_170 : memref<1x128xi32, #tpu.memory_space<vmem>> -> memref<128xi32, #tpu.memory_space<vmem>>
    %dma_wait3A_172 = arith.constant 0 : i32
    %dma_wait3A_173 = arith.constant 0 : i32
    %dma_wait3A_174 = tpu.memref_slice %arg2[%dma_wait3A_172, %dma_wait3A_173] : memref<32768x128xf32, #tpu.memory_space<hbm>> -> memref<32768x128xf32, #tpu.memory_space<hbm>>
    tpu.wait_indirect_dma semaphore(%arg17 : memref<!tpu.dma_semaphore, #tpu.memory_space<semaphore_mem>>) src(%dma_wait3A_174 : memref<32768x128xf32, #tpu.memory_space<hbm>>) dst(%arg9 : memref<128x128xf32, #tpu.memory_space<vmem>>)
    %add3A_175 = arith.constant 896 : i32
    %add3A_176 = arith.addi %mul3A_2, %add3A_175 : i32
    %dma_start3A_177 = arith.constant 0 : i32
    %dma_start3A_178 = tpu.memref_slice %arg4[%add3A_176, %dma_start3A_177] : memref<32768x128xf32, #tpu.memory_space<hbm>> -> memref<128x128xf32, #tpu.memory_space<hbm>>
    %dma_start3A_179 = arith.constant 0 : i32
    %dma_start3A_180 = tpu.memref_slice %arg4[%add3A_176, %dma_start3A_179] : memref<32768x128xf32, #tpu.memory_space<hbm>> -> memref<128x128xf32, #tpu.memory_space<hbm>>
    tpu.enqueue_dma source(%arg9 : memref<128x128xf32, #tpu.memory_space<vmem>>) target(%dma_start3A_180 : memref<128x128xf32, #tpu.memory_space<hbm>>) target_semaphore(%arg13 : memref<!tpu.dma_semaphore, #tpu.memory_space<semaphore_mem>>)
    %dma_wait3A_181 = arith.constant 0 : i32
    %dma_wait3A_182 = tpu.memref_slice %arg4[%add3A_135, %dma_wait3A_181] : memref<32768x128xf32, #tpu.memory_space<hbm>> -> memref<128x128xf32, #tpu.memory_space<hbm>>
    %dma_wait3A_183 = arith.constant 0 : i32
    %dma_wait3A_184 = tpu.memref_slice %arg4[%add3A_135, %dma_wait3A_183] : memref<32768x128xf32, #tpu.memory_space<hbm>> -> memref<128x128xf32, #tpu.memory_space<hbm>>
    tpu.wait_dma2 semaphore(%arg11 : memref<!tpu.dma_semaphore, #tpu.memory_space<semaphore_mem>>) src(%arg7 : memref<128x128xf32, #tpu.memory_space<vmem>>) dst(%dma_wait3A_184 : memref<128x128xf32, #tpu.memory_space<hbm>>)
    %dma_wait3A_185 = arith.constant 0 : i32
    %dma_wait3A_186 = tpu.memref_slice %arg4[%add3A_159, %dma_wait3A_185] : memref<32768x128xf32, #tpu.memory_space<hbm>> -> memref<128x128xf32, #tpu.memory_space<hbm>>
    %dma_wait3A_187 = arith.constant 0 : i32
    %dma_wait3A_188 = tpu.memref_slice %arg4[%add3A_159, %dma_wait3A_187] : memref<32768x128xf32, #tpu.memory_space<hbm>> -> memref<128x128xf32, #tpu.memory_space<hbm>>
    tpu.wait_dma2 semaphore(%arg12 : memref<!tpu.dma_semaphore, #tpu.memory_space<semaphore_mem>>) src(%arg8 : memref<128x128xf32, #tpu.memory_space<vmem>>) dst(%dma_wait3A_188 : memref<128x128xf32, #tpu.memory_space<hbm>>)
    %dma_wait3A_189 = arith.constant 0 : i32
    %dma_wait3A_190 = tpu.memref_slice %arg4[%add3A_176, %dma_wait3A_189] : memref<32768x128xf32, #tpu.memory_space<hbm>> -> memref<128x128xf32, #tpu.memory_space<hbm>>
    %dma_wait3A_191 = arith.constant 0 : i32
    %dma_wait3A_192 = tpu.memref_slice %arg4[%add3A_176, %dma_wait3A_191] : memref<32768x128xf32, #tpu.memory_space<hbm>> -> memref<128x128xf32, #tpu.memory_space<hbm>>
    tpu.wait_dma2 semaphore(%arg13 : memref<!tpu.dma_semaphore, #tpu.memory_space<semaphore_mem>>) src(%arg9 : memref<128x128xf32, #tpu.memory_space<vmem>>) dst(%dma_wait3A_192 : memref<128x128xf32, #tpu.memory_space<hbm>>)
    return
  }
}

module attributes {stable_mosaic.version = 14 : i64} {
  func.func @_front_body(%arg0: i32, %arg1: memref<1x8192x1xi32, #tpu.memory_space<vmem>>, %arg2: memref<1x8192x1xi32, #tpu.memory_space<vmem>>) attributes {dimension_semantics = [#tpu.dimension_semantics<arbitrary>], iteration_bounds = array<i64: 4>, scalar_prefetch = 0 : i64, scratch_operands = 0 : i64, tpu.core_type = #tpu.core_type<tc>, window_params = [{transform_indices = @transform_0, window_bounds = array<i64: 1, 8192, 1>}, {transform_indices = @transform_1, window_bounds = array<i64: 1, 8192, 1>}]} {
    %get3A = arith.constant 0 : index
    %get3A_0 = arith.constant 0 : index
    %get3A_1 = arith.constant 0 : index
    %get3A_2 = vector.load %arg1[%get3A, %get3A_0, %get3A_1] : memref<1x8192x1xi32, #tpu.memory_space<vmem>>, vector<1x8192x1xi32>
    %get3A_3 = vector.shape_cast %get3A_2 : vector<1x8192x1xi32> to vector<8192x1xi32>
    %iota3A = tpu.iota {dimensions = array<i32: 1>} : vector<8192x64xi32>
    %eq3A = vector.broadcast %get3A_3 : vector<8192x1xi32> to vector<8192x64xi32>
    %eq3A_4 = arith.cmpi eq, %iota3A, %eq3A : vector<8192x64xi32>
    %jit3A = arith.constant 1.000000e+00 : f32
    %jit3A_5 = arith.constant 0.000000e+00 : f32
    %broadcast_in_dim3A = vector.broadcast %jit3A : f32 to vector<8192x64xf32>
    %broadcast_in_dim3A_6 = vector.broadcast %jit3A_5 : f32 to vector<8192x64xf32>
    %select_n3A = arith.select %eq3A_4, %broadcast_in_dim3A, %broadcast_in_dim3A_6 : vector<8192x64xi1>, vector<8192x64xf32>
    %iota3A_7 = tpu.iota {dimensions = array<i32: 0>} : vector<256x256xi32>
    %iota3A_8 = tpu.iota {dimensions = array<i32: 1>} : vector<256x256xi32>
    %ge3A = arith.cmpi sge, %iota3A_7, %iota3A_8 : vector<256x256xi32>
    %jit3A_9 = arith.constant 1.000000e+00 : f32
    %jit3A_10 = arith.constant 0.000000e+00 : f32
    %broadcast_in_dim3A_11 = vector.broadcast %jit3A_9 : f32 to vector<256x256xf32>
    %broadcast_in_dim3A_12 = vector.broadcast %jit3A_10 : f32 to vector<256x256xf32>
    %select_n3A_13 = arith.select %ge3A, %broadcast_in_dim3A_11, %broadcast_in_dim3A_12 : vector<256x256xi1>, vector<256x256xf32>
    %broadcast_in_dim3A_14 = arith.constant 0.000000e+00 : f32
    %broadcast_in_dim3A_15 = vector.broadcast %broadcast_in_dim3A_14 : f32 to vector<1x64xf32>
    %slice3A = vector.extract_strided_slice %select_n3A {offsets = [0, 0], sizes = [256, 64], strides = [1, 1]} : vector<8192x64xf32> to vector<256x64xf32>
    %dot_general3A = arith.constant dense<0.000000e+00> : vector<256x64xf32>
    %dot_general3A_16 = tpu.matmul %select_n3A_13, %slice3A, %dot_general3A {dimension_numbers = #tpu.dot_dimension_numbers<[1], [0], [0], [1], [0, 0, 1, 1], [], []>, transpose_lhs_hint = false} : vector<256x256xf32>, vector<256x64xf32>, vector<256x64xf32> -> vector<256x64xf32>
    %mul3A = arith.mulf %slice3A, %dot_general3A_16 : vector<256x64xf32>
    %reduce_sum3A = arith.constant dense<0.000000e+00> : vector<256xf32>
    %reduce_sum3A_17 = vector.multi_reduction <add>, %mul3A, %reduce_sum3A [1] : vector<256x64xf32> to vector<256xf32>
    %broadcast_in_dim3A_18 = vector.shape_cast %reduce_sum3A_17 : vector<256xf32> to vector<256x1xf32>
    %mul3A_19 = vector.broadcast %broadcast_in_dim3A_15 : vector<1x64xf32> to vector<256x64xf32>
    %mul3A_20 = arith.mulf %slice3A, %mul3A_19 : vector<256x64xf32>
    %reduce_sum3A_21 = arith.constant dense<0.000000e+00> : vector<256xf32>
    %reduce_sum3A_22 = vector.multi_reduction <add>, %mul3A_20, %reduce_sum3A_21 [1] : vector<256x64xf32> to vector<256xf32>
    %broadcast_in_dim3A_23 = vector.shape_cast %reduce_sum3A_22 : vector<256xf32> to vector<256x1xf32>
    %sub3A = arith.constant 1.000000e+00 : f32
    %sub3A_24 = vector.broadcast %sub3A : f32 to vector<256x1xf32>
    %sub3A_25 = arith.subf %broadcast_in_dim3A_18, %sub3A_24 : vector<256x1xf32>
    %add3A = arith.addf %sub3A_25, %broadcast_in_dim3A_23 : vector<256x1xf32>
    %slice3A_26 = vector.extract_strided_slice %dot_general3A_16 {offsets = [255, 0], sizes = [1, 64], strides = [1, 1]} : vector<256x64xf32> to vector<1x64xf32>
    %add3A_27 = arith.addf %broadcast_in_dim3A_15, %slice3A_26 : vector<1x64xf32>
    %slice3A_28 = vector.extract_strided_slice %select_n3A {offsets = [256, 0], sizes = [256, 64], strides = [1, 1]} : vector<8192x64xf32> to vector<256x64xf32>
    %dot_general3A_29 = arith.constant dense<0.000000e+00> : vector<256x64xf32>
    %dot_general3A_30 = tpu.matmul %select_n3A_13, %slice3A_28, %dot_general3A_29 {dimension_numbers = #tpu.dot_dimension_numbers<[1], [0], [0], [1], [0, 0, 1, 1], [], []>, transpose_lhs_hint = false} : vector<256x256xf32>, vector<256x64xf32>, vector<256x64xf32> -> vector<256x64xf32>
    %mul3A_31 = arith.mulf %slice3A_28, %dot_general3A_30 : vector<256x64xf32>
    %reduce_sum3A_32 = arith.constant dense<0.000000e+00> : vector<256xf32>
    %reduce_sum3A_33 = vector.multi_reduction <add>, %mul3A_31, %reduce_sum3A_32 [1] : vector<256x64xf32> to vector<256xf32>
    %broadcast_in_dim3A_34 = vector.shape_cast %reduce_sum3A_33 : vector<256xf32> to vector<256x1xf32>
    %mul3A_35 = vector.broadcast %add3A_27 : vector<1x64xf32> to vector<256x64xf32>
    %mul3A_36 = arith.mulf %slice3A_28, %mul3A_35 : vector<256x64xf32>
    %reduce_sum3A_37 = arith.constant dense<0.000000e+00> : vector<256xf32>
    %reduce_sum3A_38 = vector.multi_reduction <add>, %mul3A_36, %reduce_sum3A_37 [1] : vector<256x64xf32> to vector<256xf32>
    %broadcast_in_dim3A_39 = vector.shape_cast %reduce_sum3A_38 : vector<256xf32> to vector<256x1xf32>
    %sub3A_40 = arith.constant 1.000000e+00 : f32
    %sub3A_41 = vector.broadcast %sub3A_40 : f32 to vector<256x1xf32>
    %sub3A_42 = arith.subf %broadcast_in_dim3A_34, %sub3A_41 : vector<256x1xf32>
    %add3A_43 = arith.addf %sub3A_42, %broadcast_in_dim3A_39 : vector<256x1xf32>
    %slice3A_44 = vector.extract_strided_slice %dot_general3A_30 {offsets = [255, 0], sizes = [1, 64], strides = [1, 1]} : vector<256x64xf32> to vector<1x64xf32>
    %add3A_45 = arith.addf %add3A_27, %slice3A_44 : vector<1x64xf32>
    %slice3A_46 = vector.extract_strided_slice %select_n3A {offsets = [512, 0], sizes = [256, 64], strides = [1, 1]} : vector<8192x64xf32> to vector<256x64xf32>
    %dot_general3A_47 = arith.constant dense<0.000000e+00> : vector<256x64xf32>
    %dot_general3A_48 = tpu.matmul %select_n3A_13, %slice3A_46, %dot_general3A_47 {dimension_numbers = #tpu.dot_dimension_numbers<[1], [0], [0], [1], [0, 0, 1, 1], [], []>, transpose_lhs_hint = false} : vector<256x256xf32>, vector<256x64xf32>, vector<256x64xf32> -> vector<256x64xf32>
    %mul3A_49 = arith.mulf %slice3A_46, %dot_general3A_48 : vector<256x64xf32>
    %reduce_sum3A_50 = arith.constant dense<0.000000e+00> : vector<256xf32>
    %reduce_sum3A_51 = vector.multi_reduction <add>, %mul3A_49, %reduce_sum3A_50 [1] : vector<256x64xf32> to vector<256xf32>
    %broadcast_in_dim3A_52 = vector.shape_cast %reduce_sum3A_51 : vector<256xf32> to vector<256x1xf32>
    %mul3A_53 = vector.broadcast %add3A_45 : vector<1x64xf32> to vector<256x64xf32>
    %mul3A_54 = arith.mulf %slice3A_46, %mul3A_53 : vector<256x64xf32>
    %reduce_sum3A_55 = arith.constant dense<0.000000e+00> : vector<256xf32>
    %reduce_sum3A_56 = vector.multi_reduction <add>, %mul3A_54, %reduce_sum3A_55 [1] : vector<256x64xf32> to vector<256xf32>
    %broadcast_in_dim3A_57 = vector.shape_cast %reduce_sum3A_56 : vector<256xf32> to vector<256x1xf32>
    %sub3A_58 = arith.constant 1.000000e+00 : f32
    %sub3A_59 = vector.broadcast %sub3A_58 : f32 to vector<256x1xf32>
    %sub3A_60 = arith.subf %broadcast_in_dim3A_52, %sub3A_59 : vector<256x1xf32>
    %add3A_61 = arith.addf %sub3A_60, %broadcast_in_dim3A_57 : vector<256x1xf32>
    %slice3A_62 = vector.extract_strided_slice %dot_general3A_48 {offsets = [255, 0], sizes = [1, 64], strides = [1, 1]} : vector<256x64xf32> to vector<1x64xf32>
    %add3A_63 = arith.addf %add3A_45, %slice3A_62 : vector<1x64xf32>
    %slice3A_64 = vector.extract_strided_slice %select_n3A {offsets = [768, 0], sizes = [256, 64], strides = [1, 1]} : vector<8192x64xf32> to vector<256x64xf32>
    %dot_general3A_65 = arith.constant dense<0.000000e+00> : vector<256x64xf32>
    %dot_general3A_66 = tpu.matmul %select_n3A_13, %slice3A_64, %dot_general3A_65 {dimension_numbers = #tpu.dot_dimension_numbers<[1], [0], [0], [1], [0, 0, 1, 1], [], []>, transpose_lhs_hint = false} : vector<256x256xf32>, vector<256x64xf32>, vector<256x64xf32> -> vector<256x64xf32>
    %mul3A_67 = arith.mulf %slice3A_64, %dot_general3A_66 : vector<256x64xf32>
    %reduce_sum3A_68 = arith.constant dense<0.000000e+00> : vector<256xf32>
    %reduce_sum3A_69 = vector.multi_reduction <add>, %mul3A_67, %reduce_sum3A_68 [1] : vector<256x64xf32> to vector<256xf32>
    %broadcast_in_dim3A_70 = vector.shape_cast %reduce_sum3A_69 : vector<256xf32> to vector<256x1xf32>
    %mul3A_71 = vector.broadcast %add3A_63 : vector<1x64xf32> to vector<256x64xf32>
    %mul3A_72 = arith.mulf %slice3A_64, %mul3A_71 : vector<256x64xf32>
    %reduce_sum3A_73 = arith.constant dense<0.000000e+00> : vector<256xf32>
    %reduce_sum3A_74 = vector.multi_reduction <add>, %mul3A_72, %reduce_sum3A_73 [1] : vector<256x64xf32> to vector<256xf32>
    %broadcast_in_dim3A_75 = vector.shape_cast %reduce_sum3A_74 : vector<256xf32> to vector<256x1xf32>
    %sub3A_76 = arith.constant 1.000000e+00 : f32
    %sub3A_77 = vector.broadcast %sub3A_76 : f32 to vector<256x1xf32>
    %sub3A_78 = arith.subf %broadcast_in_dim3A_70, %sub3A_77 : vector<256x1xf32>
    %add3A_79 = arith.addf %sub3A_78, %broadcast_in_dim3A_75 : vector<256x1xf32>
    %slice3A_80 = vector.extract_strided_slice %dot_general3A_66 {offsets = [255, 0], sizes = [1, 64], strides = [1, 1]} : vector<256x64xf32> to vector<1x64xf32>
    %add3A_81 = arith.addf %add3A_63, %slice3A_80 : vector<1x64xf32>
    %slice3A_82 = vector.extract_strided_slice %select_n3A {offsets = [1024, 0], sizes = [256, 64], strides = [1, 1]} : vector<8192x64xf32> to vector<256x64xf32>
    %dot_general3A_83 = arith.constant dense<0.000000e+00> : vector<256x64xf32>
    %dot_general3A_84 = tpu.matmul %select_n3A_13, %slice3A_82, %dot_general3A_83 {dimension_numbers = #tpu.dot_dimension_numbers<[1], [0], [0], [1], [0, 0, 1, 1], [], []>, transpose_lhs_hint = false} : vector<256x256xf32>, vector<256x64xf32>, vector<256x64xf32> -> vector<256x64xf32>
    %mul3A_85 = arith.mulf %slice3A_82, %dot_general3A_84 : vector<256x64xf32>
    %reduce_sum3A_86 = arith.constant dense<0.000000e+00> : vector<256xf32>
    %reduce_sum3A_87 = vector.multi_reduction <add>, %mul3A_85, %reduce_sum3A_86 [1] : vector<256x64xf32> to vector<256xf32>
    %broadcast_in_dim3A_88 = vector.shape_cast %reduce_sum3A_87 : vector<256xf32> to vector<256x1xf32>
    %mul3A_89 = vector.broadcast %add3A_81 : vector<1x64xf32> to vector<256x64xf32>
    %mul3A_90 = arith.mulf %slice3A_82, %mul3A_89 : vector<256x64xf32>
    %reduce_sum3A_91 = arith.constant dense<0.000000e+00> : vector<256xf32>
    %reduce_sum3A_92 = vector.multi_reduction <add>, %mul3A_90, %reduce_sum3A_91 [1] : vector<256x64xf32> to vector<256xf32>
    %broadcast_in_dim3A_93 = vector.shape_cast %reduce_sum3A_92 : vector<256xf32> to vector<256x1xf32>
    %sub3A_94 = arith.constant 1.000000e+00 : f32
    %sub3A_95 = vector.broadcast %sub3A_94 : f32 to vector<256x1xf32>
    %sub3A_96 = arith.subf %broadcast_in_dim3A_88, %sub3A_95 : vector<256x1xf32>
    %add3A_97 = arith.addf %sub3A_96, %broadcast_in_dim3A_93 : vector<256x1xf32>
    %slice3A_98 = vector.extract_strided_slice %dot_general3A_84 {offsets = [255, 0], sizes = [1, 64], strides = [1, 1]} : vector<256x64xf32> to vector<1x64xf32>
    %add3A_99 = arith.addf %add3A_81, %slice3A_98 : vector<1x64xf32>
    %slice3A_100 = vector.extract_strided_slice %select_n3A {offsets = [1280, 0], sizes = [256, 64], strides = [1, 1]} : vector<8192x64xf32> to vector<256x64xf32>
    %dot_general3A_101 = arith.constant dense<0.000000e+00> : vector<256x64xf32>
    %dot_general3A_102 = tpu.matmul %select_n3A_13, %slice3A_100, %dot_general3A_101 {dimension_numbers = #tpu.dot_dimension_numbers<[1], [0], [0], [1], [0, 0, 1, 1], [], []>, transpose_lhs_hint = false} : vector<256x256xf32>, vector<256x64xf32>, vector<256x64xf32> -> vector<256x64xf32>
    %mul3A_103 = arith.mulf %slice3A_100, %dot_general3A_102 : vector<256x64xf32>
    %reduce_sum3A_104 = arith.constant dense<0.000000e+00> : vector<256xf32>
    %reduce_sum3A_105 = vector.multi_reduction <add>, %mul3A_103, %reduce_sum3A_104 [1] : vector<256x64xf32> to vector<256xf32>
    %broadcast_in_dim3A_106 = vector.shape_cast %reduce_sum3A_105 : vector<256xf32> to vector<256x1xf32>
    %mul3A_107 = vector.broadcast %add3A_99 : vector<1x64xf32> to vector<256x64xf32>
    %mul3A_108 = arith.mulf %slice3A_100, %mul3A_107 : vector<256x64xf32>
    %reduce_sum3A_109 = arith.constant dense<0.000000e+00> : vector<256xf32>
    %reduce_sum3A_110 = vector.multi_reduction <add>, %mul3A_108, %reduce_sum3A_109 [1] : vector<256x64xf32> to vector<256xf32>
    %broadcast_in_dim3A_111 = vector.shape_cast %reduce_sum3A_110 : vector<256xf32> to vector<256x1xf32>
    %sub3A_112 = arith.constant 1.000000e+00 : f32
    %sub3A_113 = vector.broadcast %sub3A_112 : f32 to vector<256x1xf32>
    %sub3A_114 = arith.subf %broadcast_in_dim3A_106, %sub3A_113 : vector<256x1xf32>
    %add3A_115 = arith.addf %sub3A_114, %broadcast_in_dim3A_111 : vector<256x1xf32>
    %slice3A_116 = vector.extract_strided_slice %dot_general3A_102 {offsets = [255, 0], sizes = [1, 64], strides = [1, 1]} : vector<256x64xf32> to vector<1x64xf32>
    %add3A_117 = arith.addf %add3A_99, %slice3A_116 : vector<1x64xf32>
    %slice3A_118 = vector.extract_strided_slice %select_n3A {offsets = [1536, 0], sizes = [256, 64], strides = [1, 1]} : vector<8192x64xf32> to vector<256x64xf32>
    %dot_general3A_119 = arith.constant dense<0.000000e+00> : vector<256x64xf32>
    %dot_general3A_120 = tpu.matmul %select_n3A_13, %slice3A_118, %dot_general3A_119 {dimension_numbers = #tpu.dot_dimension_numbers<[1], [0], [0], [1], [0, 0, 1, 1], [], []>, transpose_lhs_hint = false} : vector<256x256xf32>, vector<256x64xf32>, vector<256x64xf32> -> vector<256x64xf32>
    %mul3A_121 = arith.mulf %slice3A_118, %dot_general3A_120 : vector<256x64xf32>
    %reduce_sum3A_122 = arith.constant dense<0.000000e+00> : vector<256xf32>
    %reduce_sum3A_123 = vector.multi_reduction <add>, %mul3A_121, %reduce_sum3A_122 [1] : vector<256x64xf32> to vector<256xf32>
    %broadcast_in_dim3A_124 = vector.shape_cast %reduce_sum3A_123 : vector<256xf32> to vector<256x1xf32>
    %mul3A_125 = vector.broadcast %add3A_117 : vector<1x64xf32> to vector<256x64xf32>
    %mul3A_126 = arith.mulf %slice3A_118, %mul3A_125 : vector<256x64xf32>
    %reduce_sum3A_127 = arith.constant dense<0.000000e+00> : vector<256xf32>
    %reduce_sum3A_128 = vector.multi_reduction <add>, %mul3A_126, %reduce_sum3A_127 [1] : vector<256x64xf32> to vector<256xf32>
    %broadcast_in_dim3A_129 = vector.shape_cast %reduce_sum3A_128 : vector<256xf32> to vector<256x1xf32>
    %sub3A_130 = arith.constant 1.000000e+00 : f32
    %sub3A_131 = vector.broadcast %sub3A_130 : f32 to vector<256x1xf32>
    %sub3A_132 = arith.subf %broadcast_in_dim3A_124, %sub3A_131 : vector<256x1xf32>
    %add3A_133 = arith.addf %sub3A_132, %broadcast_in_dim3A_129 : vector<256x1xf32>
    %slice3A_134 = vector.extract_strided_slice %dot_general3A_120 {offsets = [255, 0], sizes = [1, 64], strides = [1, 1]} : vector<256x64xf32> to vector<1x64xf32>
    %add3A_135 = arith.addf %add3A_117, %slice3A_134 : vector<1x64xf32>
    %slice3A_136 = vector.extract_strided_slice %select_n3A {offsets = [1792, 0], sizes = [256, 64], strides = [1, 1]} : vector<8192x64xf32> to vector<256x64xf32>
    %dot_general3A_137 = arith.constant dense<0.000000e+00> : vector<256x64xf32>
    %dot_general3A_138 = tpu.matmul %select_n3A_13, %slice3A_136, %dot_general3A_137 {dimension_numbers = #tpu.dot_dimension_numbers<[1], [0], [0], [1], [0, 0, 1, 1], [], []>, transpose_lhs_hint = false} : vector<256x256xf32>, vector<256x64xf32>, vector<256x64xf32> -> vector<256x64xf32>
    %mul3A_139 = arith.mulf %slice3A_136, %dot_general3A_138 : vector<256x64xf32>
    %reduce_sum3A_140 = arith.constant dense<0.000000e+00> : vector<256xf32>
    %reduce_sum3A_141 = vector.multi_reduction <add>, %mul3A_139, %reduce_sum3A_140 [1] : vector<256x64xf32> to vector<256xf32>
    %broadcast_in_dim3A_142 = vector.shape_cast %reduce_sum3A_141 : vector<256xf32> to vector<256x1xf32>
    %mul3A_143 = vector.broadcast %add3A_135 : vector<1x64xf32> to vector<256x64xf32>
    %mul3A_144 = arith.mulf %slice3A_136, %mul3A_143 : vector<256x64xf32>
    %reduce_sum3A_145 = arith.constant dense<0.000000e+00> : vector<256xf32>
    %reduce_sum3A_146 = vector.multi_reduction <add>, %mul3A_144, %reduce_sum3A_145 [1] : vector<256x64xf32> to vector<256xf32>
    %broadcast_in_dim3A_147 = vector.shape_cast %reduce_sum3A_146 : vector<256xf32> to vector<256x1xf32>
    %sub3A_148 = arith.constant 1.000000e+00 : f32
    %sub3A_149 = vector.broadcast %sub3A_148 : f32 to vector<256x1xf32>
    %sub3A_150 = arith.subf %broadcast_in_dim3A_142, %sub3A_149 : vector<256x1xf32>
    %add3A_151 = arith.addf %sub3A_150, %broadcast_in_dim3A_147 : vector<256x1xf32>
    %slice3A_152 = vector.extract_strided_slice %dot_general3A_138 {offsets = [255, 0], sizes = [1, 64], strides = [1, 1]} : vector<256x64xf32> to vector<1x64xf32>
    %add3A_153 = arith.addf %add3A_135, %slice3A_152 : vector<1x64xf32>
    %slice3A_154 = vector.extract_strided_slice %select_n3A {offsets = [2048, 0], sizes = [256, 64], strides = [1, 1]} : vector<8192x64xf32> to vector<256x64xf32>
    %dot_general3A_155 = arith.constant dense<0.000000e+00> : vector<256x64xf32>
    %dot_general3A_156 = tpu.matmul %select_n3A_13, %slice3A_154, %dot_general3A_155 {dimension_numbers = #tpu.dot_dimension_numbers<[1], [0], [0], [1], [0, 0, 1, 1], [], []>, transpose_lhs_hint = false} : vector<256x256xf32>, vector<256x64xf32>, vector<256x64xf32> -> vector<256x64xf32>
    %mul3A_157 = arith.mulf %slice3A_154, %dot_general3A_156 : vector<256x64xf32>
    %reduce_sum3A_158 = arith.constant dense<0.000000e+00> : vector<256xf32>
    %reduce_sum3A_159 = vector.multi_reduction <add>, %mul3A_157, %reduce_sum3A_158 [1] : vector<256x64xf32> to vector<256xf32>
    %broadcast_in_dim3A_160 = vector.shape_cast %reduce_sum3A_159 : vector<256xf32> to vector<256x1xf32>
    %mul3A_161 = vector.broadcast %add3A_153 : vector<1x64xf32> to vector<256x64xf32>
    %mul3A_162 = arith.mulf %slice3A_154, %mul3A_161 : vector<256x64xf32>
    %reduce_sum3A_163 = arith.constant dense<0.000000e+00> : vector<256xf32>
    %reduce_sum3A_164 = vector.multi_reduction <add>, %mul3A_162, %reduce_sum3A_163 [1] : vector<256x64xf32> to vector<256xf32>
    %broadcast_in_dim3A_165 = vector.shape_cast %reduce_sum3A_164 : vector<256xf32> to vector<256x1xf32>
    %sub3A_166 = arith.constant 1.000000e+00 : f32
    %sub3A_167 = vector.broadcast %sub3A_166 : f32 to vector<256x1xf32>
    %sub3A_168 = arith.subf %broadcast_in_dim3A_160, %sub3A_167 : vector<256x1xf32>
    %add3A_169 = arith.addf %sub3A_168, %broadcast_in_dim3A_165 : vector<256x1xf32>
    %slice3A_170 = vector.extract_strided_slice %dot_general3A_156 {offsets = [255, 0], sizes = [1, 64], strides = [1, 1]} : vector<256x64xf32> to vector<1x64xf32>
    %add3A_171 = arith.addf %add3A_153, %slice3A_170 : vector<1x64xf32>
    %slice3A_172 = vector.extract_strided_slice %select_n3A {offsets = [2304, 0], sizes = [256, 64], strides = [1, 1]} : vector<8192x64xf32> to vector<256x64xf32>
    %dot_general3A_173 = arith.constant dense<0.000000e+00> : vector<256x64xf32>
    %dot_general3A_174 = tpu.matmul %select_n3A_13, %slice3A_172, %dot_general3A_173 {dimension_numbers = #tpu.dot_dimension_numbers<[1], [0], [0], [1], [0, 0, 1, 1], [], []>, transpose_lhs_hint = false} : vector<256x256xf32>, vector<256x64xf32>, vector<256x64xf32> -> vector<256x64xf32>
    %mul3A_175 = arith.mulf %slice3A_172, %dot_general3A_174 : vector<256x64xf32>
    %reduce_sum3A_176 = arith.constant dense<0.000000e+00> : vector<256xf32>
    %reduce_sum3A_177 = vector.multi_reduction <add>, %mul3A_175, %reduce_sum3A_176 [1] : vector<256x64xf32> to vector<256xf32>
    %broadcast_in_dim3A_178 = vector.shape_cast %reduce_sum3A_177 : vector<256xf32> to vector<256x1xf32>
    %mul3A_179 = vector.broadcast %add3A_171 : vector<1x64xf32> to vector<256x64xf32>
    %mul3A_180 = arith.mulf %slice3A_172, %mul3A_179 : vector<256x64xf32>
    %reduce_sum3A_181 = arith.constant dense<0.000000e+00> : vector<256xf32>
    %reduce_sum3A_182 = vector.multi_reduction <add>, %mul3A_180, %reduce_sum3A_181 [1] : vector<256x64xf32> to vector<256xf32>
    %broadcast_in_dim3A_183 = vector.shape_cast %reduce_sum3A_182 : vector<256xf32> to vector<256x1xf32>
    %sub3A_184 = arith.constant 1.000000e+00 : f32
    %sub3A_185 = vector.broadcast %sub3A_184 : f32 to vector<256x1xf32>
    %sub3A_186 = arith.subf %broadcast_in_dim3A_178, %sub3A_185 : vector<256x1xf32>
    %add3A_187 = arith.addf %sub3A_186, %broadcast_in_dim3A_183 : vector<256x1xf32>
    %slice3A_188 = vector.extract_strided_slice %dot_general3A_174 {offsets = [255, 0], sizes = [1, 64], strides = [1, 1]} : vector<256x64xf32> to vector<1x64xf32>
    %add3A_189 = arith.addf %add3A_171, %slice3A_188 : vector<1x64xf32>
    %slice3A_190 = vector.extract_strided_slice %select_n3A {offsets = [2560, 0], sizes = [256, 64], strides = [1, 1]} : vector<8192x64xf32> to vector<256x64xf32>
    %dot_general3A_191 = arith.constant dense<0.000000e+00> : vector<256x64xf32>
    %dot_general3A_192 = tpu.matmul %select_n3A_13, %slice3A_190, %dot_general3A_191 {dimension_numbers = #tpu.dot_dimension_numbers<[1], [0], [0], [1], [0, 0, 1, 1], [], []>, transpose_lhs_hint = false} : vector<256x256xf32>, vector<256x64xf32>, vector<256x64xf32> -> vector<256x64xf32>
    %mul3A_193 = arith.mulf %slice3A_190, %dot_general3A_192 : vector<256x64xf32>
    %reduce_sum3A_194 = arith.constant dense<0.000000e+00> : vector<256xf32>
    %reduce_sum3A_195 = vector.multi_reduction <add>, %mul3A_193, %reduce_sum3A_194 [1] : vector<256x64xf32> to vector<256xf32>
    %broadcast_in_dim3A_196 = vector.shape_cast %reduce_sum3A_195 : vector<256xf32> to vector<256x1xf32>
    %mul3A_197 = vector.broadcast %add3A_189 : vector<1x64xf32> to vector<256x64xf32>
    %mul3A_198 = arith.mulf %slice3A_190, %mul3A_197 : vector<256x64xf32>
    %reduce_sum3A_199 = arith.constant dense<0.000000e+00> : vector<256xf32>
    %reduce_sum3A_200 = vector.multi_reduction <add>, %mul3A_198, %reduce_sum3A_199 [1] : vector<256x64xf32> to vector<256xf32>
    %broadcast_in_dim3A_201 = vector.shape_cast %reduce_sum3A_200 : vector<256xf32> to vector<256x1xf32>
    %sub3A_202 = arith.constant 1.000000e+00 : f32
    %sub3A_203 = vector.broadcast %sub3A_202 : f32 to vector<256x1xf32>
    %sub3A_204 = arith.subf %broadcast_in_dim3A_196, %sub3A_203 : vector<256x1xf32>
    %add3A_205 = arith.addf %sub3A_204, %broadcast_in_dim3A_201 : vector<256x1xf32>
    %slice3A_206 = vector.extract_strided_slice %dot_general3A_192 {offsets = [255, 0], sizes = [1, 64], strides = [1, 1]} : vector<256x64xf32> to vector<1x64xf32>
    %add3A_207 = arith.addf %add3A_189, %slice3A_206 : vector<1x64xf32>
    %slice3A_208 = vector.extract_strided_slice %select_n3A {offsets = [2816, 0], sizes = [256, 64], strides = [1, 1]} : vector<8192x64xf32> to vector<256x64xf32>
    %dot_general3A_209 = arith.constant dense<0.000000e+00> : vector<256x64xf32>
    %dot_general3A_210 = tpu.matmul %select_n3A_13, %slice3A_208, %dot_general3A_209 {dimension_numbers = #tpu.dot_dimension_numbers<[1], [0], [0], [1], [0, 0, 1, 1], [], []>, transpose_lhs_hint = false} : vector<256x256xf32>, vector<256x64xf32>, vector<256x64xf32> -> vector<256x64xf32>
    %mul3A_211 = arith.mulf %slice3A_208, %dot_general3A_210 : vector<256x64xf32>
    %reduce_sum3A_212 = arith.constant dense<0.000000e+00> : vector<256xf32>
    %reduce_sum3A_213 = vector.multi_reduction <add>, %mul3A_211, %reduce_sum3A_212 [1] : vector<256x64xf32> to vector<256xf32>
    %broadcast_in_dim3A_214 = vector.shape_cast %reduce_sum3A_213 : vector<256xf32> to vector<256x1xf32>
    %mul3A_215 = vector.broadcast %add3A_207 : vector<1x64xf32> to vector<256x64xf32>
    %mul3A_216 = arith.mulf %slice3A_208, %mul3A_215 : vector<256x64xf32>
    %reduce_sum3A_217 = arith.constant dense<0.000000e+00> : vector<256xf32>
    %reduce_sum3A_218 = vector.multi_reduction <add>, %mul3A_216, %reduce_sum3A_217 [1] : vector<256x64xf32> to vector<256xf32>
    %broadcast_in_dim3A_219 = vector.shape_cast %reduce_sum3A_218 : vector<256xf32> to vector<256x1xf32>
    %sub3A_220 = arith.constant 1.000000e+00 : f32
    %sub3A_221 = vector.broadcast %sub3A_220 : f32 to vector<256x1xf32>
    %sub3A_222 = arith.subf %broadcast_in_dim3A_214, %sub3A_221 : vector<256x1xf32>
    %add3A_223 = arith.addf %sub3A_222, %broadcast_in_dim3A_219 : vector<256x1xf32>
    %slice3A_224 = vector.extract_strided_slice %dot_general3A_210 {offsets = [255, 0], sizes = [1, 64], strides = [1, 1]} : vector<256x64xf32> to vector<1x64xf32>
    %add3A_225 = arith.addf %add3A_207, %slice3A_224 : vector<1x64xf32>
    %slice3A_226 = vector.extract_strided_slice %select_n3A {offsets = [3072, 0], sizes = [256, 64], strides = [1, 1]} : vector<8192x64xf32> to vector<256x64xf32>
    %dot_general3A_227 = arith.constant dense<0.000000e+00> : vector<256x64xf32>
    %dot_general3A_228 = tpu.matmul %select_n3A_13, %slice3A_226, %dot_general3A_227 {dimension_numbers = #tpu.dot_dimension_numbers<[1], [0], [0], [1], [0, 0, 1, 1], [], []>, transpose_lhs_hint = false} : vector<256x256xf32>, vector<256x64xf32>, vector<256x64xf32> -> vector<256x64xf32>
    %mul3A_229 = arith.mulf %slice3A_226, %dot_general3A_228 : vector<256x64xf32>
    %reduce_sum3A_230 = arith.constant dense<0.000000e+00> : vector<256xf32>
    %reduce_sum3A_231 = vector.multi_reduction <add>, %mul3A_229, %reduce_sum3A_230 [1] : vector<256x64xf32> to vector<256xf32>
    %broadcast_in_dim3A_232 = vector.shape_cast %reduce_sum3A_231 : vector<256xf32> to vector<256x1xf32>
    %mul3A_233 = vector.broadcast %add3A_225 : vector<1x64xf32> to vector<256x64xf32>
    %mul3A_234 = arith.mulf %slice3A_226, %mul3A_233 : vector<256x64xf32>
    %reduce_sum3A_235 = arith.constant dense<0.000000e+00> : vector<256xf32>
    %reduce_sum3A_236 = vector.multi_reduction <add>, %mul3A_234, %reduce_sum3A_235 [1] : vector<256x64xf32> to vector<256xf32>
    %broadcast_in_dim3A_237 = vector.shape_cast %reduce_sum3A_236 : vector<256xf32> to vector<256x1xf32>
    %sub3A_238 = arith.constant 1.000000e+00 : f32
    %sub3A_239 = vector.broadcast %sub3A_238 : f32 to vector<256x1xf32>
    %sub3A_240 = arith.subf %broadcast_in_dim3A_232, %sub3A_239 : vector<256x1xf32>
    %add3A_241 = arith.addf %sub3A_240, %broadcast_in_dim3A_237 : vector<256x1xf32>
    %slice3A_242 = vector.extract_strided_slice %dot_general3A_228 {offsets = [255, 0], sizes = [1, 64], strides = [1, 1]} : vector<256x64xf32> to vector<1x64xf32>
    %add3A_243 = arith.addf %add3A_225, %slice3A_242 : vector<1x64xf32>
    %slice3A_244 = vector.extract_strided_slice %select_n3A {offsets = [3328, 0], sizes = [256, 64], strides = [1, 1]} : vector<8192x64xf32> to vector<256x64xf32>
    %dot_general3A_245 = arith.constant dense<0.000000e+00> : vector<256x64xf32>
    %dot_general3A_246 = tpu.matmul %select_n3A_13, %slice3A_244, %dot_general3A_245 {dimension_numbers = #tpu.dot_dimension_numbers<[1], [0], [0], [1], [0, 0, 1, 1], [], []>, transpose_lhs_hint = false} : vector<256x256xf32>, vector<256x64xf32>, vector<256x64xf32> -> vector<256x64xf32>
    %mul3A_247 = arith.mulf %slice3A_244, %dot_general3A_246 : vector<256x64xf32>
    %reduce_sum3A_248 = arith.constant dense<0.000000e+00> : vector<256xf32>
    %reduce_sum3A_249 = vector.multi_reduction <add>, %mul3A_247, %reduce_sum3A_248 [1] : vector<256x64xf32> to vector<256xf32>
    %broadcast_in_dim3A_250 = vector.shape_cast %reduce_sum3A_249 : vector<256xf32> to vector<256x1xf32>
    %mul3A_251 = vector.broadcast %add3A_243 : vector<1x64xf32> to vector<256x64xf32>
    %mul3A_252 = arith.mulf %slice3A_244, %mul3A_251 : vector<256x64xf32>
    %reduce_sum3A_253 = arith.constant dense<0.000000e+00> : vector<256xf32>
    %reduce_sum3A_254 = vector.multi_reduction <add>, %mul3A_252, %reduce_sum3A_253 [1] : vector<256x64xf32> to vector<256xf32>
    %broadcast_in_dim3A_255 = vector.shape_cast %reduce_sum3A_254 : vector<256xf32> to vector<256x1xf32>
    %sub3A_256 = arith.constant 1.000000e+00 : f32
    %sub3A_257 = vector.broadcast %sub3A_256 : f32 to vector<256x1xf32>
    %sub3A_258 = arith.subf %broadcast_in_dim3A_250, %sub3A_257 : vector<256x1xf32>
    %add3A_259 = arith.addf %sub3A_258, %broadcast_in_dim3A_255 : vector<256x1xf32>
    %slice3A_260 = vector.extract_strided_slice %dot_general3A_246 {offsets = [255, 0], sizes = [1, 64], strides = [1, 1]} : vector<256x64xf32> to vector<1x64xf32>
    %add3A_261 = arith.addf %add3A_243, %slice3A_260 : vector<1x64xf32>
    %slice3A_262 = vector.extract_strided_slice %select_n3A {offsets = [3584, 0], sizes = [256, 64], strides = [1, 1]} : vector<8192x64xf32> to vector<256x64xf32>
    %dot_general3A_263 = arith.constant dense<0.000000e+00> : vector<256x64xf32>
    %dot_general3A_264 = tpu.matmul %select_n3A_13, %slice3A_262, %dot_general3A_263 {dimension_numbers = #tpu.dot_dimension_numbers<[1], [0], [0], [1], [0, 0, 1, 1], [], []>, transpose_lhs_hint = false} : vector<256x256xf32>, vector<256x64xf32>, vector<256x64xf32> -> vector<256x64xf32>
    %mul3A_265 = arith.mulf %slice3A_262, %dot_general3A_264 : vector<256x64xf32>
    %reduce_sum3A_266 = arith.constant dense<0.000000e+00> : vector<256xf32>
    %reduce_sum3A_267 = vector.multi_reduction <add>, %mul3A_265, %reduce_sum3A_266 [1] : vector<256x64xf32> to vector<256xf32>
    %broadcast_in_dim3A_268 = vector.shape_cast %reduce_sum3A_267 : vector<256xf32> to vector<256x1xf32>
    %mul3A_269 = vector.broadcast %add3A_261 : vector<1x64xf32> to vector<256x64xf32>
    %mul3A_270 = arith.mulf %slice3A_262, %mul3A_269 : vector<256x64xf32>
    %reduce_sum3A_271 = arith.constant dense<0.000000e+00> : vector<256xf32>
    %reduce_sum3A_272 = vector.multi_reduction <add>, %mul3A_270, %reduce_sum3A_271 [1] : vector<256x64xf32> to vector<256xf32>
    %broadcast_in_dim3A_273 = vector.shape_cast %reduce_sum3A_272 : vector<256xf32> to vector<256x1xf32>
    %sub3A_274 = arith.constant 1.000000e+00 : f32
    %sub3A_275 = vector.broadcast %sub3A_274 : f32 to vector<256x1xf32>
    %sub3A_276 = arith.subf %broadcast_in_dim3A_268, %sub3A_275 : vector<256x1xf32>
    %add3A_277 = arith.addf %sub3A_276, %broadcast_in_dim3A_273 : vector<256x1xf32>
    %slice3A_278 = vector.extract_strided_slice %dot_general3A_264 {offsets = [255, 0], sizes = [1, 64], strides = [1, 1]} : vector<256x64xf32> to vector<1x64xf32>
    %add3A_279 = arith.addf %add3A_261, %slice3A_278 : vector<1x64xf32>
    %slice3A_280 = vector.extract_strided_slice %select_n3A {offsets = [3840, 0], sizes = [256, 64], strides = [1, 1]} : vector<8192x64xf32> to vector<256x64xf32>
    %dot_general3A_281 = arith.constant dense<0.000000e+00> : vector<256x64xf32>
    %dot_general3A_282 = tpu.matmul %select_n3A_13, %slice3A_280, %dot_general3A_281 {dimension_numbers = #tpu.dot_dimension_numbers<[1], [0], [0], [1], [0, 0, 1, 1], [], []>, transpose_lhs_hint = false} : vector<256x256xf32>, vector<256x64xf32>, vector<256x64xf32> -> vector<256x64xf32>
    %mul3A_283 = arith.mulf %slice3A_280, %dot_general3A_282 : vector<256x64xf32>
    %reduce_sum3A_284 = arith.constant dense<0.000000e+00> : vector<256xf32>
    %reduce_sum3A_285 = vector.multi_reduction <add>, %mul3A_283, %reduce_sum3A_284 [1] : vector<256x64xf32> to vector<256xf32>
    %broadcast_in_dim3A_286 = vector.shape_cast %reduce_sum3A_285 : vector<256xf32> to vector<256x1xf32>
    %mul3A_287 = vector.broadcast %add3A_279 : vector<1x64xf32> to vector<256x64xf32>
    %mul3A_288 = arith.mulf %slice3A_280, %mul3A_287 : vector<256x64xf32>
    %reduce_sum3A_289 = arith.constant dense<0.000000e+00> : vector<256xf32>
    %reduce_sum3A_290 = vector.multi_reduction <add>, %mul3A_288, %reduce_sum3A_289 [1] : vector<256x64xf32> to vector<256xf32>
    %broadcast_in_dim3A_291 = vector.shape_cast %reduce_sum3A_290 : vector<256xf32> to vector<256x1xf32>
    %sub3A_292 = arith.constant 1.000000e+00 : f32
    %sub3A_293 = vector.broadcast %sub3A_292 : f32 to vector<256x1xf32>
    %sub3A_294 = arith.subf %broadcast_in_dim3A_286, %sub3A_293 : vector<256x1xf32>
    %add3A_295 = arith.addf %sub3A_294, %broadcast_in_dim3A_291 : vector<256x1xf32>
    %slice3A_296 = vector.extract_strided_slice %dot_general3A_282 {offsets = [255, 0], sizes = [1, 64], strides = [1, 1]} : vector<256x64xf32> to vector<1x64xf32>
    %add3A_297 = arith.addf %add3A_279, %slice3A_296 : vector<1x64xf32>
    %slice3A_298 = vector.extract_strided_slice %select_n3A {offsets = [4096, 0], sizes = [256, 64], strides = [1, 1]} : vector<8192x64xf32> to vector<256x64xf32>
    %dot_general3A_299 = arith.constant dense<0.000000e+00> : vector<256x64xf32>
    %dot_general3A_300 = tpu.matmul %select_n3A_13, %slice3A_298, %dot_general3A_299 {dimension_numbers = #tpu.dot_dimension_numbers<[1], [0], [0], [1], [0, 0, 1, 1], [], []>, transpose_lhs_hint = false} : vector<256x256xf32>, vector<256x64xf32>, vector<256x64xf32> -> vector<256x64xf32>
    %mul3A_301 = arith.mulf %slice3A_298, %dot_general3A_300 : vector<256x64xf32>
    %reduce_sum3A_302 = arith.constant dense<0.000000e+00> : vector<256xf32>
    %reduce_sum3A_303 = vector.multi_reduction <add>, %mul3A_301, %reduce_sum3A_302 [1] : vector<256x64xf32> to vector<256xf32>
    %broadcast_in_dim3A_304 = vector.shape_cast %reduce_sum3A_303 : vector<256xf32> to vector<256x1xf32>
    %mul3A_305 = vector.broadcast %add3A_297 : vector<1x64xf32> to vector<256x64xf32>
    %mul3A_306 = arith.mulf %slice3A_298, %mul3A_305 : vector<256x64xf32>
    %reduce_sum3A_307 = arith.constant dense<0.000000e+00> : vector<256xf32>
    %reduce_sum3A_308 = vector.multi_reduction <add>, %mul3A_306, %reduce_sum3A_307 [1] : vector<256x64xf32> to vector<256xf32>
    %broadcast_in_dim3A_309 = vector.shape_cast %reduce_sum3A_308 : vector<256xf32> to vector<256x1xf32>
    %sub3A_310 = arith.constant 1.000000e+00 : f32
    %sub3A_311 = vector.broadcast %sub3A_310 : f32 to vector<256x1xf32>
    %sub3A_312 = arith.subf %broadcast_in_dim3A_304, %sub3A_311 : vector<256x1xf32>
    %add3A_313 = arith.addf %sub3A_312, %broadcast_in_dim3A_309 : vector<256x1xf32>
    %slice3A_314 = vector.extract_strided_slice %dot_general3A_300 {offsets = [255, 0], sizes = [1, 64], strides = [1, 1]} : vector<256x64xf32> to vector<1x64xf32>
    %add3A_315 = arith.addf %add3A_297, %slice3A_314 : vector<1x64xf32>
    %slice3A_316 = vector.extract_strided_slice %select_n3A {offsets = [4352, 0], sizes = [256, 64], strides = [1, 1]} : vector<8192x64xf32> to vector<256x64xf32>
    %dot_general3A_317 = arith.constant dense<0.000000e+00> : vector<256x64xf32>
    %dot_general3A_318 = tpu.matmul %select_n3A_13, %slice3A_316, %dot_general3A_317 {dimension_numbers = #tpu.dot_dimension_numbers<[1], [0], [0], [1], [0, 0, 1, 1], [], []>, transpose_lhs_hint = false} : vector<256x256xf32>, vector<256x64xf32>, vector<256x64xf32> -> vector<256x64xf32>
    %mul3A_319 = arith.mulf %slice3A_316, %dot_general3A_318 : vector<256x64xf32>
    %reduce_sum3A_320 = arith.constant dense<0.000000e+00> : vector<256xf32>
    %reduce_sum3A_321 = vector.multi_reduction <add>, %mul3A_319, %reduce_sum3A_320 [1] : vector<256x64xf32> to vector<256xf32>
    %broadcast_in_dim3A_322 = vector.shape_cast %reduce_sum3A_321 : vector<256xf32> to vector<256x1xf32>
    %mul3A_323 = vector.broadcast %add3A_315 : vector<1x64xf32> to vector<256x64xf32>
    %mul3A_324 = arith.mulf %slice3A_316, %mul3A_323 : vector<256x64xf32>
    %reduce_sum3A_325 = arith.constant dense<0.000000e+00> : vector<256xf32>
    %reduce_sum3A_326 = vector.multi_reduction <add>, %mul3A_324, %reduce_sum3A_325 [1] : vector<256x64xf32> to vector<256xf32>
    %broadcast_in_dim3A_327 = vector.shape_cast %reduce_sum3A_326 : vector<256xf32> to vector<256x1xf32>
    %sub3A_328 = arith.constant 1.000000e+00 : f32
    %sub3A_329 = vector.broadcast %sub3A_328 : f32 to vector<256x1xf32>
    %sub3A_330 = arith.subf %broadcast_in_dim3A_322, %sub3A_329 : vector<256x1xf32>
    %add3A_331 = arith.addf %sub3A_330, %broadcast_in_dim3A_327 : vector<256x1xf32>
    %slice3A_332 = vector.extract_strided_slice %dot_general3A_318 {offsets = [255, 0], sizes = [1, 64], strides = [1, 1]} : vector<256x64xf32> to vector<1x64xf32>
    %add3A_333 = arith.addf %add3A_315, %slice3A_332 : vector<1x64xf32>
    %slice3A_334 = vector.extract_strided_slice %select_n3A {offsets = [4608, 0], sizes = [256, 64], strides = [1, 1]} : vector<8192x64xf32> to vector<256x64xf32>
    %dot_general3A_335 = arith.constant dense<0.000000e+00> : vector<256x64xf32>
    %dot_general3A_336 = tpu.matmul %select_n3A_13, %slice3A_334, %dot_general3A_335 {dimension_numbers = #tpu.dot_dimension_numbers<[1], [0], [0], [1], [0, 0, 1, 1], [], []>, transpose_lhs_hint = false} : vector<256x256xf32>, vector<256x64xf32>, vector<256x64xf32> -> vector<256x64xf32>
    %mul3A_337 = arith.mulf %slice3A_334, %dot_general3A_336 : vector<256x64xf32>
    %reduce_sum3A_338 = arith.constant dense<0.000000e+00> : vector<256xf32>
    %reduce_sum3A_339 = vector.multi_reduction <add>, %mul3A_337, %reduce_sum3A_338 [1] : vector<256x64xf32> to vector<256xf32>
    %broadcast_in_dim3A_340 = vector.shape_cast %reduce_sum3A_339 : vector<256xf32> to vector<256x1xf32>
    %mul3A_341 = vector.broadcast %add3A_333 : vector<1x64xf32> to vector<256x64xf32>
    %mul3A_342 = arith.mulf %slice3A_334, %mul3A_341 : vector<256x64xf32>
    %reduce_sum3A_343 = arith.constant dense<0.000000e+00> : vector<256xf32>
    %reduce_sum3A_344 = vector.multi_reduction <add>, %mul3A_342, %reduce_sum3A_343 [1] : vector<256x64xf32> to vector<256xf32>
    %broadcast_in_dim3A_345 = vector.shape_cast %reduce_sum3A_344 : vector<256xf32> to vector<256x1xf32>
    %sub3A_346 = arith.constant 1.000000e+00 : f32
    %sub3A_347 = vector.broadcast %sub3A_346 : f32 to vector<256x1xf32>
    %sub3A_348 = arith.subf %broadcast_in_dim3A_340, %sub3A_347 : vector<256x1xf32>
    %add3A_349 = arith.addf %sub3A_348, %broadcast_in_dim3A_345 : vector<256x1xf32>
    %slice3A_350 = vector.extract_strided_slice %dot_general3A_336 {offsets = [255, 0], sizes = [1, 64], strides = [1, 1]} : vector<256x64xf32> to vector<1x64xf32>
    %add3A_351 = arith.addf %add3A_333, %slice3A_350 : vector<1x64xf32>
    %slice3A_352 = vector.extract_strided_slice %select_n3A {offsets = [4864, 0], sizes = [256, 64], strides = [1, 1]} : vector<8192x64xf32> to vector<256x64xf32>
    %dot_general3A_353 = arith.constant dense<0.000000e+00> : vector<256x64xf32>
    %dot_general3A_354 = tpu.matmul %select_n3A_13, %slice3A_352, %dot_general3A_353 {dimension_numbers = #tpu.dot_dimension_numbers<[1], [0], [0], [1], [0, 0, 1, 1], [], []>, transpose_lhs_hint = false} : vector<256x256xf32>, vector<256x64xf32>, vector<256x64xf32> -> vector<256x64xf32>
    %mul3A_355 = arith.mulf %slice3A_352, %dot_general3A_354 : vector<256x64xf32>
    %reduce_sum3A_356 = arith.constant dense<0.000000e+00> : vector<256xf32>
    %reduce_sum3A_357 = vector.multi_reduction <add>, %mul3A_355, %reduce_sum3A_356 [1] : vector<256x64xf32> to vector<256xf32>
    %broadcast_in_dim3A_358 = vector.shape_cast %reduce_sum3A_357 : vector<256xf32> to vector<256x1xf32>
    %mul3A_359 = vector.broadcast %add3A_351 : vector<1x64xf32> to vector<256x64xf32>
    %mul3A_360 = arith.mulf %slice3A_352, %mul3A_359 : vector<256x64xf32>
    %reduce_sum3A_361 = arith.constant dense<0.000000e+00> : vector<256xf32>
    %reduce_sum3A_362 = vector.multi_reduction <add>, %mul3A_360, %reduce_sum3A_361 [1] : vector<256x64xf32> to vector<256xf32>
    %broadcast_in_dim3A_363 = vector.shape_cast %reduce_sum3A_362 : vector<256xf32> to vector<256x1xf32>
    %sub3A_364 = arith.constant 1.000000e+00 : f32
    %sub3A_365 = vector.broadcast %sub3A_364 : f32 to vector<256x1xf32>
    %sub3A_366 = arith.subf %broadcast_in_dim3A_358, %sub3A_365 : vector<256x1xf32>
    %add3A_367 = arith.addf %sub3A_366, %broadcast_in_dim3A_363 : vector<256x1xf32>
    %slice3A_368 = vector.extract_strided_slice %dot_general3A_354 {offsets = [255, 0], sizes = [1, 64], strides = [1, 1]} : vector<256x64xf32> to vector<1x64xf32>
    %add3A_369 = arith.addf %add3A_351, %slice3A_368 : vector<1x64xf32>
    %slice3A_370 = vector.extract_strided_slice %select_n3A {offsets = [5120, 0], sizes = [256, 64], strides = [1, 1]} : vector<8192x64xf32> to vector<256x64xf32>
    %dot_general3A_371 = arith.constant dense<0.000000e+00> : vector<256x64xf32>
    %dot_general3A_372 = tpu.matmul %select_n3A_13, %slice3A_370, %dot_general3A_371 {dimension_numbers = #tpu.dot_dimension_numbers<[1], [0], [0], [1], [0, 0, 1, 1], [], []>, transpose_lhs_hint = false} : vector<256x256xf32>, vector<256x64xf32>, vector<256x64xf32> -> vector<256x64xf32>
    %mul3A_373 = arith.mulf %slice3A_370, %dot_general3A_372 : vector<256x64xf32>
    %reduce_sum3A_374 = arith.constant dense<0.000000e+00> : vector<256xf32>
    %reduce_sum3A_375 = vector.multi_reduction <add>, %mul3A_373, %reduce_sum3A_374 [1] : vector<256x64xf32> to vector<256xf32>
    %broadcast_in_dim3A_376 = vector.shape_cast %reduce_sum3A_375 : vector<256xf32> to vector<256x1xf32>
    %mul3A_377 = vector.broadcast %add3A_369 : vector<1x64xf32> to vector<256x64xf32>
    %mul3A_378 = arith.mulf %slice3A_370, %mul3A_377 : vector<256x64xf32>
    %reduce_sum3A_379 = arith.constant dense<0.000000e+00> : vector<256xf32>
    %reduce_sum3A_380 = vector.multi_reduction <add>, %mul3A_378, %reduce_sum3A_379 [1] : vector<256x64xf32> to vector<256xf32>
    %broadcast_in_dim3A_381 = vector.shape_cast %reduce_sum3A_380 : vector<256xf32> to vector<256x1xf32>
    %sub3A_382 = arith.constant 1.000000e+00 : f32
    %sub3A_383 = vector.broadcast %sub3A_382 : f32 to vector<256x1xf32>
    %sub3A_384 = arith.subf %broadcast_in_dim3A_376, %sub3A_383 : vector<256x1xf32>
    %add3A_385 = arith.addf %sub3A_384, %broadcast_in_dim3A_381 : vector<256x1xf32>
    %slice3A_386 = vector.extract_strided_slice %dot_general3A_372 {offsets = [255, 0], sizes = [1, 64], strides = [1, 1]} : vector<256x64xf32> to vector<1x64xf32>
    %add3A_387 = arith.addf %add3A_369, %slice3A_386 : vector<1x64xf32>
    %slice3A_388 = vector.extract_strided_slice %select_n3A {offsets = [5376, 0], sizes = [256, 64], strides = [1, 1]} : vector<8192x64xf32> to vector<256x64xf32>
    %dot_general3A_389 = arith.constant dense<0.000000e+00> : vector<256x64xf32>
    %dot_general3A_390 = tpu.matmul %select_n3A_13, %slice3A_388, %dot_general3A_389 {dimension_numbers = #tpu.dot_dimension_numbers<[1], [0], [0], [1], [0, 0, 1, 1], [], []>, transpose_lhs_hint = false} : vector<256x256xf32>, vector<256x64xf32>, vector<256x64xf32> -> vector<256x64xf32>
    %mul3A_391 = arith.mulf %slice3A_388, %dot_general3A_390 : vector<256x64xf32>
    %reduce_sum3A_392 = arith.constant dense<0.000000e+00> : vector<256xf32>
    %reduce_sum3A_393 = vector.multi_reduction <add>, %mul3A_391, %reduce_sum3A_392 [1] : vector<256x64xf32> to vector<256xf32>
    %broadcast_in_dim3A_394 = vector.shape_cast %reduce_sum3A_393 : vector<256xf32> to vector<256x1xf32>
    %mul3A_395 = vector.broadcast %add3A_387 : vector<1x64xf32> to vector<256x64xf32>
    %mul3A_396 = arith.mulf %slice3A_388, %mul3A_395 : vector<256x64xf32>
    %reduce_sum3A_397 = arith.constant dense<0.000000e+00> : vector<256xf32>
    %reduce_sum3A_398 = vector.multi_reduction <add>, %mul3A_396, %reduce_sum3A_397 [1] : vector<256x64xf32> to vector<256xf32>
    %broadcast_in_dim3A_399 = vector.shape_cast %reduce_sum3A_398 : vector<256xf32> to vector<256x1xf32>
    %sub3A_400 = arith.constant 1.000000e+00 : f32
    %sub3A_401 = vector.broadcast %sub3A_400 : f32 to vector<256x1xf32>
    %sub3A_402 = arith.subf %broadcast_in_dim3A_394, %sub3A_401 : vector<256x1xf32>
    %add3A_403 = arith.addf %sub3A_402, %broadcast_in_dim3A_399 : vector<256x1xf32>
    %slice3A_404 = vector.extract_strided_slice %dot_general3A_390 {offsets = [255, 0], sizes = [1, 64], strides = [1, 1]} : vector<256x64xf32> to vector<1x64xf32>
    %add3A_405 = arith.addf %add3A_387, %slice3A_404 : vector<1x64xf32>
    %slice3A_406 = vector.extract_strided_slice %select_n3A {offsets = [5632, 0], sizes = [256, 64], strides = [1, 1]} : vector<8192x64xf32> to vector<256x64xf32>
    %dot_general3A_407 = arith.constant dense<0.000000e+00> : vector<256x64xf32>
    %dot_general3A_408 = tpu.matmul %select_n3A_13, %slice3A_406, %dot_general3A_407 {dimension_numbers = #tpu.dot_dimension_numbers<[1], [0], [0], [1], [0, 0, 1, 1], [], []>, transpose_lhs_hint = false} : vector<256x256xf32>, vector<256x64xf32>, vector<256x64xf32> -> vector<256x64xf32>
    %mul3A_409 = arith.mulf %slice3A_406, %dot_general3A_408 : vector<256x64xf32>
    %reduce_sum3A_410 = arith.constant dense<0.000000e+00> : vector<256xf32>
    %reduce_sum3A_411 = vector.multi_reduction <add>, %mul3A_409, %reduce_sum3A_410 [1] : vector<256x64xf32> to vector<256xf32>
    %broadcast_in_dim3A_412 = vector.shape_cast %reduce_sum3A_411 : vector<256xf32> to vector<256x1xf32>
    %mul3A_413 = vector.broadcast %add3A_405 : vector<1x64xf32> to vector<256x64xf32>
    %mul3A_414 = arith.mulf %slice3A_406, %mul3A_413 : vector<256x64xf32>
    %reduce_sum3A_415 = arith.constant dense<0.000000e+00> : vector<256xf32>
    %reduce_sum3A_416 = vector.multi_reduction <add>, %mul3A_414, %reduce_sum3A_415 [1] : vector<256x64xf32> to vector<256xf32>
    %broadcast_in_dim3A_417 = vector.shape_cast %reduce_sum3A_416 : vector<256xf32> to vector<256x1xf32>
    %sub3A_418 = arith.constant 1.000000e+00 : f32
    %sub3A_419 = vector.broadcast %sub3A_418 : f32 to vector<256x1xf32>
    %sub3A_420 = arith.subf %broadcast_in_dim3A_412, %sub3A_419 : vector<256x1xf32>
    %add3A_421 = arith.addf %sub3A_420, %broadcast_in_dim3A_417 : vector<256x1xf32>
    %slice3A_422 = vector.extract_strided_slice %dot_general3A_408 {offsets = [255, 0], sizes = [1, 64], strides = [1, 1]} : vector<256x64xf32> to vector<1x64xf32>
    %add3A_423 = arith.addf %add3A_405, %slice3A_422 : vector<1x64xf32>
    %slice3A_424 = vector.extract_strided_slice %select_n3A {offsets = [5888, 0], sizes = [256, 64], strides = [1, 1]} : vector<8192x64xf32> to vector<256x64xf32>
    %dot_general3A_425 = arith.constant dense<0.000000e+00> : vector<256x64xf32>
    %dot_general3A_426 = tpu.matmul %select_n3A_13, %slice3A_424, %dot_general3A_425 {dimension_numbers = #tpu.dot_dimension_numbers<[1], [0], [0], [1], [0, 0, 1, 1], [], []>, transpose_lhs_hint = false} : vector<256x256xf32>, vector<256x64xf32>, vector<256x64xf32> -> vector<256x64xf32>
    %mul3A_427 = arith.mulf %slice3A_424, %dot_general3A_426 : vector<256x64xf32>
    %reduce_sum3A_428 = arith.constant dense<0.000000e+00> : vector<256xf32>
    %reduce_sum3A_429 = vector.multi_reduction <add>, %mul3A_427, %reduce_sum3A_428 [1] : vector<256x64xf32> to vector<256xf32>
    %broadcast_in_dim3A_430 = vector.shape_cast %reduce_sum3A_429 : vector<256xf32> to vector<256x1xf32>
    %mul3A_431 = vector.broadcast %add3A_423 : vector<1x64xf32> to vector<256x64xf32>
    %mul3A_432 = arith.mulf %slice3A_424, %mul3A_431 : vector<256x64xf32>
    %reduce_sum3A_433 = arith.constant dense<0.000000e+00> : vector<256xf32>
    %reduce_sum3A_434 = vector.multi_reduction <add>, %mul3A_432, %reduce_sum3A_433 [1] : vector<256x64xf32> to vector<256xf32>
    %broadcast_in_dim3A_435 = vector.shape_cast %reduce_sum3A_434 : vector<256xf32> to vector<256x1xf32>
    %sub3A_436 = arith.constant 1.000000e+00 : f32
    %sub3A_437 = vector.broadcast %sub3A_436 : f32 to vector<256x1xf32>
    %sub3A_438 = arith.subf %broadcast_in_dim3A_430, %sub3A_437 : vector<256x1xf32>
    %add3A_439 = arith.addf %sub3A_438, %broadcast_in_dim3A_435 : vector<256x1xf32>
    %slice3A_440 = vector.extract_strided_slice %dot_general3A_426 {offsets = [255, 0], sizes = [1, 64], strides = [1, 1]} : vector<256x64xf32> to vector<1x64xf32>
    %add3A_441 = arith.addf %add3A_423, %slice3A_440 : vector<1x64xf32>
    %slice3A_442 = vector.extract_strided_slice %select_n3A {offsets = [6144, 0], sizes = [256, 64], strides = [1, 1]} : vector<8192x64xf32> to vector<256x64xf32>
    %dot_general3A_443 = arith.constant dense<0.000000e+00> : vector<256x64xf32>
    %dot_general3A_444 = tpu.matmul %select_n3A_13, %slice3A_442, %dot_general3A_443 {dimension_numbers = #tpu.dot_dimension_numbers<[1], [0], [0], [1], [0, 0, 1, 1], [], []>, transpose_lhs_hint = false} : vector<256x256xf32>, vector<256x64xf32>, vector<256x64xf32> -> vector<256x64xf32>
    %mul3A_445 = arith.mulf %slice3A_442, %dot_general3A_444 : vector<256x64xf32>
    %reduce_sum3A_446 = arith.constant dense<0.000000e+00> : vector<256xf32>
    %reduce_sum3A_447 = vector.multi_reduction <add>, %mul3A_445, %reduce_sum3A_446 [1] : vector<256x64xf32> to vector<256xf32>
    %broadcast_in_dim3A_448 = vector.shape_cast %reduce_sum3A_447 : vector<256xf32> to vector<256x1xf32>
    %mul3A_449 = vector.broadcast %add3A_441 : vector<1x64xf32> to vector<256x64xf32>
    %mul3A_450 = arith.mulf %slice3A_442, %mul3A_449 : vector<256x64xf32>
    %reduce_sum3A_451 = arith.constant dense<0.000000e+00> : vector<256xf32>
    %reduce_sum3A_452 = vector.multi_reduction <add>, %mul3A_450, %reduce_sum3A_451 [1] : vector<256x64xf32> to vector<256xf32>
    %broadcast_in_dim3A_453 = vector.shape_cast %reduce_sum3A_452 : vector<256xf32> to vector<256x1xf32>
    %sub3A_454 = arith.constant 1.000000e+00 : f32
    %sub3A_455 = vector.broadcast %sub3A_454 : f32 to vector<256x1xf32>
    %sub3A_456 = arith.subf %broadcast_in_dim3A_448, %sub3A_455 : vector<256x1xf32>
    %add3A_457 = arith.addf %sub3A_456, %broadcast_in_dim3A_453 : vector<256x1xf32>
    %slice3A_458 = vector.extract_strided_slice %dot_general3A_444 {offsets = [255, 0], sizes = [1, 64], strides = [1, 1]} : vector<256x64xf32> to vector<1x64xf32>
    %add3A_459 = arith.addf %add3A_441, %slice3A_458 : vector<1x64xf32>
    %slice3A_460 = vector.extract_strided_slice %select_n3A {offsets = [6400, 0], sizes = [256, 64], strides = [1, 1]} : vector<8192x64xf32> to vector<256x64xf32>
    %dot_general3A_461 = arith.constant dense<0.000000e+00> : vector<256x64xf32>
    %dot_general3A_462 = tpu.matmul %select_n3A_13, %slice3A_460, %dot_general3A_461 {dimension_numbers = #tpu.dot_dimension_numbers<[1], [0], [0], [1], [0, 0, 1, 1], [], []>, transpose_lhs_hint = false} : vector<256x256xf32>, vector<256x64xf32>, vector<256x64xf32> -> vector<256x64xf32>
    %mul3A_463 = arith.mulf %slice3A_460, %dot_general3A_462 : vector<256x64xf32>
    %reduce_sum3A_464 = arith.constant dense<0.000000e+00> : vector<256xf32>
    %reduce_sum3A_465 = vector.multi_reduction <add>, %mul3A_463, %reduce_sum3A_464 [1] : vector<256x64xf32> to vector<256xf32>
    %broadcast_in_dim3A_466 = vector.shape_cast %reduce_sum3A_465 : vector<256xf32> to vector<256x1xf32>
    %mul3A_467 = vector.broadcast %add3A_459 : vector<1x64xf32> to vector<256x64xf32>
    %mul3A_468 = arith.mulf %slice3A_460, %mul3A_467 : vector<256x64xf32>
    %reduce_sum3A_469 = arith.constant dense<0.000000e+00> : vector<256xf32>
    %reduce_sum3A_470 = vector.multi_reduction <add>, %mul3A_468, %reduce_sum3A_469 [1] : vector<256x64xf32> to vector<256xf32>
    %broadcast_in_dim3A_471 = vector.shape_cast %reduce_sum3A_470 : vector<256xf32> to vector<256x1xf32>
    %sub3A_472 = arith.constant 1.000000e+00 : f32
    %sub3A_473 = vector.broadcast %sub3A_472 : f32 to vector<256x1xf32>
    %sub3A_474 = arith.subf %broadcast_in_dim3A_466, %sub3A_473 : vector<256x1xf32>
    %add3A_475 = arith.addf %sub3A_474, %broadcast_in_dim3A_471 : vector<256x1xf32>
    %slice3A_476 = vector.extract_strided_slice %dot_general3A_462 {offsets = [255, 0], sizes = [1, 64], strides = [1, 1]} : vector<256x64xf32> to vector<1x64xf32>
    %add3A_477 = arith.addf %add3A_459, %slice3A_476 : vector<1x64xf32>
    %slice3A_478 = vector.extract_strided_slice %select_n3A {offsets = [6656, 0], sizes = [256, 64], strides = [1, 1]} : vector<8192x64xf32> to vector<256x64xf32>
    %dot_general3A_479 = arith.constant dense<0.000000e+00> : vector<256x64xf32>
    %dot_general3A_480 = tpu.matmul %select_n3A_13, %slice3A_478, %dot_general3A_479 {dimension_numbers = #tpu.dot_dimension_numbers<[1], [0], [0], [1], [0, 0, 1, 1], [], []>, transpose_lhs_hint = false} : vector<256x256xf32>, vector<256x64xf32>, vector<256x64xf32> -> vector<256x64xf32>
    %mul3A_481 = arith.mulf %slice3A_478, %dot_general3A_480 : vector<256x64xf32>
    %reduce_sum3A_482 = arith.constant dense<0.000000e+00> : vector<256xf32>
    %reduce_sum3A_483 = vector.multi_reduction <add>, %mul3A_481, %reduce_sum3A_482 [1] : vector<256x64xf32> to vector<256xf32>
    %broadcast_in_dim3A_484 = vector.shape_cast %reduce_sum3A_483 : vector<256xf32> to vector<256x1xf32>
    %mul3A_485 = vector.broadcast %add3A_477 : vector<1x64xf32> to vector<256x64xf32>
    %mul3A_486 = arith.mulf %slice3A_478, %mul3A_485 : vector<256x64xf32>
    %reduce_sum3A_487 = arith.constant dense<0.000000e+00> : vector<256xf32>
    %reduce_sum3A_488 = vector.multi_reduction <add>, %mul3A_486, %reduce_sum3A_487 [1] : vector<256x64xf32> to vector<256xf32>
    %broadcast_in_dim3A_489 = vector.shape_cast %reduce_sum3A_488 : vector<256xf32> to vector<256x1xf32>
    %sub3A_490 = arith.constant 1.000000e+00 : f32
    %sub3A_491 = vector.broadcast %sub3A_490 : f32 to vector<256x1xf32>
    %sub3A_492 = arith.subf %broadcast_in_dim3A_484, %sub3A_491 : vector<256x1xf32>
    %add3A_493 = arith.addf %sub3A_492, %broadcast_in_dim3A_489 : vector<256x1xf32>
    %slice3A_494 = vector.extract_strided_slice %dot_general3A_480 {offsets = [255, 0], sizes = [1, 64], strides = [1, 1]} : vector<256x64xf32> to vector<1x64xf32>
    %add3A_495 = arith.addf %add3A_477, %slice3A_494 : vector<1x64xf32>
    %slice3A_496 = vector.extract_strided_slice %select_n3A {offsets = [6912, 0], sizes = [256, 64], strides = [1, 1]} : vector<8192x64xf32> to vector<256x64xf32>
    %dot_general3A_497 = arith.constant dense<0.000000e+00> : vector<256x64xf32>
    %dot_general3A_498 = tpu.matmul %select_n3A_13, %slice3A_496, %dot_general3A_497 {dimension_numbers = #tpu.dot_dimension_numbers<[1], [0], [0], [1], [0, 0, 1, 1], [], []>, transpose_lhs_hint = false} : vector<256x256xf32>, vector<256x64xf32>, vector<256x64xf32> -> vector<256x64xf32>
    %mul3A_499 = arith.mulf %slice3A_496, %dot_general3A_498 : vector<256x64xf32>
    %reduce_sum3A_500 = arith.constant dense<0.000000e+00> : vector<256xf32>
    %reduce_sum3A_501 = vector.multi_reduction <add>, %mul3A_499, %reduce_sum3A_500 [1] : vector<256x64xf32> to vector<256xf32>
    %broadcast_in_dim3A_502 = vector.shape_cast %reduce_sum3A_501 : vector<256xf32> to vector<256x1xf32>
    %mul3A_503 = vector.broadcast %add3A_495 : vector<1x64xf32> to vector<256x64xf32>
    %mul3A_504 = arith.mulf %slice3A_496, %mul3A_503 : vector<256x64xf32>
    %reduce_sum3A_505 = arith.constant dense<0.000000e+00> : vector<256xf32>
    %reduce_sum3A_506 = vector.multi_reduction <add>, %mul3A_504, %reduce_sum3A_505 [1] : vector<256x64xf32> to vector<256xf32>
    %broadcast_in_dim3A_507 = vector.shape_cast %reduce_sum3A_506 : vector<256xf32> to vector<256x1xf32>
    %sub3A_508 = arith.constant 1.000000e+00 : f32
    %sub3A_509 = vector.broadcast %sub3A_508 : f32 to vector<256x1xf32>
    %sub3A_510 = arith.subf %broadcast_in_dim3A_502, %sub3A_509 : vector<256x1xf32>
    %add3A_511 = arith.addf %sub3A_510, %broadcast_in_dim3A_507 : vector<256x1xf32>
    %slice3A_512 = vector.extract_strided_slice %dot_general3A_498 {offsets = [255, 0], sizes = [1, 64], strides = [1, 1]} : vector<256x64xf32> to vector<1x64xf32>
    %add3A_513 = arith.addf %add3A_495, %slice3A_512 : vector<1x64xf32>
    %slice3A_514 = vector.extract_strided_slice %select_n3A {offsets = [7168, 0], sizes = [256, 64], strides = [1, 1]} : vector<8192x64xf32> to vector<256x64xf32>
    %dot_general3A_515 = arith.constant dense<0.000000e+00> : vector<256x64xf32>
    %dot_general3A_516 = tpu.matmul %select_n3A_13, %slice3A_514, %dot_general3A_515 {dimension_numbers = #tpu.dot_dimension_numbers<[1], [0], [0], [1], [0, 0, 1, 1], [], []>, transpose_lhs_hint = false} : vector<256x256xf32>, vector<256x64xf32>, vector<256x64xf32> -> vector<256x64xf32>
    %mul3A_517 = arith.mulf %slice3A_514, %dot_general3A_516 : vector<256x64xf32>
    %reduce_sum3A_518 = arith.constant dense<0.000000e+00> : vector<256xf32>
    %reduce_sum3A_519 = vector.multi_reduction <add>, %mul3A_517, %reduce_sum3A_518 [1] : vector<256x64xf32> to vector<256xf32>
    %broadcast_in_dim3A_520 = vector.shape_cast %reduce_sum3A_519 : vector<256xf32> to vector<256x1xf32>
    %mul3A_521 = vector.broadcast %add3A_513 : vector<1x64xf32> to vector<256x64xf32>
    %mul3A_522 = arith.mulf %slice3A_514, %mul3A_521 : vector<256x64xf32>
    %reduce_sum3A_523 = arith.constant dense<0.000000e+00> : vector<256xf32>
    %reduce_sum3A_524 = vector.multi_reduction <add>, %mul3A_522, %reduce_sum3A_523 [1] : vector<256x64xf32> to vector<256xf32>
    %broadcast_in_dim3A_525 = vector.shape_cast %reduce_sum3A_524 : vector<256xf32> to vector<256x1xf32>
    %sub3A_526 = arith.constant 1.000000e+00 : f32
    %sub3A_527 = vector.broadcast %sub3A_526 : f32 to vector<256x1xf32>
    %sub3A_528 = arith.subf %broadcast_in_dim3A_520, %sub3A_527 : vector<256x1xf32>
    %add3A_529 = arith.addf %sub3A_528, %broadcast_in_dim3A_525 : vector<256x1xf32>
    %slice3A_530 = vector.extract_strided_slice %dot_general3A_516 {offsets = [255, 0], sizes = [1, 64], strides = [1, 1]} : vector<256x64xf32> to vector<1x64xf32>
    %add3A_531 = arith.addf %add3A_513, %slice3A_530 : vector<1x64xf32>
    %slice3A_532 = vector.extract_strided_slice %select_n3A {offsets = [7424, 0], sizes = [256, 64], strides = [1, 1]} : vector<8192x64xf32> to vector<256x64xf32>
    %dot_general3A_533 = arith.constant dense<0.000000e+00> : vector<256x64xf32>
    %dot_general3A_534 = tpu.matmul %select_n3A_13, %slice3A_532, %dot_general3A_533 {dimension_numbers = #tpu.dot_dimension_numbers<[1], [0], [0], [1], [0, 0, 1, 1], [], []>, transpose_lhs_hint = false} : vector<256x256xf32>, vector<256x64xf32>, vector<256x64xf32> -> vector<256x64xf32>
    %mul3A_535 = arith.mulf %slice3A_532, %dot_general3A_534 : vector<256x64xf32>
    %reduce_sum3A_536 = arith.constant dense<0.000000e+00> : vector<256xf32>
    %reduce_sum3A_537 = vector.multi_reduction <add>, %mul3A_535, %reduce_sum3A_536 [1] : vector<256x64xf32> to vector<256xf32>
    %broadcast_in_dim3A_538 = vector.shape_cast %reduce_sum3A_537 : vector<256xf32> to vector<256x1xf32>
    %mul3A_539 = vector.broadcast %add3A_531 : vector<1x64xf32> to vector<256x64xf32>
    %mul3A_540 = arith.mulf %slice3A_532, %mul3A_539 : vector<256x64xf32>
    %reduce_sum3A_541 = arith.constant dense<0.000000e+00> : vector<256xf32>
    %reduce_sum3A_542 = vector.multi_reduction <add>, %mul3A_540, %reduce_sum3A_541 [1] : vector<256x64xf32> to vector<256xf32>
    %broadcast_in_dim3A_543 = vector.shape_cast %reduce_sum3A_542 : vector<256xf32> to vector<256x1xf32>
    %sub3A_544 = arith.constant 1.000000e+00 : f32
    %sub3A_545 = vector.broadcast %sub3A_544 : f32 to vector<256x1xf32>
    %sub3A_546 = arith.subf %broadcast_in_dim3A_538, %sub3A_545 : vector<256x1xf32>
    %add3A_547 = arith.addf %sub3A_546, %broadcast_in_dim3A_543 : vector<256x1xf32>
    %slice3A_548 = vector.extract_strided_slice %dot_general3A_534 {offsets = [255, 0], sizes = [1, 64], strides = [1, 1]} : vector<256x64xf32> to vector<1x64xf32>
    %add3A_549 = arith.addf %add3A_531, %slice3A_548 : vector<1x64xf32>
    %slice3A_550 = vector.extract_strided_slice %select_n3A {offsets = [7680, 0], sizes = [256, 64], strides = [1, 1]} : vector<8192x64xf32> to vector<256x64xf32>
    %dot_general3A_551 = arith.constant dense<0.000000e+00> : vector<256x64xf32>
    %dot_general3A_552 = tpu.matmul %select_n3A_13, %slice3A_550, %dot_general3A_551 {dimension_numbers = #tpu.dot_dimension_numbers<[1], [0], [0], [1], [0, 0, 1, 1], [], []>, transpose_lhs_hint = false} : vector<256x256xf32>, vector<256x64xf32>, vector<256x64xf32> -> vector<256x64xf32>
    %mul3A_553 = arith.mulf %slice3A_550, %dot_general3A_552 : vector<256x64xf32>
    %reduce_sum3A_554 = arith.constant dense<0.000000e+00> : vector<256xf32>
    %reduce_sum3A_555 = vector.multi_reduction <add>, %mul3A_553, %reduce_sum3A_554 [1] : vector<256x64xf32> to vector<256xf32>
    %broadcast_in_dim3A_556 = vector.shape_cast %reduce_sum3A_555 : vector<256xf32> to vector<256x1xf32>
    %mul3A_557 = vector.broadcast %add3A_549 : vector<1x64xf32> to vector<256x64xf32>
    %mul3A_558 = arith.mulf %slice3A_550, %mul3A_557 : vector<256x64xf32>
    %reduce_sum3A_559 = arith.constant dense<0.000000e+00> : vector<256xf32>
    %reduce_sum3A_560 = vector.multi_reduction <add>, %mul3A_558, %reduce_sum3A_559 [1] : vector<256x64xf32> to vector<256xf32>
    %broadcast_in_dim3A_561 = vector.shape_cast %reduce_sum3A_560 : vector<256xf32> to vector<256x1xf32>
    %sub3A_562 = arith.constant 1.000000e+00 : f32
    %sub3A_563 = vector.broadcast %sub3A_562 : f32 to vector<256x1xf32>
    %sub3A_564 = arith.subf %broadcast_in_dim3A_556, %sub3A_563 : vector<256x1xf32>
    %add3A_565 = arith.addf %sub3A_564, %broadcast_in_dim3A_561 : vector<256x1xf32>
    %slice3A_566 = vector.extract_strided_slice %dot_general3A_552 {offsets = [255, 0], sizes = [1, 64], strides = [1, 1]} : vector<256x64xf32> to vector<1x64xf32>
    %add3A_567 = arith.addf %add3A_549, %slice3A_566 : vector<1x64xf32>
    %slice3A_568 = vector.extract_strided_slice %select_n3A {offsets = [7936, 0], sizes = [256, 64], strides = [1, 1]} : vector<8192x64xf32> to vector<256x64xf32>
    %dot_general3A_569 = arith.constant dense<0.000000e+00> : vector<256x64xf32>
    %dot_general3A_570 = tpu.matmul %select_n3A_13, %slice3A_568, %dot_general3A_569 {dimension_numbers = #tpu.dot_dimension_numbers<[1], [0], [0], [1], [0, 0, 1, 1], [], []>, transpose_lhs_hint = false} : vector<256x256xf32>, vector<256x64xf32>, vector<256x64xf32> -> vector<256x64xf32>
    %mul3A_571 = arith.mulf %slice3A_568, %dot_general3A_570 : vector<256x64xf32>
    %reduce_sum3A_572 = arith.constant dense<0.000000e+00> : vector<256xf32>
    %reduce_sum3A_573 = vector.multi_reduction <add>, %mul3A_571, %reduce_sum3A_572 [1] : vector<256x64xf32> to vector<256xf32>
    %broadcast_in_dim3A_574 = vector.shape_cast %reduce_sum3A_573 : vector<256xf32> to vector<256x1xf32>
    %mul3A_575 = vector.broadcast %add3A_567 : vector<1x64xf32> to vector<256x64xf32>
    %mul3A_576 = arith.mulf %slice3A_568, %mul3A_575 : vector<256x64xf32>
    %reduce_sum3A_577 = arith.constant dense<0.000000e+00> : vector<256xf32>
    %reduce_sum3A_578 = vector.multi_reduction <add>, %mul3A_576, %reduce_sum3A_577 [1] : vector<256x64xf32> to vector<256xf32>
    %broadcast_in_dim3A_579 = vector.shape_cast %reduce_sum3A_578 : vector<256xf32> to vector<256x1xf32>
    %sub3A_580 = arith.constant 1.000000e+00 : f32
    %sub3A_581 = vector.broadcast %sub3A_580 : f32 to vector<256x1xf32>
    %sub3A_582 = arith.subf %broadcast_in_dim3A_574, %sub3A_581 : vector<256x1xf32>
    %add3A_583 = arith.addf %sub3A_582, %broadcast_in_dim3A_579 : vector<256x1xf32>
    %slice3A_584 = vector.extract_strided_slice %dot_general3A_570 {offsets = [255, 0], sizes = [1, 64], strides = [1, 1]} : vector<256x64xf32> to vector<1x64xf32>
    %add3A_585 = arith.addf %add3A_567, %slice3A_584 : vector<1x64xf32>
    %concatenate3A = tpu.concatenate %add3A, %add3A_43, %add3A_61, %add3A_79, %add3A_97, %add3A_115, %add3A_133, %add3A_151, %add3A_169, %add3A_187, %add3A_205, %add3A_223, %add3A_241, %add3A_259, %add3A_277, %add3A_295, %add3A_313, %add3A_331, %add3A_349, %add3A_367, %add3A_385, %add3A_403, %add3A_421, %add3A_439, %add3A_457, %add3A_475, %add3A_493, %add3A_511, %add3A_529, %add3A_547, %add3A_565, %add3A_583 in 0 : vector<256x1xf32>, vector<256x1xf32>, vector<256x1xf32>, vector<256x1xf32>, vector<256x1xf32>, vector<256x1xf32>, vector<256x1xf32>, vector<256x1xf32>, vector<256x1xf32>, vector<256x1xf32>, vector<256x1xf32>, vector<256x1xf32>, vector<256x1xf32>, vector<256x1xf32>, vector<256x1xf32>, vector<256x1xf32>, vector<256x1xf32>, vector<256x1xf32>, vector<256x1xf32>, vector<256x1xf32>, vector<256x1xf32>, vector<256x1xf32>, vector<256x1xf32>, vector<256x1xf32>, vector<256x1xf32>, vector<256x1xf32>, vector<256x1xf32>, vector<256x1xf32>, vector<256x1xf32>, vector<256x1xf32>, vector<256x1xf32>, vector<256x1xf32> -> vector<8192x1xf32>
    %lt3A = vector.broadcast %get3A_3 : vector<8192x1xi32> to vector<8192x64xi32>
    %lt3A_586 = arith.cmpi slt, %iota3A, %lt3A : vector<8192x64xi32>
    %jit3A_587 = arith.constant 1.000000e+00 : f32
    %jit3A_588 = arith.constant 0.000000e+00 : f32
    %broadcast_in_dim3A_589 = vector.broadcast %jit3A_587 : f32 to vector<8192x64xf32>
    %broadcast_in_dim3A_590 = vector.broadcast %jit3A_588 : f32 to vector<8192x64xf32>
    %select_n3A_591 = arith.select %lt3A_586, %broadcast_in_dim3A_589, %broadcast_in_dim3A_590 : vector<8192x64xi1>, vector<8192x64xf32>
    %mul3A_592 = vector.broadcast %add3A_585 : vector<1x64xf32> to vector<8192x64xf32>
    %mul3A_593 = arith.mulf %select_n3A_591, %mul3A_592 : vector<8192x64xf32>
    %reduce_sum3A_594 = arith.constant dense<0.000000e+00> : vector<8192xf32>
    %reduce_sum3A_595 = vector.multi_reduction <add>, %mul3A_593, %reduce_sum3A_594 [1] : vector<8192x64xf32> to vector<8192xf32>
    %broadcast_in_dim3A_596 = vector.shape_cast %reduce_sum3A_595 : vector<8192xf32> to vector<8192x1xf32>
    %add3A_597 = arith.addf %concatenate3A, %broadcast_in_dim3A_596 : vector<8192x1xf32>
    %convert_element_type3A = arith.fptosi %add3A_597 : vector<8192x1xf32> to vector<8192x1xi32>
    %mul3A_598 = arith.constant 8192 : i32
    %mul3A_599 = arith.muli %arg0, %mul3A_598 : i32
    %add3A_600 = vector.broadcast %mul3A_599 : i32 to vector<8192x1xi32>
    %add3A_601 = arith.addi %convert_element_type3A, %add3A_600 : vector<8192x1xi32>
    %swap3A = arith.constant 0 : index
    %swap3A_602 = arith.constant 0 : index
    %swap3A_603 = arith.constant 0 : index
    %swap3A_604 = vector.load %arg2[%swap3A, %swap3A_602, %swap3A_603] : memref<1x8192x1xi32, #tpu.memory_space<vmem>>, vector<1x8192x1xi32>
    %swap3A_605 = vector.shape_cast %swap3A_604 : vector<1x8192x1xi32> to vector<8192x1xi32>
    %swap3A_606 = vector.shape_cast %add3A_601 : vector<8192x1xi32> to vector<1x8192x1xi32>
    tpu.vector_store %arg2[%swap3A, %swap3A_602, %swap3A_603], %swap3A_606 {strides = array<i32>} : memref<1x8192x1xi32, #tpu.memory_space<vmem>>, vector<1x8192x1xi32>,
    return
  }
  func.func @transform_0(%arg0: i32) -> (i32, i32, i32) {
    %c0_i32 = arith.constant 0 : i32
    %c0_i32_0 = arith.constant 0 : i32
    %c0_i32_1 = arith.constant 0 : i32
    return %arg0, %c0_i32, %c0_i32_0 : i32, i32, i32
  }
  func.func @transform_1(%arg0: i32) -> (i32, i32, i32) {
    %c0_i32 = arith.constant 0 : i32
    %c0_i32_0 = arith.constant 0 : i32
    %c0_i32_1 = arith.constant 0 : i32
    return %arg0, %c0_i32, %c0_i32_0 : i32, i32, i32
  }
}

module attributes {stable_mosaic.version = 14 : i64} {
  func.func @_chunk_body(%arg0: i32, %arg1: memref<2048x128xf32, #tpu.memory_space<vmem>>, %arg2: memref<1x128xf32, #tpu.memory_space<vmem>>, %arg3: memref<1x128xf32, #tpu.memory_space<vmem>>, %arg4: memref<128x128xf32, #tpu.memory_space<vmem>>, %arg5: memref<1x128xf32, #tpu.memory_space<vmem>>, %arg6: memref<128x128xf32, #tpu.memory_space<vmem>>, %arg7: memref<1x128xf32, #tpu.memory_space<vmem>>, %arg8: memref<128x64xf32, #tpu.memory_space<vmem>>, %arg9: memref<1x64xf32, #tpu.memory_space<vmem>>, %arg10: memref<128x384xf32, #tpu.memory_space<vmem>>, %arg11: memref<1x128xf32, #tpu.memory_space<vmem>>, %arg12: memref<2048x128xf32, #tpu.memory_space<vmem>>) attributes {dimension_semantics = [#tpu.dimension_semantics<arbitrary>], iteration_bounds = array<i64: 16>, scalar_prefetch = 0 : i64, scratch_operands = 0 : i64, tpu.core_type = #tpu.core_type<tc>, window_params = [{transform_indices = @transform_0, window_bounds = array<i64: 2048, 128>}, {pipeline_mode = #tpu.pipeline_mode<synchronous>, transform_indices = @transform_1, window_bounds = array<i64: 1, 128>}, {pipeline_mode = #tpu.pipeline_mode<synchronous>, transform_indices = @transform_2, window_bounds = array<i64: 1, 128>}, {pipeline_mode = #tpu.pipeline_mode<synchronous>, transform_indices = @transform_3, window_bounds = array<i64: 128, 128>}, {pipeline_mode = #tpu.pipeline_mode<synchronous>, transform_indices = @transform_4, window_bounds = array<i64: 1, 128>}, {pipeline_mode = #tpu.pipeline_mode<synchronous>, transform_indices = @transform_5, window_bounds = array<i64: 128, 128>}, {pipeline_mode = #tpu.pipeline_mode<synchronous>, transform_indices = @transform_6, window_bounds = array<i64: 1, 128>}, {pipeline_mode = #tpu.pipeline_mode<synchronous>, transform_indices = @transform_7, window_bounds = array<i64: 128, 64>}, {pipeline_mode = #tpu.pipeline_mode<synchronous>, transform_indices = @transform_8, window_bounds = array<i64: 1, 64>}, {pipeline_mode = #tpu.pipeline_mode<synchronous>, transform_indices = @transform_9, window_bounds = array<i64: 128, 384>}, {pipeline_mode = #tpu.pipeline_mode<synchronous>, transform_indices = @transform_10, window_bounds = array<i64: 1, 128>}, {transform_indices = @transform_11, window_bounds = array<i64: 2048, 128>}]} {
    %get3A = arith.constant 0 : index
    %get3A_0 = arith.constant 0 : index
    %get3A_1 = vector.load %arg1[%get3A, %get3A_0] : memref<2048x128xf32, #tpu.memory_space<vmem>>, vector<2048x128xf32>
    %reduce_sum3A = arith.constant dense<0.000000e+00> : vector<2048xf32>
    %reduce_sum3A_2 = vector.multi_reduction <add>, %get3A_1, %reduce_sum3A [1] : vector<2048x128xf32> to vector<2048xf32>
    %broadcast_in_dim3A = vector.shape_cast %reduce_sum3A_2 : vector<2048xf32> to vector<2048x1xf32>
    %div3A = arith.constant 1.280000e+02 : f32
    %div3A_3 = vector.broadcast %div3A : f32 to vector<2048x1xf32>
    %div3A_4 = arith.divf %broadcast_in_dim3A, %div3A_3 : vector<2048x1xf32>
    %sub3A = vector.broadcast %div3A_4 : vector<2048x1xf32> to vector<2048x128xf32>
    %sub3A_5 = arith.subf %get3A_1, %sub3A : vector<2048x128xf32>
    %square3A = arith.mulf %sub3A_5, %sub3A_5 : vector<2048x128xf32>
    %reduce_sum3A_6 = arith.constant dense<0.000000e+00> : vector<2048xf32>
    %reduce_sum3A_7 = vector.multi_reduction <add>, %square3A, %reduce_sum3A_6 [1] : vector<2048x128xf32> to vector<2048xf32>
    %broadcast_in_dim3A_8 = vector.shape_cast %reduce_sum3A_7 : vector<2048xf32> to vector<2048x1xf32>
    %div3A_9 = arith.constant 1.280000e+02 : f32
    %div3A_10 = vector.broadcast %div3A_9 : f32 to vector<2048x1xf32>
    %div3A_11 = arith.divf %broadcast_in_dim3A_8, %div3A_10 : vector<2048x1xf32>
    %sub3A_12 = vector.broadcast %div3A_4 : vector<2048x1xf32> to vector<2048x128xf32>
    %sub3A_13 = arith.subf %get3A_1, %sub3A_12 : vector<2048x128xf32>
    %add3A = arith.constant 9.99999974E-6 : f32
    %add3A_14 = vector.broadcast %add3A : f32 to vector<2048x1xf32>
    %add3A_15 = arith.addf %div3A_11, %add3A_14 : vector<2048x1xf32>
    %sqrt3A = math.sqrt %add3A_15 : vector<2048x1xf32>
    %div3A_16 = vector.broadcast %sqrt3A : vector<2048x1xf32> to vector<2048x128xf32>
    %div3A_17 = arith.divf %sub3A_13, %div3A_16 : vector<2048x128xf32>
    %get3A_18 = arith.constant 0 : index
    %get3A_19 = arith.constant 0 : index
    %get3A_20 = vector.load %arg2[%get3A_18, %get3A_19] : memref<1x128xf32, #tpu.memory_space<vmem>>, vector<1x128xf32>
    %get3A_21 = vector.shape_cast %get3A_20 : vector<1x128xf32> to vector<128xf32>
    %broadcast_in_dim3A_22 = vector.shape_cast %get3A_21 : vector<128xf32> to vector<1x128xf32>
    %mul3A = vector.broadcast %broadcast_in_dim3A_22 : vector<1x128xf32> to vector<2048x128xf32>
    %mul3A_23 = arith.mulf %div3A_17, %mul3A : vector<2048x128xf32>
    %get3A_24 = arith.constant 0 : index
    %get3A_25 = arith.constant 0 : index
    %get3A_26 = vector.load %arg3[%get3A_24, %get3A_25] : memref<1x128xf32, #tpu.memory_space<vmem>>, vector<1x128xf32>
    %get3A_27 = vector.shape_cast %get3A_26 : vector<1x128xf32> to vector<128xf32>
    %broadcast_in_dim3A_28 = vector.shape_cast %get3A_27 : vector<128xf32> to vector<1x128xf32>
    %add3A_29 = vector.broadcast %broadcast_in_dim3A_28 : vector<1x128xf32> to vector<2048x128xf32>
    %add3A_30 = arith.addf %mul3A_23, %add3A_29 : vector<2048x128xf32>
    %get3A_31 = arith.constant 0 : index
    %get3A_32 = arith.constant 0 : index
    %get3A_33 = vector.load %arg4[%get3A_31, %get3A_32] : memref<128x128xf32, #tpu.memory_space<vmem>>, vector<128x128xf32>
    %dot_general3A = arith.constant dense<0.000000e+00> : vector<2048x128xf32>
    %dot_general3A_34 = tpu.matmul %add3A_30, %get3A_33, %dot_general3A {dimension_numbers = #tpu.dot_dimension_numbers<[1], [0], [0], [1], [0, 0, 1, 1], [], []>, transpose_lhs_hint = false} : vector<2048x128xf32>, vector<128x128xf32>, vector<2048x128xf32> -> vector<2048x128xf32>
    %get3A_35 = arith.constant 0 : index
    %get3A_36 = arith.constant 0 : index
    %get3A_37 = vector.load %arg5[%get3A_35, %get3A_36] : memref<1x128xf32, #tpu.memory_space<vmem>>, vector<1x128xf32>
    %get3A_38 = vector.shape_cast %get3A_37 : vector<1x128xf32> to vector<128xf32>
    %broadcast_in_dim3A_39 = vector.shape_cast %get3A_38 : vector<128xf32> to vector<1x128xf32>
    %add3A_40 = vector.broadcast %broadcast_in_dim3A_39 : vector<1x128xf32> to vector<2048x128xf32>
    %add3A_41 = arith.addf %dot_general3A_34, %add3A_40 : vector<2048x128xf32>
    %gt3A = arith.constant 0.000000e+00 : f32
    %gt3A_42 = vector.broadcast %gt3A : f32 to vector<2048x128xf32>
    %gt3A_43 = arith.cmpf ogt, %add3A_41, %gt3A_42 : vector<2048x128xf32>
    %exp3A = math.exp %add3A_41 : vector<2048x128xf32>
    %sub3A_44 = arith.constant 1.000000e+00 : f32
    %sub3A_45 = vector.broadcast %sub3A_44 : f32 to vector<2048x128xf32>
    %sub3A_46 = arith.subf %exp3A, %sub3A_45 : vector<2048x128xf32>
    %select_n3A = arith.select %gt3A_43, %add3A_41, %sub3A_46 : vector<2048x128xi1>, vector<2048x128xf32>
    %get3A_47 = arith.constant 0 : index
    %get3A_48 = arith.constant 0 : index
    %get3A_49 = vector.load %arg6[%get3A_47, %get3A_48] : memref<128x128xf32, #tpu.memory_space<vmem>>, vector<128x128xf32>
    %dot_general3A_50 = arith.constant dense<0.000000e+00> : vector<2048x128xf32>
    %dot_general3A_51 = tpu.matmul %select_n3A, %get3A_49, %dot_general3A_50 {dimension_numbers = #tpu.dot_dimension_numbers<[1], [0], [0], [1], [0, 0, 1, 1], [], []>, transpose_lhs_hint = false} : vector<2048x128xf32>, vector<128x128xf32>, vector<2048x128xf32> -> vector<2048x128xf32>
    %get3A_52 = arith.constant 0 : index
    %get3A_53 = arith.constant 0 : index
    %get3A_54 = vector.load %arg7[%get3A_52, %get3A_53] : memref<1x128xf32, #tpu.memory_space<vmem>>, vector<1x128xf32>
    %get3A_55 = vector.shape_cast %get3A_54 : vector<1x128xf32> to vector<128xf32>
    %broadcast_in_dim3A_56 = vector.shape_cast %get3A_55 : vector<128xf32> to vector<1x128xf32>
    %add3A_57 = vector.broadcast %broadcast_in_dim3A_56 : vector<1x128xf32> to vector<2048x128xf32>
    %add3A_58 = arith.addf %dot_general3A_51, %add3A_57 : vector<2048x128xf32>
    %gt3A_59 = arith.constant 0.000000e+00 : f32
    %gt3A_60 = vector.broadcast %gt3A_59 : f32 to vector<2048x128xf32>
    %gt3A_61 = arith.cmpf ogt, %add3A_58, %gt3A_60 : vector<2048x128xf32>
    %exp3A_62 = math.exp %add3A_58 : vector<2048x128xf32>
    %sub3A_63 = arith.constant 1.000000e+00 : f32
    %sub3A_64 = vector.broadcast %sub3A_63 : f32 to vector<2048x128xf32>
    %sub3A_65 = arith.subf %exp3A_62, %sub3A_64 : vector<2048x128xf32>
    %select_n3A_66 = arith.select %gt3A_61, %add3A_58, %sub3A_65 : vector<2048x128xi1>, vector<2048x128xf32>
    %get3A_67 = arith.constant 0 : index
    %get3A_68 = arith.constant 0 : index
    %get3A_69 = vector.load %arg8[%get3A_67, %get3A_68] : memref<128x64xf32, #tpu.memory_space<vmem>>, vector<128x64xf32>
    %dot_general3A_70 = arith.constant dense<0.000000e+00> : vector<2048x64xf32>
    %dot_general3A_71 = tpu.matmul %select_n3A_66, %get3A_69, %dot_general3A_70 {dimension_numbers = #tpu.dot_dimension_numbers<[1], [0], [0], [1], [0, 0, 1, 1], [], []>, transpose_lhs_hint = false} : vector<2048x128xf32>, vector<128x64xf32>, vector<2048x64xf32> -> vector<2048x64xf32>
    %get3A_72 = arith.constant 0 : index
    %get3A_73 = arith.constant 0 : index
    %get3A_74 = vector.load %arg9[%get3A_72, %get3A_73] : memref<1x64xf32, #tpu.memory_space<vmem>>, vector<1x64xf32>
    %get3A_75 = vector.shape_cast %get3A_74 : vector<1x64xf32> to vector<64xf32>
    %broadcast_in_dim3A_76 = vector.shape_cast %get3A_75 : vector<64xf32> to vector<1x64xf32>
    %add3A_77 = vector.broadcast %broadcast_in_dim3A_76 : vector<1x64xf32> to vector<2048x64xf32>
    %add3A_78 = arith.addf %dot_general3A_71, %add3A_77 : vector<2048x64xf32>
    %gt3A_79 = arith.constant 0.000000e+00 : f32
    %gt3A_80 = vector.broadcast %gt3A_79 : f32 to vector<2048x64xf32>
    %gt3A_81 = arith.cmpf ogt, %add3A_78, %gt3A_80 : vector<2048x64xf32>
    %exp3A_82 = math.exp %add3A_78 : vector<2048x64xf32>
    %sub3A_83 = arith.constant 1.000000e+00 : f32
    %sub3A_84 = vector.broadcast %sub3A_83 : f32 to vector<2048x64xf32>
    %sub3A_85 = arith.subf %exp3A_82, %sub3A_84 : vector<2048x64xf32>
    %select_n3A_86 = arith.select %gt3A_81, %add3A_78, %sub3A_85 : vector<2048x64xi1>, vector<2048x64xf32>
    %get3A_87 = arith.constant 0 : index
    %get3A_88 = arith.constant 0 : index
    %get3A_89 = vector.load %arg10[%get3A_87, %get3A_88] : memref<128x384xf32, #tpu.memory_space<vmem>>, vector<128x384xf32>
    %dot_general3A_90 = arith.constant dense<0.000000e+00> : vector<2048x384xf32>
    %dot_general3A_91 = tpu.matmul %add3A_30, %get3A_89, %dot_general3A_90 {dimension_numbers = #tpu.dot_dimension_numbers<[1], [0], [0], [1], [0, 0, 1, 1], [], []>, transpose_lhs_hint = false} : vector<2048x128xf32>, vector<128x384xf32>, vector<2048x384xf32> -> vector<2048x384xf32>
    %slice3A = vector.extract_strided_slice %dot_general3A_91 {offsets = [0, 0], sizes = [2048, 128], strides = [1, 1]} : vector<2048x384xf32> to vector<2048x128xf32>
    %slice3A_92 = vector.extract_strided_slice %dot_general3A_91 {offsets = [0, 128], sizes = [2048, 128], strides = [1, 1]} : vector<2048x384xf32> to vector<2048x128xf32>
    %get3A_93 = arith.constant 0 : index
    %get3A_94 = arith.constant 0 : index
    %get3A_95 = vector.load %arg11[%get3A_93, %get3A_94] : memref<1x128xf32, #tpu.memory_space<vmem>>, vector<1x128xf32>
    %get3A_96 = vector.shape_cast %get3A_95 : vector<1x128xf32> to vector<128xf32>
    %broadcast_in_dim3A_97 = vector.shape_cast %get3A_96 : vector<128xf32> to vector<1x128xf32>
    %add3A_98 = vector.broadcast %broadcast_in_dim3A_97 : vector<1x128xf32> to vector<2048x128xf32>
    %add3A_99 = arith.addf %slice3A_92, %add3A_98 : vector<2048x128xf32>
    %neg3A = arith.constant 0.000000e+00 : f32
    %neg3A_100 = vector.broadcast %neg3A : f32 to vector<2048x128xf32>
    %neg3A_101 = arith.subf %neg3A_100, %add3A_99 : vector<2048x128xf32>
    %exp3A_102 = math.exp %neg3A_101 : vector<2048x128xf32>
    %add3A_103 = arith.constant 1.000000e+00 : f32
    %add3A_104 = vector.broadcast %add3A_103 : f32 to vector<2048x128xf32>
    %add3A_105 = arith.addf %add3A_104, %exp3A_102 : vector<2048x128xf32>
    %div3A_106 = arith.constant 1.000000e+00 : f32
    %div3A_107 = vector.broadcast %div3A_106 : f32 to vector<2048x128xf32>
    %div3A_108 = arith.divf %div3A_107, %add3A_105 : vector<2048x128xf32>
    %slice3A_109 = vector.extract_strided_slice %dot_general3A_91 {offsets = [0, 256], sizes = [2048, 128], strides = [1, 1]} : vector<2048x384xf32> to vector<2048x128xf32>
    %slice3A_110 = vector.extract_strided_slice %select_n3A_86 {offsets = [0, 0], sizes = [128, 64], strides = [1, 1]} : vector<2048x64xf32> to vector<128x64xf32>
    %dot_general3A_111 = arith.constant dense<0.000000e+00> : vector<128x128xf32>
    %dot_general3A_112 = tpu.matmul %slice3A_110, %slice3A_110, %dot_general3A_111 {dimension_numbers = #tpu.dot_dimension_numbers<[1], [1], [0], [0], [0, 0, 1, 0], [], []>, transpose_lhs_hint = false} : vector<128x64xf32>, vector<128x64xf32>, vector<128x128xf32> -> vector<128x128xf32>
    %mul3A_113 = arith.mulf %slice3A_110, %slice3A_110 : vector<128x64xf32>
    %reduce_sum3A_114 = arith.constant dense<0.000000e+00> : vector<128xf32>
    %reduce_sum3A_115 = vector.multi_reduction <add>, %mul3A_113, %reduce_sum3A_114 [1] : vector<128x64xf32> to vector<128xf32>
    %broadcast_in_dim3A_116 = vector.shape_cast %reduce_sum3A_115 : vector<128xf32> to vector<128x1xf32>
    %broadcast_in_dim3A_117 = arith.constant 1.000000e+00 : f32
    %broadcast_in_dim3A_118 = vector.broadcast %broadcast_in_dim3A_117 : f32 to vector<128x1xf32>
    %dot_general3A_119 = arith.constant dense<0.000000e+00> : vector<128x128xf32>
    %dot_general3A_120 = tpu.matmul %broadcast_in_dim3A_118, %broadcast_in_dim3A_116, %dot_general3A_119 {dimension_numbers = #tpu.dot_dimension_numbers<[1], [1], [0], [0], [0, 0, 1, 0], [], []>, transpose_lhs_hint = false} : vector<128x1xf32>, vector<128x1xf32>, vector<128x128xf32> -> vector<128x128xf32>
    %mul3A_121 = arith.constant 2.000000e+00 : f32
    %mul3A_122 = vector.broadcast %mul3A_121 : f32 to vector<128x128xf32>
    %mul3A_123 = arith.mulf %mul3A_122, %dot_general3A_112 : vector<128x128xf32>
    %sub3A_124 = vector.broadcast %broadcast_in_dim3A_116 : vector<128x1xf32> to vector<128x128xf32>
    %sub3A_125 = arith.subf %sub3A_124, %mul3A_123 : vector<128x128xf32>
    %add3A_126 = arith.addf %sub3A_125, %dot_general3A_120 : vector<128x128xf32>
    %jit3A = arith.constant 9.99999997E-7 : f32
    %jit3A_127 = arith.constant 1.000000e+06 : f32
    %max3A = vector.broadcast %jit3A : f32 to vector<128x128xf32>
    %max3A_128 = arith.maximumf %max3A, %add3A_126 : vector<128x128xf32>
    %min3A = vector.broadcast %jit3A_127 : f32 to vector<128x128xf32>
    %min3A_129 = arith.minimumf %min3A, %max3A_128 : vector<128x128xf32>
    %sqrt3A_130 = math.sqrt %min3A_129 : vector<128x128xf32>
    %mul3A_131 = arith.constant -1.000000e-01 : f32
    %mul3A_132 = vector.broadcast %mul3A_131 : f32 to vector<128x128xf32>
    %mul3A_133 = arith.mulf %mul3A_132, %sqrt3A_130 : vector<128x128xf32>
    %exp3A_134 = math.exp %mul3A_133 : vector<128x128xf32>
    %jit3A_135 = arith.constant 0.000000e+00 : f32
    %jit3A_136 = arith.constant 1.000000e+00 : f32
    %max3A_137 = vector.broadcast %jit3A_135 : f32 to vector<128x128xf32>
    %max3A_138 = arith.maximumf %max3A_137, %exp3A_134 : vector<128x128xf32>
    %min3A_139 = vector.broadcast %jit3A_136 : f32 to vector<128x128xf32>
    %min3A_140 = arith.minimumf %min3A_139, %max3A_138 : vector<128x128xf32>
    %slice3A_141 = vector.extract_strided_slice %slice3A {offsets = [0, 0], sizes = [128, 128], strides = [1, 1]} : vector<2048x128xf32> to vector<128x128xf32>
    %dot_general3A_142 = arith.constant dense<0.000000e+00> : vector<128x128xf32>
    %dot_general3A_143 = tpu.matmul %min3A_140, %slice3A_141, %dot_general3A_142 {dimension_numbers = #tpu.dot_dimension_numbers<[1], [0], [0], [1], [0, 0, 1, 1], [], []>, transpose_lhs_hint = false} : vector<128x128xf32>, vector<128x128xf32>, vector<128x128xf32> -> vector<128x128xf32>
    %slice3A_144 = vector.extract_strided_slice %div3A_108 {offsets = [0, 0], sizes = [128, 128], strides = [1, 1]} : vector<2048x128xf32> to vector<128x128xf32>
    %mul3A_145 = arith.mulf %slice3A_144, %dot_general3A_143 : vector<128x128xf32>
    %sub3A_146 = arith.constant 1.000000e+00 : f32
    %sub3A_147 = vector.broadcast %sub3A_146 : f32 to vector<128x128xf32>
    %sub3A_148 = arith.subf %sub3A_147, %slice3A_144 : vector<128x128xf32>
    %slice3A_149 = vector.extract_strided_slice %slice3A_109 {offsets = [0, 0], sizes = [128, 128], strides = [1, 1]} : vector<2048x128xf32> to vector<128x128xf32>
    %mul3A_150 = arith.mulf %sub3A_148, %slice3A_149 : vector<128x128xf32>
    %add3A_151 = arith.addf %mul3A_145, %mul3A_150 : vector<128x128xf32>
    %gt3A_152 = arith.constant 0.000000e+00 : f32
    %gt3A_153 = vector.broadcast %gt3A_152 : f32 to vector<128x128xf32>
    %gt3A_154 = arith.cmpf ogt, %add3A_151, %gt3A_153 : vector<128x128xf32>
    %exp3A_155 = math.exp %add3A_151 : vector<128x128xf32>
    %sub3A_156 = arith.constant 1.000000e+00 : f32
    %sub3A_157 = vector.broadcast %sub3A_156 : f32 to vector<128x128xf32>
    %sub3A_158 = arith.subf %exp3A_155, %sub3A_157 : vector<128x128xf32>
    %select_n3A_159 = arith.select %gt3A_154, %add3A_151, %sub3A_158 : vector<128x128xi1>, vector<128x128xf32>
    %swap3A = arith.constant 0 : index
    %swap3A_160 = arith.constant 0 : index
    %swap3A_161 = vector.load %arg12[%swap3A, %swap3A_160] : memref<2048x128xf32, #tpu.memory_space<vmem>>, vector<128x128xf32>
    tpu.vector_store %arg12[%swap3A, %swap3A_160], %select_n3A_159 {strides = array<i32>} : memref<2048x128xf32, #tpu.memory_space<vmem>>, vector<128x128xf32>,
    %slice3A_162 = vector.extract_strided_slice %select_n3A_86 {offsets = [128, 0], sizes = [128, 64], strides = [1, 1]} : vector<2048x64xf32> to vector<128x64xf32>
    %dot_general3A_163 = arith.constant dense<0.000000e+00> : vector<128x128xf32>
    %dot_general3A_164 = tpu.matmul %slice3A_162, %slice3A_162, %dot_general3A_163 {dimension_numbers = #tpu.dot_dimension_numbers<[1], [1], [0], [0], [0, 0, 1, 0], [], []>, transpose_lhs_hint = false} : vector<128x64xf32>, vector<128x64xf32>, vector<128x128xf32> -> vector<128x128xf32>
    %mul3A_165 = arith.mulf %slice3A_162, %slice3A_162 : vector<128x64xf32>
    %reduce_sum3A_166 = arith.constant dense<0.000000e+00> : vector<128xf32>
    %reduce_sum3A_167 = vector.multi_reduction <add>, %mul3A_165, %reduce_sum3A_166 [1] : vector<128x64xf32> to vector<128xf32>
    %broadcast_in_dim3A_168 = vector.shape_cast %reduce_sum3A_167 : vector<128xf32> to vector<128x1xf32>
    %broadcast_in_dim3A_169 = arith.constant 1.000000e+00 : f32
    %broadcast_in_dim3A_170 = vector.broadcast %broadcast_in_dim3A_169 : f32 to vector<128x1xf32>
    %dot_general3A_171 = arith.constant dense<0.000000e+00> : vector<128x128xf32>
    %dot_general3A_172 = tpu.matmul %broadcast_in_dim3A_170, %broadcast_in_dim3A_168, %dot_general3A_171 {dimension_numbers = #tpu.dot_dimension_numbers<[1], [1], [0], [0], [0, 0, 1, 0], [], []>, transpose_lhs_hint = false} : vector<128x1xf32>, vector<128x1xf32>, vector<128x128xf32> -> vector<128x128xf32>
    %mul3A_173 = arith.constant 2.000000e+00 : f32
    %mul3A_174 = vector.broadcast %mul3A_173 : f32 to vector<128x128xf32>
    %mul3A_175 = arith.mulf %mul3A_174, %dot_general3A_164 : vector<128x128xf32>
    %sub3A_176 = vector.broadcast %broadcast_in_dim3A_168 : vector<128x1xf32> to vector<128x128xf32>
    %sub3A_177 = arith.subf %sub3A_176, %mul3A_175 : vector<128x128xf32>
    %add3A_178 = arith.addf %sub3A_177, %dot_general3A_172 : vector<128x128xf32>
    %jit3A_179 = arith.constant 9.99999997E-7 : f32
    %jit3A_180 = arith.constant 1.000000e+06 : f32
    %max3A_181 = vector.broadcast %jit3A_179 : f32 to vector<128x128xf32>
    %max3A_182 = arith.maximumf %max3A_181, %add3A_178 : vector<128x128xf32>
    %min3A_183 = vector.broadcast %jit3A_180 : f32 to vector<128x128xf32>
    %min3A_184 = arith.minimumf %min3A_183, %max3A_182 : vector<128x128xf32>
    %sqrt3A_185 = math.sqrt %min3A_184 : vector<128x128xf32>
    %mul3A_186 = arith.constant -1.000000e-01 : f32
    %mul3A_187 = vector.broadcast %mul3A_186 : f32 to vector<128x128xf32>
    %mul3A_188 = arith.mulf %mul3A_187, %sqrt3A_185 : vector<128x128xf32>
    %exp3A_189 = math.exp %mul3A_188 : vector<128x128xf32>
    %jit3A_190 = arith.constant 0.000000e+00 : f32
    %jit3A_191 = arith.constant 1.000000e+00 : f32
    %max3A_192 = vector.broadcast %jit3A_190 : f32 to vector<128x128xf32>
    %max3A_193 = arith.maximumf %max3A_192, %exp3A_189 : vector<128x128xf32>
    %min3A_194 = vector.broadcast %jit3A_191 : f32 to vector<128x128xf32>
    %min3A_195 = arith.minimumf %min3A_194, %max3A_193 : vector<128x128xf32>
    %slice3A_196 = vector.extract_strided_slice %slice3A {offsets = [128, 0], sizes = [128, 128], strides = [1, 1]} : vector<2048x128xf32> to vector<128x128xf32>
    %dot_general3A_197 = arith.constant dense<0.000000e+00> : vector<128x128xf32>
    %dot_general3A_198 = tpu.matmul %min3A_195, %slice3A_196, %dot_general3A_197 {dimension_numbers = #tpu.dot_dimension_numbers<[1], [0], [0], [1], [0, 0, 1, 1], [], []>, transpose_lhs_hint = false} : vector<128x128xf32>, vector<128x128xf32>, vector<128x128xf32> -> vector<128x128xf32>
    %slice3A_199 = vector.extract_strided_slice %div3A_108 {offsets = [128, 0], sizes = [128, 128], strides = [1, 1]} : vector<2048x128xf32> to vector<128x128xf32>
    %mul3A_200 = arith.mulf %slice3A_199, %dot_general3A_198 : vector<128x128xf32>
    %sub3A_201 = arith.constant 1.000000e+00 : f32
    %sub3A_202 = vector.broadcast %sub3A_201 : f32 to vector<128x128xf32>
    %sub3A_203 = arith.subf %sub3A_202, %slice3A_199 : vector<128x128xf32>
    %slice3A_204 = vector.extract_strided_slice %slice3A_109 {offsets = [128, 0], sizes = [128, 128], strides = [1, 1]} : vector<2048x128xf32> to vector<128x128xf32>
    %mul3A_205 = arith.mulf %sub3A_203, %slice3A_204 : vector<128x128xf32>
    %add3A_206 = arith.addf %mul3A_200, %mul3A_205 : vector<128x128xf32>
    %gt3A_207 = arith.constant 0.000000e+00 : f32
    %gt3A_208 = vector.broadcast %gt3A_207 : f32 to vector<128x128xf32>
    %gt3A_209 = arith.cmpf ogt, %add3A_206, %gt3A_208 : vector<128x128xf32>
    %exp3A_210 = math.exp %add3A_206 : vector<128x128xf32>
    %sub3A_211 = arith.constant 1.000000e+00 : f32
    %sub3A_212 = vector.broadcast %sub3A_211 : f32 to vector<128x128xf32>
    %sub3A_213 = arith.subf %exp3A_210, %sub3A_212 : vector<128x128xf32>
    %select_n3A_214 = arith.select %gt3A_209, %add3A_206, %sub3A_213 : vector<128x128xi1>, vector<128x128xf32>
    %swap3A_215 = arith.constant 128 : index
    %swap3A_216 = arith.constant 0 : index
    %swap3A_217 = vector.load %arg12[%swap3A_215, %swap3A_216] : memref<2048x128xf32, #tpu.memory_space<vmem>>, vector<128x128xf32>
    tpu.vector_store %arg12[%swap3A_215, %swap3A_216], %select_n3A_214 {strides = array<i32>} : memref<2048x128xf32, #tpu.memory_space<vmem>>, vector<128x128xf32>,
    %slice3A_218 = vector.extract_strided_slice %select_n3A_86 {offsets = [256, 0], sizes = [128, 64], strides = [1, 1]} : vector<2048x64xf32> to vector<128x64xf32>
    %dot_general3A_219 = arith.constant dense<0.000000e+00> : vector<128x128xf32>
    %dot_general3A_220 = tpu.matmul %slice3A_218, %slice3A_218, %dot_general3A_219 {dimension_numbers = #tpu.dot_dimension_numbers<[1], [1], [0], [0], [0, 0, 1, 0], [], []>, transpose_lhs_hint = false} : vector<128x64xf32>, vector<128x64xf32>, vector<128x128xf32> -> vector<128x128xf32>
    %mul3A_221 = arith.mulf %slice3A_218, %slice3A_218 : vector<128x64xf32>
    %reduce_sum3A_222 = arith.constant dense<0.000000e+00> : vector<128xf32>
    %reduce_sum3A_223 = vector.multi_reduction <add>, %mul3A_221, %reduce_sum3A_222 [1] : vector<128x64xf32> to vector<128xf32>
    %broadcast_in_dim3A_224 = vector.shape_cast %reduce_sum3A_223 : vector<128xf32> to vector<128x1xf32>
    %broadcast_in_dim3A_225 = arith.constant 1.000000e+00 : f32
    %broadcast_in_dim3A_226 = vector.broadcast %broadcast_in_dim3A_225 : f32 to vector<128x1xf32>
    %dot_general3A_227 = arith.constant dense<0.000000e+00> : vector<128x128xf32>
    %dot_general3A_228 = tpu.matmul %broadcast_in_dim3A_226, %broadcast_in_dim3A_224, %dot_general3A_227 {dimension_numbers = #tpu.dot_dimension_numbers<[1], [1], [0], [0], [0, 0, 1, 0], [], []>, transpose_lhs_hint = false} : vector<128x1xf32>, vector<128x1xf32>, vector<128x128xf32> -> vector<128x128xf32>
    %mul3A_229 = arith.constant 2.000000e+00 : f32
    %mul3A_230 = vector.broadcast %mul3A_229 : f32 to vector<128x128xf32>
    %mul3A_231 = arith.mulf %mul3A_230, %dot_general3A_220 : vector<128x128xf32>
    %sub3A_232 = vector.broadcast %broadcast_in_dim3A_224 : vector<128x1xf32> to vector<128x128xf32>
    %sub3A_233 = arith.subf %sub3A_232, %mul3A_231 : vector<128x128xf32>
    %add3A_234 = arith.addf %sub3A_233, %dot_general3A_228 : vector<128x128xf32>
    %jit3A_235 = arith.constant 9.99999997E-7 : f32
    %jit3A_236 = arith.constant 1.000000e+06 : f32
    %max3A_237 = vector.broadcast %jit3A_235 : f32 to vector<128x128xf32>
    %max3A_238 = arith.maximumf %max3A_237, %add3A_234 : vector<128x128xf32>
    %min3A_239 = vector.broadcast %jit3A_236 : f32 to vector<128x128xf32>
    %min3A_240 = arith.minimumf %min3A_239, %max3A_238 : vector<128x128xf32>
    %sqrt3A_241 = math.sqrt %min3A_240 : vector<128x128xf32>
    %mul3A_242 = arith.constant -1.000000e-01 : f32
    %mul3A_243 = vector.broadcast %mul3A_242 : f32 to vector<128x128xf32>
    %mul3A_244 = arith.mulf %mul3A_243, %sqrt3A_241 : vector<128x128xf32>
    %exp3A_245 = math.exp %mul3A_244 : vector<128x128xf32>
    %jit3A_246 = arith.constant 0.000000e+00 : f32
    %jit3A_247 = arith.constant 1.000000e+00 : f32
    %max3A_248 = vector.broadcast %jit3A_246 : f32 to vector<128x128xf32>
    %max3A_249 = arith.maximumf %max3A_248, %exp3A_245 : vector<128x128xf32>
    %min3A_250 = vector.broadcast %jit3A_247 : f32 to vector<128x128xf32>
    %min3A_251 = arith.minimumf %min3A_250, %max3A_249 : vector<128x128xf32>
    %slice3A_252 = vector.extract_strided_slice %slice3A {offsets = [256, 0], sizes = [128, 128], strides = [1, 1]} : vector<2048x128xf32> to vector<128x128xf32>
    %dot_general3A_253 = arith.constant dense<0.000000e+00> : vector<128x128xf32>
    %dot_general3A_254 = tpu.matmul %min3A_251, %slice3A_252, %dot_general3A_253 {dimension_numbers = #tpu.dot_dimension_numbers<[1], [0], [0], [1], [0, 0, 1, 1], [], []>, transpose_lhs_hint = false} : vector<128x128xf32>, vector<128x128xf32>, vector<128x128xf32> -> vector<128x128xf32>
    %slice3A_255 = vector.extract_strided_slice %div3A_108 {offsets = [256, 0], sizes = [128, 128], strides = [1, 1]} : vector<2048x128xf32> to vector<128x128xf32>
    %mul3A_256 = arith.mulf %slice3A_255, %dot_general3A_254 : vector<128x128xf32>
    %sub3A_257 = arith.constant 1.000000e+00 : f32
    %sub3A_258 = vector.broadcast %sub3A_257 : f32 to vector<128x128xf32>
    %sub3A_259 = arith.subf %sub3A_258, %slice3A_255 : vector<128x128xf32>
    %slice3A_260 = vector.extract_strided_slice %slice3A_109 {offsets = [256, 0], sizes = [128, 128], strides = [1, 1]} : vector<2048x128xf32> to vector<128x128xf32>
    %mul3A_261 = arith.mulf %sub3A_259, %slice3A_260 : vector<128x128xf32>
    %add3A_262 = arith.addf %mul3A_256, %mul3A_261 : vector<128x128xf32>
    %gt3A_263 = arith.constant 0.000000e+00 : f32
    %gt3A_264 = vector.broadcast %gt3A_263 : f32 to vector<128x128xf32>
    %gt3A_265 = arith.cmpf ogt, %add3A_262, %gt3A_264 : vector<128x128xf32>
    %exp3A_266 = math.exp %add3A_262 : vector<128x128xf32>
    %sub3A_267 = arith.constant 1.000000e+00 : f32
    %sub3A_268 = vector.broadcast %sub3A_267 : f32 to vector<128x128xf32>
    %sub3A_269 = arith.subf %exp3A_266, %sub3A_268 : vector<128x128xf32>
    %select_n3A_270 = arith.select %gt3A_265, %add3A_262, %sub3A_269 : vector<128x128xi1>, vector<128x128xf32>
    %swap3A_271 = arith.constant 256 : index
    %swap3A_272 = arith.constant 0 : index
    %swap3A_273 = vector.load %arg12[%swap3A_271, %swap3A_272] : memref<2048x128xf32, #tpu.memory_space<vmem>>, vector<128x128xf32>
    tpu.vector_store %arg12[%swap3A_271, %swap3A_272], %select_n3A_270 {strides = array<i32>} : memref<2048x128xf32, #tpu.memory_space<vmem>>, vector<128x128xf32>,
    %slice3A_274 = vector.extract_strided_slice %select_n3A_86 {offsets = [384, 0], sizes = [128, 64], strides = [1, 1]} : vector<2048x64xf32> to vector<128x64xf32>
    %dot_general3A_275 = arith.constant dense<0.000000e+00> : vector<128x128xf32>
    %dot_general3A_276 = tpu.matmul %slice3A_274, %slice3A_274, %dot_general3A_275 {dimension_numbers = #tpu.dot_dimension_numbers<[1], [1], [0], [0], [0, 0, 1, 0], [], []>, transpose_lhs_hint = false} : vector<128x64xf32>, vector<128x64xf32>, vector<128x128xf32> -> vector<128x128xf32>
    %mul3A_277 = arith.mulf %slice3A_274, %slice3A_274 : vector<128x64xf32>
    %reduce_sum3A_278 = arith.constant dense<0.000000e+00> : vector<128xf32>
    %reduce_sum3A_279 = vector.multi_reduction <add>, %mul3A_277, %reduce_sum3A_278 [1] : vector<128x64xf32> to vector<128xf32>
    %broadcast_in_dim3A_280 = vector.shape_cast %reduce_sum3A_279 : vector<128xf32> to vector<128x1xf32>
    %broadcast_in_dim3A_281 = arith.constant 1.000000e+00 : f32
    %broadcast_in_dim3A_282 = vector.broadcast %broadcast_in_dim3A_281 : f32 to vector<128x1xf32>
    %dot_general3A_283 = arith.constant dense<0.000000e+00> : vector<128x128xf32>
    %dot_general3A_284 = tpu.matmul %broadcast_in_dim3A_282, %broadcast_in_dim3A_280, %dot_general3A_283 {dimension_numbers = #tpu.dot_dimension_numbers<[1], [1], [0], [0], [0, 0, 1, 0], [], []>, transpose_lhs_hint = false} : vector<128x1xf32>, vector<128x1xf32>, vector<128x128xf32> -> vector<128x128xf32>
    %mul3A_285 = arith.constant 2.000000e+00 : f32
    %mul3A_286 = vector.broadcast %mul3A_285 : f32 to vector<128x128xf32>
    %mul3A_287 = arith.mulf %mul3A_286, %dot_general3A_276 : vector<128x128xf32>
    %sub3A_288 = vector.broadcast %broadcast_in_dim3A_280 : vector<128x1xf32> to vector<128x128xf32>
    %sub3A_289 = arith.subf %sub3A_288, %mul3A_287 : vector<128x128xf32>
    %add3A_290 = arith.addf %sub3A_289, %dot_general3A_284 : vector<128x128xf32>
    %jit3A_291 = arith.constant 9.99999997E-7 : f32
    %jit3A_292 = arith.constant 1.000000e+06 : f32
    %max3A_293 = vector.broadcast %jit3A_291 : f32 to vector<128x128xf32>
    %max3A_294 = arith.maximumf %max3A_293, %add3A_290 : vector<128x128xf32>
    %min3A_295 = vector.broadcast %jit3A_292 : f32 to vector<128x128xf32>
    %min3A_296 = arith.minimumf %min3A_295, %max3A_294 : vector<128x128xf32>
    %sqrt3A_297 = math.sqrt %min3A_296 : vector<128x128xf32>
    %mul3A_298 = arith.constant -1.000000e-01 : f32
    %mul3A_299 = vector.broadcast %mul3A_298 : f32 to vector<128x128xf32>
    %mul3A_300 = arith.mulf %mul3A_299, %sqrt3A_297 : vector<128x128xf32>
    %exp3A_301 = math.exp %mul3A_300 : vector<128x128xf32>
    %jit3A_302 = arith.constant 0.000000e+00 : f32
    %jit3A_303 = arith.constant 1.000000e+00 : f32
    %max3A_304 = vector.broadcast %jit3A_302 : f32 to vector<128x128xf32>
    %max3A_305 = arith.maximumf %max3A_304, %exp3A_301 : vector<128x128xf32>
    %min3A_306 = vector.broadcast %jit3A_303 : f32 to vector<128x128xf32>
    %min3A_307 = arith.minimumf %min3A_306, %max3A_305 : vector<128x128xf32>
    %slice3A_308 = vector.extract_strided_slice %slice3A {offsets = [384, 0], sizes = [128, 128], strides = [1, 1]} : vector<2048x128xf32> to vector<128x128xf32>
    %dot_general3A_309 = arith.constant dense<0.000000e+00> : vector<128x128xf32>
    %dot_general3A_310 = tpu.matmul %min3A_307, %slice3A_308, %dot_general3A_309 {dimension_numbers = #tpu.dot_dimension_numbers<[1], [0], [0], [1], [0, 0, 1, 1], [], []>, transpose_lhs_hint = false} : vector<128x128xf32>, vector<128x128xf32>, vector<128x128xf32> -> vector<128x128xf32>
    %slice3A_311 = vector.extract_strided_slice %div3A_108 {offsets = [384, 0], sizes = [128, 128], strides = [1, 1]} : vector<2048x128xf32> to vector<128x128xf32>
    %mul3A_312 = arith.mulf %slice3A_311, %dot_general3A_310 : vector<128x128xf32>
    %sub3A_313 = arith.constant 1.000000e+00 : f32
    %sub3A_314 = vector.broadcast %sub3A_313 : f32 to vector<128x128xf32>
    %sub3A_315 = arith.subf %sub3A_314, %slice3A_311 : vector<128x128xf32>
    %slice3A_316 = vector.extract_strided_slice %slice3A_109 {offsets = [384, 0], sizes = [128, 128], strides = [1, 1]} : vector<2048x128xf32> to vector<128x128xf32>
    %mul3A_317 = arith.mulf %sub3A_315, %slice3A_316 : vector<128x128xf32>
    %add3A_318 = arith.addf %mul3A_312, %mul3A_317 : vector<128x128xf32>
    %gt3A_319 = arith.constant 0.000000e+00 : f32
    %gt3A_320 = vector.broadcast %gt3A_319 : f32 to vector<128x128xf32>
    %gt3A_321 = arith.cmpf ogt, %add3A_318, %gt3A_320 : vector<128x128xf32>
    %exp3A_322 = math.exp %add3A_318 : vector<128x128xf32>
    %sub3A_323 = arith.constant 1.000000e+00 : f32
    %sub3A_324 = vector.broadcast %sub3A_323 : f32 to vector<128x128xf32>
    %sub3A_325 = arith.subf %exp3A_322, %sub3A_324 : vector<128x128xf32>
    %select_n3A_326 = arith.select %gt3A_321, %add3A_318, %sub3A_325 : vector<128x128xi1>, vector<128x128xf32>
    %swap3A_327 = arith.constant 384 : index
    %swap3A_328 = arith.constant 0 : index
    %swap3A_329 = vector.load %arg12[%swap3A_327, %swap3A_328] : memref<2048x128xf32, #tpu.memory_space<vmem>>, vector<128x128xf32>
    tpu.vector_store %arg12[%swap3A_327, %swap3A_328], %select_n3A_326 {strides = array<i32>} : memref<2048x128xf32, #tpu.memory_space<vmem>>, vector<128x128xf32>,
    %slice3A_330 = vector.extract_strided_slice %select_n3A_86 {offsets = [512, 0], sizes = [128, 64], strides = [1, 1]} : vector<2048x64xf32> to vector<128x64xf32>
    %dot_general3A_331 = arith.constant dense<0.000000e+00> : vector<128x128xf32>
    %dot_general3A_332 = tpu.matmul %slice3A_330, %slice3A_330, %dot_general3A_331 {dimension_numbers = #tpu.dot_dimension_numbers<[1], [1], [0], [0], [0, 0, 1, 0], [], []>, transpose_lhs_hint = false} : vector<128x64xf32>, vector<128x64xf32>, vector<128x128xf32> -> vector<128x128xf32>
    %mul3A_333 = arith.mulf %slice3A_330, %slice3A_330 : vector<128x64xf32>
    %reduce_sum3A_334 = arith.constant dense<0.000000e+00> : vector<128xf32>
    %reduce_sum3A_335 = vector.multi_reduction <add>, %mul3A_333, %reduce_sum3A_334 [1] : vector<128x64xf32> to vector<128xf32>
    %broadcast_in_dim3A_336 = vector.shape_cast %reduce_sum3A_335 : vector<128xf32> to vector<128x1xf32>
    %broadcast_in_dim3A_337 = arith.constant 1.000000e+00 : f32
    %broadcast_in_dim3A_338 = vector.broadcast %broadcast_in_dim3A_337 : f32 to vector<128x1xf32>
    %dot_general3A_339 = arith.constant dense<0.000000e+00> : vector<128x128xf32>
    %dot_general3A_340 = tpu.matmul %broadcast_in_dim3A_338, %broadcast_in_dim3A_336, %dot_general3A_339 {dimension_numbers = #tpu.dot_dimension_numbers<[1], [1], [0], [0], [0, 0, 1, 0], [], []>, transpose_lhs_hint = false} : vector<128x1xf32>, vector<128x1xf32>, vector<128x128xf32> -> vector<128x128xf32>
    %mul3A_341 = arith.constant 2.000000e+00 : f32
    %mul3A_342 = vector.broadcast %mul3A_341 : f32 to vector<128x128xf32>
    %mul3A_343 = arith.mulf %mul3A_342, %dot_general3A_332 : vector<128x128xf32>
    %sub3A_344 = vector.broadcast %broadcast_in_dim3A_336 : vector<128x1xf32> to vector<128x128xf32>
    %sub3A_345 = arith.subf %sub3A_344, %mul3A_343 : vector<128x128xf32>
    %add3A_346 = arith.addf %sub3A_345, %dot_general3A_340 : vector<128x128xf32>
    %jit3A_347 = arith.constant 9.99999997E-7 : f32
    %jit3A_348 = arith.constant 1.000000e+06 : f32
    %max3A_349 = vector.broadcast %jit3A_347 : f32 to vector<128x128xf32>
    %max3A_350 = arith.maximumf %max3A_349, %add3A_346 : vector<128x128xf32>
    %min3A_351 = vector.broadcast %jit3A_348 : f32 to vector<128x128xf32>
    %min3A_352 = arith.minimumf %min3A_351, %max3A_350 : vector<128x128xf32>
    %sqrt3A_353 = math.sqrt %min3A_352 : vector<128x128xf32>
    %mul3A_354 = arith.constant -1.000000e-01 : f32
    %mul3A_355 = vector.broadcast %mul3A_354 : f32 to vector<128x128xf32>
    %mul3A_356 = arith.mulf %mul3A_355, %sqrt3A_353 : vector<128x128xf32>
    %exp3A_357 = math.exp %mul3A_356 : vector<128x128xf32>
    %jit3A_358 = arith.constant 0.000000e+00 : f32
    %jit3A_359 = arith.constant 1.000000e+00 : f32
    %max3A_360 = vector.broadcast %jit3A_358 : f32 to vector<128x128xf32>
    %max3A_361 = arith.maximumf %max3A_360, %exp3A_357 : vector<128x128xf32>
    %min3A_362 = vector.broadcast %jit3A_359 : f32 to vector<128x128xf32>
    %min3A_363 = arith.minimumf %min3A_362, %max3A_361 : vector<128x128xf32>
    %slice3A_364 = vector.extract_strided_slice %slice3A {offsets = [512, 0], sizes = [128, 128], strides = [1, 1]} : vector<2048x128xf32> to vector<128x128xf32>
    %dot_general3A_365 = arith.constant dense<0.000000e+00> : vector<128x128xf32>
    %dot_general3A_366 = tpu.matmul %min3A_363, %slice3A_364, %dot_general3A_365 {dimension_numbers = #tpu.dot_dimension_numbers<[1], [0], [0], [1], [0, 0, 1, 1], [], []>, transpose_lhs_hint = false} : vector<128x128xf32>, vector<128x128xf32>, vector<128x128xf32> -> vector<128x128xf32>
    %slice3A_367 = vector.extract_strided_slice %div3A_108 {offsets = [512, 0], sizes = [128, 128], strides = [1, 1]} : vector<2048x128xf32> to vector<128x128xf32>
    %mul3A_368 = arith.mulf %slice3A_367, %dot_general3A_366 : vector<128x128xf32>
    %sub3A_369 = arith.constant 1.000000e+00 : f32
    %sub3A_370 = vector.broadcast %sub3A_369 : f32 to vector<128x128xf32>
    %sub3A_371 = arith.subf %sub3A_370, %slice3A_367 : vector<128x128xf32>
    %slice3A_372 = vector.extract_strided_slice %slice3A_109 {offsets = [512, 0], sizes = [128, 128], strides = [1, 1]} : vector<2048x128xf32> to vector<128x128xf32>
    %mul3A_373 = arith.mulf %sub3A_371, %slice3A_372 : vector<128x128xf32>
    %add3A_374 = arith.addf %mul3A_368, %mul3A_373 : vector<128x128xf32>
    %gt3A_375 = arith.constant 0.000000e+00 : f32
    %gt3A_376 = vector.broadcast %gt3A_375 : f32 to vector<128x128xf32>
    %gt3A_377 = arith.cmpf ogt, %add3A_374, %gt3A_376 : vector<128x128xf32>
    %exp3A_378 = math.exp %add3A_374 : vector<128x128xf32>
    %sub3A_379 = arith.constant 1.000000e+00 : f32
    %sub3A_380 = vector.broadcast %sub3A_379 : f32 to vector<128x128xf32>
    %sub3A_381 = arith.subf %exp3A_378, %sub3A_380 : vector<128x128xf32>
    %select_n3A_382 = arith.select %gt3A_377, %add3A_374, %sub3A_381 : vector<128x128xi1>, vector<128x128xf32>
    %swap3A_383 = arith.constant 512 : index
    %swap3A_384 = arith.constant 0 : index
    %swap3A_385 = vector.load %arg12[%swap3A_383, %swap3A_384] : memref<2048x128xf32, #tpu.memory_space<vmem>>, vector<128x128xf32>
    tpu.vector_store %arg12[%swap3A_383, %swap3A_384], %select_n3A_382 {strides = array<i32>} : memref<2048x128xf32, #tpu.memory_space<vmem>>, vector<128x128xf32>,
    %slice3A_386 = vector.extract_strided_slice %select_n3A_86 {offsets = [640, 0], sizes = [128, 64], strides = [1, 1]} : vector<2048x64xf32> to vector<128x64xf32>
    %dot_general3A_387 = arith.constant dense<0.000000e+00> : vector<128x128xf32>
    %dot_general3A_388 = tpu.matmul %slice3A_386, %slice3A_386, %dot_general3A_387 {dimension_numbers = #tpu.dot_dimension_numbers<[1], [1], [0], [0], [0, 0, 1, 0], [], []>, transpose_lhs_hint = false} : vector<128x64xf32>, vector<128x64xf32>, vector<128x128xf32> -> vector<128x128xf32>
    %mul3A_389 = arith.mulf %slice3A_386, %slice3A_386 : vector<128x64xf32>
    %reduce_sum3A_390 = arith.constant dense<0.000000e+00> : vector<128xf32>
    %reduce_sum3A_391 = vector.multi_reduction <add>, %mul3A_389, %reduce_sum3A_390 [1] : vector<128x64xf32> to vector<128xf32>
    %broadcast_in_dim3A_392 = vector.shape_cast %reduce_sum3A_391 : vector<128xf32> to vector<128x1xf32>
    %broadcast_in_dim3A_393 = arith.constant 1.000000e+00 : f32
    %broadcast_in_dim3A_394 = vector.broadcast %broadcast_in_dim3A_393 : f32 to vector<128x1xf32>
    %dot_general3A_395 = arith.constant dense<0.000000e+00> : vector<128x128xf32>
    %dot_general3A_396 = tpu.matmul %broadcast_in_dim3A_394, %broadcast_in_dim3A_392, %dot_general3A_395 {dimension_numbers = #tpu.dot_dimension_numbers<[1], [1], [0], [0], [0, 0, 1, 0], [], []>, transpose_lhs_hint = false} : vector<128x1xf32>, vector<128x1xf32>, vector<128x128xf32> -> vector<128x128xf32>
    %mul3A_397 = arith.constant 2.000000e+00 : f32
    %mul3A_398 = vector.broadcast %mul3A_397 : f32 to vector<128x128xf32>
    %mul3A_399 = arith.mulf %mul3A_398, %dot_general3A_388 : vector<128x128xf32>
    %sub3A_400 = vector.broadcast %broadcast_in_dim3A_392 : vector<128x1xf32> to vector<128x128xf32>
    %sub3A_401 = arith.subf %sub3A_400, %mul3A_399 : vector<128x128xf32>
    %add3A_402 = arith.addf %sub3A_401, %dot_general3A_396 : vector<128x128xf32>
    %jit3A_403 = arith.constant 9.99999997E-7 : f32
    %jit3A_404 = arith.constant 1.000000e+06 : f32
    %max3A_405 = vector.broadcast %jit3A_403 : f32 to vector<128x128xf32>
    %max3A_406 = arith.maximumf %max3A_405, %add3A_402 : vector<128x128xf32>
    %min3A_407 = vector.broadcast %jit3A_404 : f32 to vector<128x128xf32>
    %min3A_408 = arith.minimumf %min3A_407, %max3A_406 : vector<128x128xf32>
    %sqrt3A_409 = math.sqrt %min3A_408 : vector<128x128xf32>
    %mul3A_410 = arith.constant -1.000000e-01 : f32
    %mul3A_411 = vector.broadcast %mul3A_410 : f32 to vector<128x128xf32>
    %mul3A_412 = arith.mulf %mul3A_411, %sqrt3A_409 : vector<128x128xf32>
    %exp3A_413 = math.exp %mul3A_412 : vector<128x128xf32>
    %jit3A_414 = arith.constant 0.000000e+00 : f32
    %jit3A_415 = arith.constant 1.000000e+00 : f32
    %max3A_416 = vector.broadcast %jit3A_414 : f32 to vector<128x128xf32>
    %max3A_417 = arith.maximumf %max3A_416, %exp3A_413 : vector<128x128xf32>
    %min3A_418 = vector.broadcast %jit3A_415 : f32 to vector<128x128xf32>
    %min3A_419 = arith.minimumf %min3A_418, %max3A_417 : vector<128x128xf32>
    %slice3A_420 = vector.extract_strided_slice %slice3A {offsets = [640, 0], sizes = [128, 128], strides = [1, 1]} : vector<2048x128xf32> to vector<128x128xf32>
    %dot_general3A_421 = arith.constant dense<0.000000e+00> : vector<128x128xf32>
    %dot_general3A_422 = tpu.matmul %min3A_419, %slice3A_420, %dot_general3A_421 {dimension_numbers = #tpu.dot_dimension_numbers<[1], [0], [0], [1], [0, 0, 1, 1], [], []>, transpose_lhs_hint = false} : vector<128x128xf32>, vector<128x128xf32>, vector<128x128xf32> -> vector<128x128xf32>
    %slice3A_423 = vector.extract_strided_slice %div3A_108 {offsets = [640, 0], sizes = [128, 128], strides = [1, 1]} : vector<2048x128xf32> to vector<128x128xf32>
    %mul3A_424 = arith.mulf %slice3A_423, %dot_general3A_422 : vector<128x128xf32>
    %sub3A_425 = arith.constant 1.000000e+00 : f32
    %sub3A_426 = vector.broadcast %sub3A_425 : f32 to vector<128x128xf32>
    %sub3A_427 = arith.subf %sub3A_426, %slice3A_423 : vector<128x128xf32>
    %slice3A_428 = vector.extract_strided_slice %slice3A_109 {offsets = [640, 0], sizes = [128, 128], strides = [1, 1]} : vector<2048x128xf32> to vector<128x128xf32>
    %mul3A_429 = arith.mulf %sub3A_427, %slice3A_428 : vector<128x128xf32>
    %add3A_430 = arith.addf %mul3A_424, %mul3A_429 : vector<128x128xf32>
    %gt3A_431 = arith.constant 0.000000e+00 : f32
    %gt3A_432 = vector.broadcast %gt3A_431 : f32 to vector<128x128xf32>
    %gt3A_433 = arith.cmpf ogt, %add3A_430, %gt3A_432 : vector<128x128xf32>
    %exp3A_434 = math.exp %add3A_430 : vector<128x128xf32>
    %sub3A_435 = arith.constant 1.000000e+00 : f32
    %sub3A_436 = vector.broadcast %sub3A_435 : f32 to vector<128x128xf32>
    %sub3A_437 = arith.subf %exp3A_434, %sub3A_436 : vector<128x128xf32>
    %select_n3A_438 = arith.select %gt3A_433, %add3A_430, %sub3A_437 : vector<128x128xi1>, vector<128x128xf32>
    %swap3A_439 = arith.constant 640 : index
    %swap3A_440 = arith.constant 0 : index
    %swap3A_441 = vector.load %arg12[%swap3A_439, %swap3A_440] : memref<2048x128xf32, #tpu.memory_space<vmem>>, vector<128x128xf32>
    tpu.vector_store %arg12[%swap3A_439, %swap3A_440], %select_n3A_438 {strides = array<i32>} : memref<2048x128xf32, #tpu.memory_space<vmem>>, vector<128x128xf32>,
    %slice3A_442 = vector.extract_strided_slice %select_n3A_86 {offsets = [768, 0], sizes = [128, 64], strides = [1, 1]} : vector<2048x64xf32> to vector<128x64xf32>
    %dot_general3A_443 = arith.constant dense<0.000000e+00> : vector<128x128xf32>
    %dot_general3A_444 = tpu.matmul %slice3A_442, %slice3A_442, %dot_general3A_443 {dimension_numbers = #tpu.dot_dimension_numbers<[1], [1], [0], [0], [0, 0, 1, 0], [], []>, transpose_lhs_hint = false} : vector<128x64xf32>, vector<128x64xf32>, vector<128x128xf32> -> vector<128x128xf32>
    %mul3A_445 = arith.mulf %slice3A_442, %slice3A_442 : vector<128x64xf32>
    %reduce_sum3A_446 = arith.constant dense<0.000000e+00> : vector<128xf32>
    %reduce_sum3A_447 = vector.multi_reduction <add>, %mul3A_445, %reduce_sum3A_446 [1] : vector<128x64xf32> to vector<128xf32>
    %broadcast_in_dim3A_448 = vector.shape_cast %reduce_sum3A_447 : vector<128xf32> to vector<128x1xf32>
    %broadcast_in_dim3A_449 = arith.constant 1.000000e+00 : f32
    %broadcast_in_dim3A_450 = vector.broadcast %broadcast_in_dim3A_449 : f32 to vector<128x1xf32>
    %dot_general3A_451 = arith.constant dense<0.000000e+00> : vector<128x128xf32>
    %dot_general3A_452 = tpu.matmul %broadcast_in_dim3A_450, %broadcast_in_dim3A_448, %dot_general3A_451 {dimension_numbers = #tpu.dot_dimension_numbers<[1], [1], [0], [0], [0, 0, 1, 0], [], []>, transpose_lhs_hint = false} : vector<128x1xf32>, vector<128x1xf32>, vector<128x128xf32> -> vector<128x128xf32>
    %mul3A_453 = arith.constant 2.000000e+00 : f32
    %mul3A_454 = vector.broadcast %mul3A_453 : f32 to vector<128x128xf32>
    %mul3A_455 = arith.mulf %mul3A_454, %dot_general3A_444 : vector<128x128xf32>
    %sub3A_456 = vector.broadcast %broadcast_in_dim3A_448 : vector<128x1xf32> to vector<128x128xf32>
    %sub3A_457 = arith.subf %sub3A_456, %mul3A_455 : vector<128x128xf32>
    %add3A_458 = arith.addf %sub3A_457, %dot_general3A_452 : vector<128x128xf32>
    %jit3A_459 = arith.constant 9.99999997E-7 : f32
    %jit3A_460 = arith.constant 1.000000e+06 : f32
    %max3A_461 = vector.broadcast %jit3A_459 : f32 to vector<128x128xf32>
    %max3A_462 = arith.maximumf %max3A_461, %add3A_458 : vector<128x128xf32>
    %min3A_463 = vector.broadcast %jit3A_460 : f32 to vector<128x128xf32>
    %min3A_464 = arith.minimumf %min3A_463, %max3A_462 : vector<128x128xf32>
    %sqrt3A_465 = math.sqrt %min3A_464 : vector<128x128xf32>
    %mul3A_466 = arith.constant -1.000000e-01 : f32
    %mul3A_467 = vector.broadcast %mul3A_466 : f32 to vector<128x128xf32>
    %mul3A_468 = arith.mulf %mul3A_467, %sqrt3A_465 : vector<128x128xf32>
    %exp3A_469 = math.exp %mul3A_468 : vector<128x128xf32>
    %jit3A_470 = arith.constant 0.000000e+00 : f32
    %jit3A_471 = arith.constant 1.000000e+00 : f32
    %max3A_472 = vector.broadcast %jit3A_470 : f32 to vector<128x128xf32>
    %max3A_473 = arith.maximumf %max3A_472, %exp3A_469 : vector<128x128xf32>
    %min3A_474 = vector.broadcast %jit3A_471 : f32 to vector<128x128xf32>
    %min3A_475 = arith.minimumf %min3A_474, %max3A_473 : vector<128x128xf32>
    %slice3A_476 = vector.extract_strided_slice %slice3A {offsets = [768, 0], sizes = [128, 128], strides = [1, 1]} : vector<2048x128xf32> to vector<128x128xf32>
    %dot_general3A_477 = arith.constant dense<0.000000e+00> : vector<128x128xf32>
    %dot_general3A_478 = tpu.matmul %min3A_475, %slice3A_476, %dot_general3A_477 {dimension_numbers = #tpu.dot_dimension_numbers<[1], [0], [0], [1], [0, 0, 1, 1], [], []>, transpose_lhs_hint = false} : vector<128x128xf32>, vector<128x128xf32>, vector<128x128xf32> -> vector<128x128xf32>
    %slice3A_479 = vector.extract_strided_slice %div3A_108 {offsets = [768, 0], sizes = [128, 128], strides = [1, 1]} : vector<2048x128xf32> to vector<128x128xf32>
    %mul3A_480 = arith.mulf %slice3A_479, %dot_general3A_478 : vector<128x128xf32>
    %sub3A_481 = arith.constant 1.000000e+00 : f32
    %sub3A_482 = vector.broadcast %sub3A_481 : f32 to vector<128x128xf32>
    %sub3A_483 = arith.subf %sub3A_482, %slice3A_479 : vector<128x128xf32>
    %slice3A_484 = vector.extract_strided_slice %slice3A_109 {offsets = [768, 0], sizes = [128, 128], strides = [1, 1]} : vector<2048x128xf32> to vector<128x128xf32>
    %mul3A_485 = arith.mulf %sub3A_483, %slice3A_484 : vector<128x128xf32>
    %add3A_486 = arith.addf %mul3A_480, %mul3A_485 : vector<128x128xf32>
    %gt3A_487 = arith.constant 0.000000e+00 : f32
    %gt3A_488 = vector.broadcast %gt3A_487 : f32 to vector<128x128xf32>
    %gt3A_489 = arith.cmpf ogt, %add3A_486, %gt3A_488 : vector<128x128xf32>
    %exp3A_490 = math.exp %add3A_486 : vector<128x128xf32>
    %sub3A_491 = arith.constant 1.000000e+00 : f32
    %sub3A_492 = vector.broadcast %sub3A_491 : f32 to vector<128x128xf32>
    %sub3A_493 = arith.subf %exp3A_490, %sub3A_492 : vector<128x128xf32>
    %select_n3A_494 = arith.select %gt3A_489, %add3A_486, %sub3A_493 : vector<128x128xi1>, vector<128x128xf32>
    %swap3A_495 = arith.constant 768 : index
    %swap3A_496 = arith.constant 0 : index
    %swap3A_497 = vector.load %arg12[%swap3A_495, %swap3A_496] : memref<2048x128xf32, #tpu.memory_space<vmem>>, vector<128x128xf32>
    tpu.vector_store %arg12[%swap3A_495, %swap3A_496], %select_n3A_494 {strides = array<i32>} : memref<2048x128xf32, #tpu.memory_space<vmem>>, vector<128x128xf32>,
    %slice3A_498 = vector.extract_strided_slice %select_n3A_86 {offsets = [896, 0], sizes = [128, 64], strides = [1, 1]} : vector<2048x64xf32> to vector<128x64xf32>
    %dot_general3A_499 = arith.constant dense<0.000000e+00> : vector<128x128xf32>
    %dot_general3A_500 = tpu.matmul %slice3A_498, %slice3A_498, %dot_general3A_499 {dimension_numbers = #tpu.dot_dimension_numbers<[1], [1], [0], [0], [0, 0, 1, 0], [], []>, transpose_lhs_hint = false} : vector<128x64xf32>, vector<128x64xf32>, vector<128x128xf32> -> vector<128x128xf32>
    %mul3A_501 = arith.mulf %slice3A_498, %slice3A_498 : vector<128x64xf32>
    %reduce_sum3A_502 = arith.constant dense<0.000000e+00> : vector<128xf32>
    %reduce_sum3A_503 = vector.multi_reduction <add>, %mul3A_501, %reduce_sum3A_502 [1] : vector<128x64xf32> to vector<128xf32>
    %broadcast_in_dim3A_504 = vector.shape_cast %reduce_sum3A_503 : vector<128xf32> to vector<128x1xf32>
    %broadcast_in_dim3A_505 = arith.constant 1.000000e+00 : f32
    %broadcast_in_dim3A_506 = vector.broadcast %broadcast_in_dim3A_505 : f32 to vector<128x1xf32>
    %dot_general3A_507 = arith.constant dense<0.000000e+00> : vector<128x128xf32>
    %dot_general3A_508 = tpu.matmul %broadcast_in_dim3A_506, %broadcast_in_dim3A_504, %dot_general3A_507 {dimension_numbers = #tpu.dot_dimension_numbers<[1], [1], [0], [0], [0, 0, 1, 0], [], []>, transpose_lhs_hint = false} : vector<128x1xf32>, vector<128x1xf32>, vector<128x128xf32> -> vector<128x128xf32>
    %mul3A_509 = arith.constant 2.000000e+00 : f32
    %mul3A_510 = vector.broadcast %mul3A_509 : f32 to vector<128x128xf32>
    %mul3A_511 = arith.mulf %mul3A_510, %dot_general3A_500 : vector<128x128xf32>
    %sub3A_512 = vector.broadcast %broadcast_in_dim3A_504 : vector<128x1xf32> to vector<128x128xf32>
    %sub3A_513 = arith.subf %sub3A_512, %mul3A_511 : vector<128x128xf32>
    %add3A_514 = arith.addf %sub3A_513, %dot_general3A_508 : vector<128x128xf32>
    %jit3A_515 = arith.constant 9.99999997E-7 : f32
    %jit3A_516 = arith.constant 1.000000e+06 : f32
    %max3A_517 = vector.broadcast %jit3A_515 : f32 to vector<128x128xf32>
    %max3A_518 = arith.maximumf %max3A_517, %add3A_514 : vector<128x128xf32>
    %min3A_519 = vector.broadcast %jit3A_516 : f32 to vector<128x128xf32>
    %min3A_520 = arith.minimumf %min3A_519, %max3A_518 : vector<128x128xf32>
    %sqrt3A_521 = math.sqrt %min3A_520 : vector<128x128xf32>
    %mul3A_522 = arith.constant -1.000000e-01 : f32
    %mul3A_523 = vector.broadcast %mul3A_522 : f32 to vector<128x128xf32>
    %mul3A_524 = arith.mulf %mul3A_523, %sqrt3A_521 : vector<128x128xf32>
    %exp3A_525 = math.exp %mul3A_524 : vector<128x128xf32>
    %jit3A_526 = arith.constant 0.000000e+00 : f32
    %jit3A_527 = arith.constant 1.000000e+00 : f32
    %max3A_528 = vector.broadcast %jit3A_526 : f32 to vector<128x128xf32>
    %max3A_529 = arith.maximumf %max3A_528, %exp3A_525 : vector<128x128xf32>
    %min3A_530 = vector.broadcast %jit3A_527 : f32 to vector<128x128xf32>
    %min3A_531 = arith.minimumf %min3A_530, %max3A_529 : vector<128x128xf32>
    %slice3A_532 = vector.extract_strided_slice %slice3A {offsets = [896, 0], sizes = [128, 128], strides = [1, 1]} : vector<2048x128xf32> to vector<128x128xf32>
    %dot_general3A_533 = arith.constant dense<0.000000e+00> : vector<128x128xf32>
    %dot_general3A_534 = tpu.matmul %min3A_531, %slice3A_532, %dot_general3A_533 {dimension_numbers = #tpu.dot_dimension_numbers<[1], [0], [0], [1], [0, 0, 1, 1], [], []>, transpose_lhs_hint = false} : vector<128x128xf32>, vector<128x128xf32>, vector<128x128xf32> -> vector<128x128xf32>
    %slice3A_535 = vector.extract_strided_slice %div3A_108 {offsets = [896, 0], sizes = [128, 128], strides = [1, 1]} : vector<2048x128xf32> to vector<128x128xf32>
    %mul3A_536 = arith.mulf %slice3A_535, %dot_general3A_534 : vector<128x128xf32>
    %sub3A_537 = arith.constant 1.000000e+00 : f32
    %sub3A_538 = vector.broadcast %sub3A_537 : f32 to vector<128x128xf32>
    %sub3A_539 = arith.subf %sub3A_538, %slice3A_535 : vector<128x128xf32>
    %slice3A_540 = vector.extract_strided_slice %slice3A_109 {offsets = [896, 0], sizes = [128, 128], strides = [1, 1]} : vector<2048x128xf32> to vector<128x128xf32>
    %mul3A_541 = arith.mulf %sub3A_539, %slice3A_540 : vector<128x128xf32>
    %add3A_542 = arith.addf %mul3A_536, %mul3A_541 : vector<128x128xf32>
    %gt3A_543 = arith.constant 0.000000e+00 : f32
    %gt3A_544 = vector.broadcast %gt3A_543 : f32 to vector<128x128xf32>
    %gt3A_545 = arith.cmpf ogt, %add3A_542, %gt3A_544 : vector<128x128xf32>
    %exp3A_546 = math.exp %add3A_542 : vector<128x128xf32>
    %sub3A_547 = arith.constant 1.000000e+00 : f32
    %sub3A_548 = vector.broadcast %sub3A_547 : f32 to vector<128x128xf32>
    %sub3A_549 = arith.subf %exp3A_546, %sub3A_548 : vector<128x128xf32>
    %select_n3A_550 = arith.select %gt3A_545, %add3A_542, %sub3A_549 : vector<128x128xi1>, vector<128x128xf32>
    %swap3A_551 = arith.constant 896 : index
    %swap3A_552 = arith.constant 0 : index
    %swap3A_553 = vector.load %arg12[%swap3A_551, %swap3A_552] : memref<2048x128xf32, #tpu.memory_space<vmem>>, vector<128x128xf32>
    tpu.vector_store %arg12[%swap3A_551, %swap3A_552], %select_n3A_550 {strides = array<i32>} : memref<2048x128xf32, #tpu.memory_space<vmem>>, vector<128x128xf32>,
    %slice3A_554 = vector.extract_strided_slice %select_n3A_86 {offsets = [1024, 0], sizes = [128, 64], strides = [1, 1]} : vector<2048x64xf32> to vector<128x64xf32>
    %dot_general3A_555 = arith.constant dense<0.000000e+00> : vector<128x128xf32>
    %dot_general3A_556 = tpu.matmul %slice3A_554, %slice3A_554, %dot_general3A_555 {dimension_numbers = #tpu.dot_dimension_numbers<[1], [1], [0], [0], [0, 0, 1, 0], [], []>, transpose_lhs_hint = false} : vector<128x64xf32>, vector<128x64xf32>, vector<128x128xf32> -> vector<128x128xf32>
    %mul3A_557 = arith.mulf %slice3A_554, %slice3A_554 : vector<128x64xf32>
    %reduce_sum3A_558 = arith.constant dense<0.000000e+00> : vector<128xf32>
    %reduce_sum3A_559 = vector.multi_reduction <add>, %mul3A_557, %reduce_sum3A_558 [1] : vector<128x64xf32> to vector<128xf32>
    %broadcast_in_dim3A_560 = vector.shape_cast %reduce_sum3A_559 : vector<128xf32> to vector<128x1xf32>
    %broadcast_in_dim3A_561 = arith.constant 1.000000e+00 : f32
    %broadcast_in_dim3A_562 = vector.broadcast %broadcast_in_dim3A_561 : f32 to vector<128x1xf32>
    %dot_general3A_563 = arith.constant dense<0.000000e+00> : vector<128x128xf32>
    %dot_general3A_564 = tpu.matmul %broadcast_in_dim3A_562, %broadcast_in_dim3A_560, %dot_general3A_563 {dimension_numbers = #tpu.dot_dimension_numbers<[1], [1], [0], [0], [0, 0, 1, 0], [], []>, transpose_lhs_hint = false} : vector<128x1xf32>, vector<128x1xf32>, vector<128x128xf32> -> vector<128x128xf32>
    %mul3A_565 = arith.constant 2.000000e+00 : f32
    %mul3A_566 = vector.broadcast %mul3A_565 : f32 to vector<128x128xf32>
    %mul3A_567 = arith.mulf %mul3A_566, %dot_general3A_556 : vector<128x128xf32>
    %sub3A_568 = vector.broadcast %broadcast_in_dim3A_560 : vector<128x1xf32> to vector<128x128xf32>
    %sub3A_569 = arith.subf %sub3A_568, %mul3A_567 : vector<128x128xf32>
    %add3A_570 = arith.addf %sub3A_569, %dot_general3A_564 : vector<128x128xf32>
    %jit3A_571 = arith.constant 9.99999997E-7 : f32
    %jit3A_572 = arith.constant 1.000000e+06 : f32
    %max3A_573 = vector.broadcast %jit3A_571 : f32 to vector<128x128xf32>
    %max3A_574 = arith.maximumf %max3A_573, %add3A_570 : vector<128x128xf32>
    %min3A_575 = vector.broadcast %jit3A_572 : f32 to vector<128x128xf32>
    %min3A_576 = arith.minimumf %min3A_575, %max3A_574 : vector<128x128xf32>
    %sqrt3A_577 = math.sqrt %min3A_576 : vector<128x128xf32>
    %mul3A_578 = arith.constant -1.000000e-01 : f32
    %mul3A_579 = vector.broadcast %mul3A_578 : f32 to vector<128x128xf32>
    %mul3A_580 = arith.mulf %mul3A_579, %sqrt3A_577 : vector<128x128xf32>
    %exp3A_581 = math.exp %mul3A_580 : vector<128x128xf32>
    %jit3A_582 = arith.constant 0.000000e+00 : f32
    %jit3A_583 = arith.constant 1.000000e+00 : f32
    %max3A_584 = vector.broadcast %jit3A_582 : f32 to vector<128x128xf32>
    %max3A_585 = arith.maximumf %max3A_584, %exp3A_581 : vector<128x128xf32>
    %min3A_586 = vector.broadcast %jit3A_583 : f32 to vector<128x128xf32>
    %min3A_587 = arith.minimumf %min3A_586, %max3A_585 : vector<128x128xf32>
    %slice3A_588 = vector.extract_strided_slice %slice3A {offsets = [1024, 0], sizes = [128, 128], strides = [1, 1]} : vector<2048x128xf32> to vector<128x128xf32>
    %dot_general3A_589 = arith.constant dense<0.000000e+00> : vector<128x128xf32>
    %dot_general3A_590 = tpu.matmul %min3A_587, %slice3A_588, %dot_general3A_589 {dimension_numbers = #tpu.dot_dimension_numbers<[1], [0], [0], [1], [0, 0, 1, 1], [], []>, transpose_lhs_hint = false} : vector<128x128xf32>, vector<128x128xf32>, vector<128x128xf32> -> vector<128x128xf32>
    %slice3A_591 = vector.extract_strided_slice %div3A_108 {offsets = [1024, 0], sizes = [128, 128], strides = [1, 1]} : vector<2048x128xf32> to vector<128x128xf32>
    %mul3A_592 = arith.mulf %slice3A_591, %dot_general3A_590 : vector<128x128xf32>
    %sub3A_593 = arith.constant 1.000000e+00 : f32
    %sub3A_594 = vector.broadcast %sub3A_593 : f32 to vector<128x128xf32>
    %sub3A_595 = arith.subf %sub3A_594, %slice3A_591 : vector<128x128xf32>
    %slice3A_596 = vector.extract_strided_slice %slice3A_109 {offsets = [1024, 0], sizes = [128, 128], strides = [1, 1]} : vector<2048x128xf32> to vector<128x128xf32>
    %mul3A_597 = arith.mulf %sub3A_595, %slice3A_596 : vector<128x128xf32>
    %add3A_598 = arith.addf %mul3A_592, %mul3A_597 : vector<128x128xf32>
    %gt3A_599 = arith.constant 0.000000e+00 : f32
    %gt3A_600 = vector.broadcast %gt3A_599 : f32 to vector<128x128xf32>
    %gt3A_601 = arith.cmpf ogt, %add3A_598, %gt3A_600 : vector<128x128xf32>
    %exp3A_602 = math.exp %add3A_598 : vector<128x128xf32>
    %sub3A_603 = arith.constant 1.000000e+00 : f32
    %sub3A_604 = vector.broadcast %sub3A_603 : f32 to vector<128x128xf32>
    %sub3A_605 = arith.subf %exp3A_602, %sub3A_604 : vector<128x128xf32>
    %select_n3A_606 = arith.select %gt3A_601, %add3A_598, %sub3A_605 : vector<128x128xi1>, vector<128x128xf32>
    %swap3A_607 = arith.constant 1024 : index
    %swap3A_608 = arith.constant 0 : index
    %swap3A_609 = vector.load %arg12[%swap3A_607, %swap3A_608] : memref<2048x128xf32, #tpu.memory_space<vmem>>, vector<128x128xf32>
    tpu.vector_store %arg12[%swap3A_607, %swap3A_608], %select_n3A_606 {strides = array<i32>} : memref<2048x128xf32, #tpu.memory_space<vmem>>, vector<128x128xf32>,
    %slice3A_610 = vector.extract_strided_slice %select_n3A_86 {offsets = [1152, 0], sizes = [128, 64], strides = [1, 1]} : vector<2048x64xf32> to vector<128x64xf32>
    %dot_general3A_611 = arith.constant dense<0.000000e+00> : vector<128x128xf32>
    %dot_general3A_612 = tpu.matmul %slice3A_610, %slice3A_610, %dot_general3A_611 {dimension_numbers = #tpu.dot_dimension_numbers<[1], [1], [0], [0], [0, 0, 1, 0], [], []>, transpose_lhs_hint = false} : vector<128x64xf32>, vector<128x64xf32>, vector<128x128xf32> -> vector<128x128xf32>
    %mul3A_613 = arith.mulf %slice3A_610, %slice3A_610 : vector<128x64xf32>
    %reduce_sum3A_614 = arith.constant dense<0.000000e+00> : vector<128xf32>
    %reduce_sum3A_615 = vector.multi_reduction <add>, %mul3A_613, %reduce_sum3A_614 [1] : vector<128x64xf32> to vector<128xf32>
    %broadcast_in_dim3A_616 = vector.shape_cast %reduce_sum3A_615 : vector<128xf32> to vector<128x1xf32>
    %broadcast_in_dim3A_617 = arith.constant 1.000000e+00 : f32
    %broadcast_in_dim3A_618 = vector.broadcast %broadcast_in_dim3A_617 : f32 to vector<128x1xf32>
    %dot_general3A_619 = arith.constant dense<0.000000e+00> : vector<128x128xf32>
    %dot_general3A_620 = tpu.matmul %broadcast_in_dim3A_618, %broadcast_in_dim3A_616, %dot_general3A_619 {dimension_numbers = #tpu.dot_dimension_numbers<[1], [1], [0], [0], [0, 0, 1, 0], [], []>, transpose_lhs_hint = false} : vector<128x1xf32>, vector<128x1xf32>, vector<128x128xf32> -> vector<128x128xf32>
    %mul3A_621 = arith.constant 2.000000e+00 : f32
    %mul3A_622 = vector.broadcast %mul3A_621 : f32 to vector<128x128xf32>
    %mul3A_623 = arith.mulf %mul3A_622, %dot_general3A_612 : vector<128x128xf32>
    %sub3A_624 = vector.broadcast %broadcast_in_dim3A_616 : vector<128x1xf32> to vector<128x128xf32>
    %sub3A_625 = arith.subf %sub3A_624, %mul3A_623 : vector<128x128xf32>
    %add3A_626 = arith.addf %sub3A_625, %dot_general3A_620 : vector<128x128xf32>
    %jit3A_627 = arith.constant 9.99999997E-7 : f32
    %jit3A_628 = arith.constant 1.000000e+06 : f32
    %max3A_629 = vector.broadcast %jit3A_627 : f32 to vector<128x128xf32>
    %max3A_630 = arith.maximumf %max3A_629, %add3A_626 : vector<128x128xf32>
    %min3A_631 = vector.broadcast %jit3A_628 : f32 to vector<128x128xf32>
    %min3A_632 = arith.minimumf %min3A_631, %max3A_630 : vector<128x128xf32>
    %sqrt3A_633 = math.sqrt %min3A_632 : vector<128x128xf32>
    %mul3A_634 = arith.constant -1.000000e-01 : f32
    %mul3A_635 = vector.broadcast %mul3A_634 : f32 to vector<128x128xf32>
    %mul3A_636 = arith.mulf %mul3A_635, %sqrt3A_633 : vector<128x128xf32>
    %exp3A_637 = math.exp %mul3A_636 : vector<128x128xf32>
    %jit3A_638 = arith.constant 0.000000e+00 : f32
    %jit3A_639 = arith.constant 1.000000e+00 : f32
    %max3A_640 = vector.broadcast %jit3A_638 : f32 to vector<128x128xf32>
    %max3A_641 = arith.maximumf %max3A_640, %exp3A_637 : vector<128x128xf32>
    %min3A_642 = vector.broadcast %jit3A_639 : f32 to vector<128x128xf32>
    %min3A_643 = arith.minimumf %min3A_642, %max3A_641 : vector<128x128xf32>
    %slice3A_644 = vector.extract_strided_slice %slice3A {offsets = [1152, 0], sizes = [128, 128], strides = [1, 1]} : vector<2048x128xf32> to vector<128x128xf32>
    %dot_general3A_645 = arith.constant dense<0.000000e+00> : vector<128x128xf32>
    %dot_general3A_646 = tpu.matmul %min3A_643, %slice3A_644, %dot_general3A_645 {dimension_numbers = #tpu.dot_dimension_numbers<[1], [0], [0], [1], [0, 0, 1, 1], [], []>, transpose_lhs_hint = false} : vector<128x128xf32>, vector<128x128xf32>, vector<128x128xf32> -> vector<128x128xf32>
    %slice3A_647 = vector.extract_strided_slice %div3A_108 {offsets = [1152, 0], sizes = [128, 128], strides = [1, 1]} : vector<2048x128xf32> to vector<128x128xf32>
    %mul3A_648 = arith.mulf %slice3A_647, %dot_general3A_646 : vector<128x128xf32>
    %sub3A_649 = arith.constant 1.000000e+00 : f32
    %sub3A_650 = vector.broadcast %sub3A_649 : f32 to vector<128x128xf32>
    %sub3A_651 = arith.subf %sub3A_650, %slice3A_647 : vector<128x128xf32>
    %slice3A_652 = vector.extract_strided_slice %slice3A_109 {offsets = [1152, 0], sizes = [128, 128], strides = [1, 1]} : vector<2048x128xf32> to vector<128x128xf32>
    %mul3A_653 = arith.mulf %sub3A_651, %slice3A_652 : vector<128x128xf32>
    %add3A_654 = arith.addf %mul3A_648, %mul3A_653 : vector<128x128xf32>
    %gt3A_655 = arith.constant 0.000000e+00 : f32
    %gt3A_656 = vector.broadcast %gt3A_655 : f32 to vector<128x128xf32>
    %gt3A_657 = arith.cmpf ogt, %add3A_654, %gt3A_656 : vector<128x128xf32>
    %exp3A_658 = math.exp %add3A_654 : vector<128x128xf32>
    %sub3A_659 = arith.constant 1.000000e+00 : f32
    %sub3A_660 = vector.broadcast %sub3A_659 : f32 to vector<128x128xf32>
    %sub3A_661 = arith.subf %exp3A_658, %sub3A_660 : vector<128x128xf32>
    %select_n3A_662 = arith.select %gt3A_657, %add3A_654, %sub3A_661 : vector<128x128xi1>, vector<128x128xf32>
    %swap3A_663 = arith.constant 1152 : index
    %swap3A_664 = arith.constant 0 : index
    %swap3A_665 = vector.load %arg12[%swap3A_663, %swap3A_664] : memref<2048x128xf32, #tpu.memory_space<vmem>>, vector<128x128xf32>
    tpu.vector_store %arg12[%swap3A_663, %swap3A_664], %select_n3A_662 {strides = array<i32>} : memref<2048x128xf32, #tpu.memory_space<vmem>>, vector<128x128xf32>,
    %slice3A_666 = vector.extract_strided_slice %select_n3A_86 {offsets = [1280, 0], sizes = [128, 64], strides = [1, 1]} : vector<2048x64xf32> to vector<128x64xf32>
    %dot_general3A_667 = arith.constant dense<0.000000e+00> : vector<128x128xf32>
    %dot_general3A_668 = tpu.matmul %slice3A_666, %slice3A_666, %dot_general3A_667 {dimension_numbers = #tpu.dot_dimension_numbers<[1], [1], [0], [0], [0, 0, 1, 0], [], []>, transpose_lhs_hint = false} : vector<128x64xf32>, vector<128x64xf32>, vector<128x128xf32> -> vector<128x128xf32>
    %mul3A_669 = arith.mulf %slice3A_666, %slice3A_666 : vector<128x64xf32>
    %reduce_sum3A_670 = arith.constant dense<0.000000e+00> : vector<128xf32>
    %reduce_sum3A_671 = vector.multi_reduction <add>, %mul3A_669, %reduce_sum3A_670 [1] : vector<128x64xf32> to vector<128xf32>
    %broadcast_in_dim3A_672 = vector.shape_cast %reduce_sum3A_671 : vector<128xf32> to vector<128x1xf32>
    %broadcast_in_dim3A_673 = arith.constant 1.000000e+00 : f32
    %broadcast_in_dim3A_674 = vector.broadcast %broadcast_in_dim3A_673 : f32 to vector<128x1xf32>
    %dot_general3A_675 = arith.constant dense<0.000000e+00> : vector<128x128xf32>
    %dot_general3A_676 = tpu.matmul %broadcast_in_dim3A_674, %broadcast_in_dim3A_672, %dot_general3A_675 {dimension_numbers = #tpu.dot_dimension_numbers<[1], [1], [0], [0], [0, 0, 1, 0], [], []>, transpose_lhs_hint = false} : vector<128x1xf32>, vector<128x1xf32>, vector<128x128xf32> -> vector<128x128xf32>
    %mul3A_677 = arith.constant 2.000000e+00 : f32
    %mul3A_678 = vector.broadcast %mul3A_677 : f32 to vector<128x128xf32>
    %mul3A_679 = arith.mulf %mul3A_678, %dot_general3A_668 : vector<128x128xf32>
    %sub3A_680 = vector.broadcast %broadcast_in_dim3A_672 : vector<128x1xf32> to vector<128x128xf32>
    %sub3A_681 = arith.subf %sub3A_680, %mul3A_679 : vector<128x128xf32>
    %add3A_682 = arith.addf %sub3A_681, %dot_general3A_676 : vector<128x128xf32>
    %jit3A_683 = arith.constant 9.99999997E-7 : f32
    %jit3A_684 = arith.constant 1.000000e+06 : f32
    %max3A_685 = vector.broadcast %jit3A_683 : f32 to vector<128x128xf32>
    %max3A_686 = arith.maximumf %max3A_685, %add3A_682 : vector<128x128xf32>
    %min3A_687 = vector.broadcast %jit3A_684 : f32 to vector<128x128xf32>
    %min3A_688 = arith.minimumf %min3A_687, %max3A_686 : vector<128x128xf32>
    %sqrt3A_689 = math.sqrt %min3A_688 : vector<128x128xf32>
    %mul3A_690 = arith.constant -1.000000e-01 : f32
    %mul3A_691 = vector.broadcast %mul3A_690 : f32 to vector<128x128xf32>
    %mul3A_692 = arith.mulf %mul3A_691, %sqrt3A_689 : vector<128x128xf32>
    %exp3A_693 = math.exp %mul3A_692 : vector<128x128xf32>
    %jit3A_694 = arith.constant 0.000000e+00 : f32
    %jit3A_695 = arith.constant 1.000000e+00 : f32
    %max3A_696 = vector.broadcast %jit3A_694 : f32 to vector<128x128xf32>
    %max3A_697 = arith.maximumf %max3A_696, %exp3A_693 : vector<128x128xf32>
    %min3A_698 = vector.broadcast %jit3A_695 : f32 to vector<128x128xf32>
    %min3A_699 = arith.minimumf %min3A_698, %max3A_697 : vector<128x128xf32>
    %slice3A_700 = vector.extract_strided_slice %slice3A {offsets = [1280, 0], sizes = [128, 128], strides = [1, 1]} : vector<2048x128xf32> to vector<128x128xf32>
    %dot_general3A_701 = arith.constant dense<0.000000e+00> : vector<128x128xf32>
    %dot_general3A_702 = tpu.matmul %min3A_699, %slice3A_700, %dot_general3A_701 {dimension_numbers = #tpu.dot_dimension_numbers<[1], [0], [0], [1], [0, 0, 1, 1], [], []>, transpose_lhs_hint = false} : vector<128x128xf32>, vector<128x128xf32>, vector<128x128xf32> -> vector<128x128xf32>
    %slice3A_703 = vector.extract_strided_slice %div3A_108 {offsets = [1280, 0], sizes = [128, 128], strides = [1, 1]} : vector<2048x128xf32> to vector<128x128xf32>
    %mul3A_704 = arith.mulf %slice3A_703, %dot_general3A_702 : vector<128x128xf32>
    %sub3A_705 = arith.constant 1.000000e+00 : f32
    %sub3A_706 = vector.broadcast %sub3A_705 : f32 to vector<128x128xf32>
    %sub3A_707 = arith.subf %sub3A_706, %slice3A_703 : vector<128x128xf32>
    %slice3A_708 = vector.extract_strided_slice %slice3A_109 {offsets = [1280, 0], sizes = [128, 128], strides = [1, 1]} : vector<2048x128xf32> to vector<128x128xf32>
    %mul3A_709 = arith.mulf %sub3A_707, %slice3A_708 : vector<128x128xf32>
    %add3A_710 = arith.addf %mul3A_704, %mul3A_709 : vector<128x128xf32>
    %gt3A_711 = arith.constant 0.000000e+00 : f32
    %gt3A_712 = vector.broadcast %gt3A_711 : f32 to vector<128x128xf32>
    %gt3A_713 = arith.cmpf ogt, %add3A_710, %gt3A_712 : vector<128x128xf32>
    %exp3A_714 = math.exp %add3A_710 : vector<128x128xf32>
    %sub3A_715 = arith.constant 1.000000e+00 : f32
    %sub3A_716 = vector.broadcast %sub3A_715 : f32 to vector<128x128xf32>
    %sub3A_717 = arith.subf %exp3A_714, %sub3A_716 : vector<128x128xf32>
    %select_n3A_718 = arith.select %gt3A_713, %add3A_710, %sub3A_717 : vector<128x128xi1>, vector<128x128xf32>
    %swap3A_719 = arith.constant 1280 : index
    %swap3A_720 = arith.constant 0 : index
    %swap3A_721 = vector.load %arg12[%swap3A_719, %swap3A_720] : memref<2048x128xf32, #tpu.memory_space<vmem>>, vector<128x128xf32>
    tpu.vector_store %arg12[%swap3A_719, %swap3A_720], %select_n3A_718 {strides = array<i32>} : memref<2048x128xf32, #tpu.memory_space<vmem>>, vector<128x128xf32>,
    %slice3A_722 = vector.extract_strided_slice %select_n3A_86 {offsets = [1408, 0], sizes = [128, 64], strides = [1, 1]} : vector<2048x64xf32> to vector<128x64xf32>
    %dot_general3A_723 = arith.constant dense<0.000000e+00> : vector<128x128xf32>
    %dot_general3A_724 = tpu.matmul %slice3A_722, %slice3A_722, %dot_general3A_723 {dimension_numbers = #tpu.dot_dimension_numbers<[1], [1], [0], [0], [0, 0, 1, 0], [], []>, transpose_lhs_hint = false} : vector<128x64xf32>, vector<128x64xf32>, vector<128x128xf32> -> vector<128x128xf32>
    %mul3A_725 = arith.mulf %slice3A_722, %slice3A_722 : vector<128x64xf32>
    %reduce_sum3A_726 = arith.constant dense<0.000000e+00> : vector<128xf32>
    %reduce_sum3A_727 = vector.multi_reduction <add>, %mul3A_725, %reduce_sum3A_726 [1] : vector<128x64xf32> to vector<128xf32>
    %broadcast_in_dim3A_728 = vector.shape_cast %reduce_sum3A_727 : vector<128xf32> to vector<128x1xf32>
    %broadcast_in_dim3A_729 = arith.constant 1.000000e+00 : f32
    %broadcast_in_dim3A_730 = vector.broadcast %broadcast_in_dim3A_729 : f32 to vector<128x1xf32>
    %dot_general3A_731 = arith.constant dense<0.000000e+00> : vector<128x128xf32>
    %dot_general3A_732 = tpu.matmul %broadcast_in_dim3A_730, %broadcast_in_dim3A_728, %dot_general3A_731 {dimension_numbers = #tpu.dot_dimension_numbers<[1], [1], [0], [0], [0, 0, 1, 0], [], []>, transpose_lhs_hint = false} : vector<128x1xf32>, vector<128x1xf32>, vector<128x128xf32> -> vector<128x128xf32>
    %mul3A_733 = arith.constant 2.000000e+00 : f32
    %mul3A_734 = vector.broadcast %mul3A_733 : f32 to vector<128x128xf32>
    %mul3A_735 = arith.mulf %mul3A_734, %dot_general3A_724 : vector<128x128xf32>
    %sub3A_736 = vector.broadcast %broadcast_in_dim3A_728 : vector<128x1xf32> to vector<128x128xf32>
    %sub3A_737 = arith.subf %sub3A_736, %mul3A_735 : vector<128x128xf32>
    %add3A_738 = arith.addf %sub3A_737, %dot_general3A_732 : vector<128x128xf32>
    %jit3A_739 = arith.constant 9.99999997E-7 : f32
    %jit3A_740 = arith.constant 1.000000e+06 : f32
    %max3A_741 = vector.broadcast %jit3A_739 : f32 to vector<128x128xf32>
    %max3A_742 = arith.maximumf %max3A_741, %add3A_738 : vector<128x128xf32>
    %min3A_743 = vector.broadcast %jit3A_740 : f32 to vector<128x128xf32>
    %min3A_744 = arith.minimumf %min3A_743, %max3A_742 : vector<128x128xf32>
    %sqrt3A_745 = math.sqrt %min3A_744 : vector<128x128xf32>
    %mul3A_746 = arith.constant -1.000000e-01 : f32
    %mul3A_747 = vector.broadcast %mul3A_746 : f32 to vector<128x128xf32>
    %mul3A_748 = arith.mulf %mul3A_747, %sqrt3A_745 : vector<128x128xf32>
    %exp3A_749 = math.exp %mul3A_748 : vector<128x128xf32>
    %jit3A_750 = arith.constant 0.000000e+00 : f32
    %jit3A_751 = arith.constant 1.000000e+00 : f32
    %max3A_752 = vector.broadcast %jit3A_750 : f32 to vector<128x128xf32>
    %max3A_753 = arith.maximumf %max3A_752, %exp3A_749 : vector<128x128xf32>
    %min3A_754 = vector.broadcast %jit3A_751 : f32 to vector<128x128xf32>
    %min3A_755 = arith.minimumf %min3A_754, %max3A_753 : vector<128x128xf32>
    %slice3A_756 = vector.extract_strided_slice %slice3A {offsets = [1408, 0], sizes = [128, 128], strides = [1, 1]} : vector<2048x128xf32> to vector<128x128xf32>
    %dot_general3A_757 = arith.constant dense<0.000000e+00> : vector<128x128xf32>
    %dot_general3A_758 = tpu.matmul %min3A_755, %slice3A_756, %dot_general3A_757 {dimension_numbers = #tpu.dot_dimension_numbers<[1], [0], [0], [1], [0, 0, 1, 1], [], []>, transpose_lhs_hint = false} : vector<128x128xf32>, vector<128x128xf32>, vector<128x128xf32> -> vector<128x128xf32>
    %slice3A_759 = vector.extract_strided_slice %div3A_108 {offsets = [1408, 0], sizes = [128, 128], strides = [1, 1]} : vector<2048x128xf32> to vector<128x128xf32>
    %mul3A_760 = arith.mulf %slice3A_759, %dot_general3A_758 : vector<128x128xf32>
    %sub3A_761 = arith.constant 1.000000e+00 : f32
    %sub3A_762 = vector.broadcast %sub3A_761 : f32 to vector<128x128xf32>
    %sub3A_763 = arith.subf %sub3A_762, %slice3A_759 : vector<128x128xf32>
    %slice3A_764 = vector.extract_strided_slice %slice3A_109 {offsets = [1408, 0], sizes = [128, 128], strides = [1, 1]} : vector<2048x128xf32> to vector<128x128xf32>
    %mul3A_765 = arith.mulf %sub3A_763, %slice3A_764 : vector<128x128xf32>
    %add3A_766 = arith.addf %mul3A_760, %mul3A_765 : vector<128x128xf32>
    %gt3A_767 = arith.constant 0.000000e+00 : f32
    %gt3A_768 = vector.broadcast %gt3A_767 : f32 to vector<128x128xf32>
    %gt3A_769 = arith.cmpf ogt, %add3A_766, %gt3A_768 : vector<128x128xf32>
    %exp3A_770 = math.exp %add3A_766 : vector<128x128xf32>
    %sub3A_771 = arith.constant 1.000000e+00 : f32
    %sub3A_772 = vector.broadcast %sub3A_771 : f32 to vector<128x128xf32>
    %sub3A_773 = arith.subf %exp3A_770, %sub3A_772 : vector<128x128xf32>
    %select_n3A_774 = arith.select %gt3A_769, %add3A_766, %sub3A_773 : vector<128x128xi1>, vector<128x128xf32>
    %swap3A_775 = arith.constant 1408 : index
    %swap3A_776 = arith.constant 0 : index
    %swap3A_777 = vector.load %arg12[%swap3A_775, %swap3A_776] : memref<2048x128xf32, #tpu.memory_space<vmem>>, vector<128x128xf32>
    tpu.vector_store %arg12[%swap3A_775, %swap3A_776], %select_n3A_774 {strides = array<i32>} : memref<2048x128xf32, #tpu.memory_space<vmem>>, vector<128x128xf32>,
    %slice3A_778 = vector.extract_strided_slice %select_n3A_86 {offsets = [1536, 0], sizes = [128, 64], strides = [1, 1]} : vector<2048x64xf32> to vector<128x64xf32>
    %dot_general3A_779 = arith.constant dense<0.000000e+00> : vector<128x128xf32>
    %dot_general3A_780 = tpu.matmul %slice3A_778, %slice3A_778, %dot_general3A_779 {dimension_numbers = #tpu.dot_dimension_numbers<[1], [1], [0], [0], [0, 0, 1, 0], [], []>, transpose_lhs_hint = false} : vector<128x64xf32>, vector<128x64xf32>, vector<128x128xf32> -> vector<128x128xf32>
    %mul3A_781 = arith.mulf %slice3A_778, %slice3A_778 : vector<128x64xf32>
    %reduce_sum3A_782 = arith.constant dense<0.000000e+00> : vector<128xf32>
    %reduce_sum3A_783 = vector.multi_reduction <add>, %mul3A_781, %reduce_sum3A_782 [1] : vector<128x64xf32> to vector<128xf32>
    %broadcast_in_dim3A_784 = vector.shape_cast %reduce_sum3A_783 : vector<128xf32> to vector<128x1xf32>
    %broadcast_in_dim3A_785 = arith.constant 1.000000e+00 : f32
    %broadcast_in_dim3A_786 = vector.broadcast %broadcast_in_dim3A_785 : f32 to vector<128x1xf32>
    %dot_general3A_787 = arith.constant dense<0.000000e+00> : vector<128x128xf32>
    %dot_general3A_788 = tpu.matmul %broadcast_in_dim3A_786, %broadcast_in_dim3A_784, %dot_general3A_787 {dimension_numbers = #tpu.dot_dimension_numbers<[1], [1], [0], [0], [0, 0, 1, 0], [], []>, transpose_lhs_hint = false} : vector<128x1xf32>, vector<128x1xf32>, vector<128x128xf32> -> vector<128x128xf32>
    %mul3A_789 = arith.constant 2.000000e+00 : f32
    %mul3A_790 = vector.broadcast %mul3A_789 : f32 to vector<128x128xf32>
    %mul3A_791 = arith.mulf %mul3A_790, %dot_general3A_780 : vector<128x128xf32>
    %sub3A_792 = vector.broadcast %broadcast_in_dim3A_784 : vector<128x1xf32> to vector<128x128xf32>
    %sub3A_793 = arith.subf %sub3A_792, %mul3A_791 : vector<128x128xf32>
    %add3A_794 = arith.addf %sub3A_793, %dot_general3A_788 : vector<128x128xf32>
    %jit3A_795 = arith.constant 9.99999997E-7 : f32
    %jit3A_796 = arith.constant 1.000000e+06 : f32
    %max3A_797 = vector.broadcast %jit3A_795 : f32 to vector<128x128xf32>
    %max3A_798 = arith.maximumf %max3A_797, %add3A_794 : vector<128x128xf32>
    %min3A_799 = vector.broadcast %jit3A_796 : f32 to vector<128x128xf32>
    %min3A_800 = arith.minimumf %min3A_799, %max3A_798 : vector<128x128xf32>
    %sqrt3A_801 = math.sqrt %min3A_800 : vector<128x128xf32>
    %mul3A_802 = arith.constant -1.000000e-01 : f32
    %mul3A_803 = vector.broadcast %mul3A_802 : f32 to vector<128x128xf32>
    %mul3A_804 = arith.mulf %mul3A_803, %sqrt3A_801 : vector<128x128xf32>
    %exp3A_805 = math.exp %mul3A_804 : vector<128x128xf32>
    %jit3A_806 = arith.constant 0.000000e+00 : f32
    %jit3A_807 = arith.constant 1.000000e+00 : f32
    %max3A_808 = vector.broadcast %jit3A_806 : f32 to vector<128x128xf32>
    %max3A_809 = arith.maximumf %max3A_808, %exp3A_805 : vector<128x128xf32>
    %min3A_810 = vector.broadcast %jit3A_807 : f32 to vector<128x128xf32>
    %min3A_811 = arith.minimumf %min3A_810, %max3A_809 : vector<128x128xf32>
    %slice3A_812 = vector.extract_strided_slice %slice3A {offsets = [1536, 0], sizes = [128, 128], strides = [1, 1]} : vector<2048x128xf32> to vector<128x128xf32>
    %dot_general3A_813 = arith.constant dense<0.000000e+00> : vector<128x128xf32>
    %dot_general3A_814 = tpu.matmul %min3A_811, %slice3A_812, %dot_general3A_813 {dimension_numbers = #tpu.dot_dimension_numbers<[1], [0], [0], [1], [0, 0, 1, 1], [], []>, transpose_lhs_hint = false} : vector<128x128xf32>, vector<128x128xf32>, vector<128x128xf32> -> vector<128x128xf32>
    %slice3A_815 = vector.extract_strided_slice %div3A_108 {offsets = [1536, 0], sizes = [128, 128], strides = [1, 1]} : vector<2048x128xf32> to vector<128x128xf32>
    %mul3A_816 = arith.mulf %slice3A_815, %dot_general3A_814 : vector<128x128xf32>
    %sub3A_817 = arith.constant 1.000000e+00 : f32
    %sub3A_818 = vector.broadcast %sub3A_817 : f32 to vector<128x128xf32>
    %sub3A_819 = arith.subf %sub3A_818, %slice3A_815 : vector<128x128xf32>
    %slice3A_820 = vector.extract_strided_slice %slice3A_109 {offsets = [1536, 0], sizes = [128, 128], strides = [1, 1]} : vector<2048x128xf32> to vector<128x128xf32>
    %mul3A_821 = arith.mulf %sub3A_819, %slice3A_820 : vector<128x128xf32>
    %add3A_822 = arith.addf %mul3A_816, %mul3A_821 : vector<128x128xf32>
    %gt3A_823 = arith.constant 0.000000e+00 : f32
    %gt3A_824 = vector.broadcast %gt3A_823 : f32 to vector<128x128xf32>
    %gt3A_825 = arith.cmpf ogt, %add3A_822, %gt3A_824 : vector<128x128xf32>
    %exp3A_826 = math.exp %add3A_822 : vector<128x128xf32>
    %sub3A_827 = arith.constant 1.000000e+00 : f32
    %sub3A_828 = vector.broadcast %sub3A_827 : f32 to vector<128x128xf32>
    %sub3A_829 = arith.subf %exp3A_826, %sub3A_828 : vector<128x128xf32>
    %select_n3A_830 = arith.select %gt3A_825, %add3A_822, %sub3A_829 : vector<128x128xi1>, vector<128x128xf32>
    %swap3A_831 = arith.constant 1536 : index
    %swap3A_832 = arith.constant 0 : index
    %swap3A_833 = vector.load %arg12[%swap3A_831, %swap3A_832] : memref<2048x128xf32, #tpu.memory_space<vmem>>, vector<128x128xf32>
    tpu.vector_store %arg12[%swap3A_831, %swap3A_832], %select_n3A_830 {strides = array<i32>} : memref<2048x128xf32, #tpu.memory_space<vmem>>, vector<128x128xf32>,
    %slice3A_834 = vector.extract_strided_slice %select_n3A_86 {offsets = [1664, 0], sizes = [128, 64], strides = [1, 1]} : vector<2048x64xf32> to vector<128x64xf32>
    %dot_general3A_835 = arith.constant dense<0.000000e+00> : vector<128x128xf32>
    %dot_general3A_836 = tpu.matmul %slice3A_834, %slice3A_834, %dot_general3A_835 {dimension_numbers = #tpu.dot_dimension_numbers<[1], [1], [0], [0], [0, 0, 1, 0], [], []>, transpose_lhs_hint = false} : vector<128x64xf32>, vector<128x64xf32>, vector<128x128xf32> -> vector<128x128xf32>
    %mul3A_837 = arith.mulf %slice3A_834, %slice3A_834 : vector<128x64xf32>
    %reduce_sum3A_838 = arith.constant dense<0.000000e+00> : vector<128xf32>
    %reduce_sum3A_839 = vector.multi_reduction <add>, %mul3A_837, %reduce_sum3A_838 [1] : vector<128x64xf32> to vector<128xf32>
    %broadcast_in_dim3A_840 = vector.shape_cast %reduce_sum3A_839 : vector<128xf32> to vector<128x1xf32>
    %broadcast_in_dim3A_841 = arith.constant 1.000000e+00 : f32
    %broadcast_in_dim3A_842 = vector.broadcast %broadcast_in_dim3A_841 : f32 to vector<128x1xf32>
    %dot_general3A_843 = arith.constant dense<0.000000e+00> : vector<128x128xf32>
    %dot_general3A_844 = tpu.matmul %broadcast_in_dim3A_842, %broadcast_in_dim3A_840, %dot_general3A_843 {dimension_numbers = #tpu.dot_dimension_numbers<[1], [1], [0], [0], [0, 0, 1, 0], [], []>, transpose_lhs_hint = false} : vector<128x1xf32>, vector<128x1xf32>, vector<128x128xf32> -> vector<128x128xf32>
    %mul3A_845 = arith.constant 2.000000e+00 : f32
    %mul3A_846 = vector.broadcast %mul3A_845 : f32 to vector<128x128xf32>
    %mul3A_847 = arith.mulf %mul3A_846, %dot_general3A_836 : vector<128x128xf32>
    %sub3A_848 = vector.broadcast %broadcast_in_dim3A_840 : vector<128x1xf32> to vector<128x128xf32>
    %sub3A_849 = arith.subf %sub3A_848, %mul3A_847 : vector<128x128xf32>
    %add3A_850 = arith.addf %sub3A_849, %dot_general3A_844 : vector<128x128xf32>
    %jit3A_851 = arith.constant 9.99999997E-7 : f32
    %jit3A_852 = arith.constant 1.000000e+06 : f32
    %max3A_853 = vector.broadcast %jit3A_851 : f32 to vector<128x128xf32>
    %max3A_854 = arith.maximumf %max3A_853, %add3A_850 : vector<128x128xf32>
    %min3A_855 = vector.broadcast %jit3A_852 : f32 to vector<128x128xf32>
    %min3A_856 = arith.minimumf %min3A_855, %max3A_854 : vector<128x128xf32>
    %sqrt3A_857 = math.sqrt %min3A_856 : vector<128x128xf32>
    %mul3A_858 = arith.constant -1.000000e-01 : f32
    %mul3A_859 = vector.broadcast %mul3A_858 : f32 to vector<128x128xf32>
    %mul3A_860 = arith.mulf %mul3A_859, %sqrt3A_857 : vector<128x128xf32>
    %exp3A_861 = math.exp %mul3A_860 : vector<128x128xf32>
    %jit3A_862 = arith.constant 0.000000e+00 : f32
    %jit3A_863 = arith.constant 1.000000e+00 : f32
    %max3A_864 = vector.broadcast %jit3A_862 : f32 to vector<128x128xf32>
    %max3A_865 = arith.maximumf %max3A_864, %exp3A_861 : vector<128x128xf32>
    %min3A_866 = vector.broadcast %jit3A_863 : f32 to vector<128x128xf32>
    %min3A_867 = arith.minimumf %min3A_866, %max3A_865 : vector<128x128xf32>
    %slice3A_868 = vector.extract_strided_slice %slice3A {offsets = [1664, 0], sizes = [128, 128], strides = [1, 1]} : vector<2048x128xf32> to vector<128x128xf32>
    %dot_general3A_869 = arith.constant dense<0.000000e+00> : vector<128x128xf32>
    %dot_general3A_870 = tpu.matmul %min3A_867, %slice3A_868, %dot_general3A_869 {dimension_numbers = #tpu.dot_dimension_numbers<[1], [0], [0], [1], [0, 0, 1, 1], [], []>, transpose_lhs_hint = false} : vector<128x128xf32>, vector<128x128xf32>, vector<128x128xf32> -> vector<128x128xf32>
    %slice3A_871 = vector.extract_strided_slice %div3A_108 {offsets = [1664, 0], sizes = [128, 128], strides = [1, 1]} : vector<2048x128xf32> to vector<128x128xf32>
    %mul3A_872 = arith.mulf %slice3A_871, %dot_general3A_870 : vector<128x128xf32>
    %sub3A_873 = arith.constant 1.000000e+00 : f32
    %sub3A_874 = vector.broadcast %sub3A_873 : f32 to vector<128x128xf32>
    %sub3A_875 = arith.subf %sub3A_874, %slice3A_871 : vector<128x128xf32>
    %slice3A_876 = vector.extract_strided_slice %slice3A_109 {offsets = [1664, 0], sizes = [128, 128], strides = [1, 1]} : vector<2048x128xf32> to vector<128x128xf32>
    %mul3A_877 = arith.mulf %sub3A_875, %slice3A_876 : vector<128x128xf32>
    %add3A_878 = arith.addf %mul3A_872, %mul3A_877 : vector<128x128xf32>
    %gt3A_879 = arith.constant 0.000000e+00 : f32
    %gt3A_880 = vector.broadcast %gt3A_879 : f32 to vector<128x128xf32>
    %gt3A_881 = arith.cmpf ogt, %add3A_878, %gt3A_880 : vector<128x128xf32>
    %exp3A_882 = math.exp %add3A_878 : vector<128x128xf32>
    %sub3A_883 = arith.constant 1.000000e+00 : f32
    %sub3A_884 = vector.broadcast %sub3A_883 : f32 to vector<128x128xf32>
    %sub3A_885 = arith.subf %exp3A_882, %sub3A_884 : vector<128x128xf32>
    %select_n3A_886 = arith.select %gt3A_881, %add3A_878, %sub3A_885 : vector<128x128xi1>, vector<128x128xf32>
    %swap3A_887 = arith.constant 1664 : index
    %swap3A_888 = arith.constant 0 : index
    %swap3A_889 = vector.load %arg12[%swap3A_887, %swap3A_888] : memref<2048x128xf32, #tpu.memory_space<vmem>>, vector<128x128xf32>
    tpu.vector_store %arg12[%swap3A_887, %swap3A_888], %select_n3A_886 {strides = array<i32>} : memref<2048x128xf32, #tpu.memory_space<vmem>>, vector<128x128xf32>,
    %slice3A_890 = vector.extract_strided_slice %select_n3A_86 {offsets = [1792, 0], sizes = [128, 64], strides = [1, 1]} : vector<2048x64xf32> to vector<128x64xf32>
    %dot_general3A_891 = arith.constant dense<0.000000e+00> : vector<128x128xf32>
    %dot_general3A_892 = tpu.matmul %slice3A_890, %slice3A_890, %dot_general3A_891 {dimension_numbers = #tpu.dot_dimension_numbers<[1], [1], [0], [0], [0, 0, 1, 0], [], []>, transpose_lhs_hint = false} : vector<128x64xf32>, vector<128x64xf32>, vector<128x128xf32> -> vector<128x128xf32>
    %mul3A_893 = arith.mulf %slice3A_890, %slice3A_890 : vector<128x64xf32>
    %reduce_sum3A_894 = arith.constant dense<0.000000e+00> : vector<128xf32>
    %reduce_sum3A_895 = vector.multi_reduction <add>, %mul3A_893, %reduce_sum3A_894 [1] : vector<128x64xf32> to vector<128xf32>
    %broadcast_in_dim3A_896 = vector.shape_cast %reduce_sum3A_895 : vector<128xf32> to vector<128x1xf32>
    %broadcast_in_dim3A_897 = arith.constant 1.000000e+00 : f32
    %broadcast_in_dim3A_898 = vector.broadcast %broadcast_in_dim3A_897 : f32 to vector<128x1xf32>
    %dot_general3A_899 = arith.constant dense<0.000000e+00> : vector<128x128xf32>
    %dot_general3A_900 = tpu.matmul %broadcast_in_dim3A_898, %broadcast_in_dim3A_896, %dot_general3A_899 {dimension_numbers = #tpu.dot_dimension_numbers<[1], [1], [0], [0], [0, 0, 1, 0], [], []>, transpose_lhs_hint = false} : vector<128x1xf32>, vector<128x1xf32>, vector<128x128xf32> -> vector<128x128xf32>
    %mul3A_901 = arith.constant 2.000000e+00 : f32
    %mul3A_902 = vector.broadcast %mul3A_901 : f32 to vector<128x128xf32>
    %mul3A_903 = arith.mulf %mul3A_902, %dot_general3A_892 : vector<128x128xf32>
    %sub3A_904 = vector.broadcast %broadcast_in_dim3A_896 : vector<128x1xf32> to vector<128x128xf32>
    %sub3A_905 = arith.subf %sub3A_904, %mul3A_903 : vector<128x128xf32>
    %add3A_906 = arith.addf %sub3A_905, %dot_general3A_900 : vector<128x128xf32>
    %jit3A_907 = arith.constant 9.99999997E-7 : f32
    %jit3A_908 = arith.constant 1.000000e+06 : f32
    %max3A_909 = vector.broadcast %jit3A_907 : f32 to vector<128x128xf32>
    %max3A_910 = arith.maximumf %max3A_909, %add3A_906 : vector<128x128xf32>
    %min3A_911 = vector.broadcast %jit3A_908 : f32 to vector<128x128xf32>
    %min3A_912 = arith.minimumf %min3A_911, %max3A_910 : vector<128x128xf32>
    %sqrt3A_913 = math.sqrt %min3A_912 : vector<128x128xf32>
    %mul3A_914 = arith.constant -1.000000e-01 : f32
    %mul3A_915 = vector.broadcast %mul3A_914 : f32 to vector<128x128xf32>
    %mul3A_916 = arith.mulf %mul3A_915, %sqrt3A_913 : vector<128x128xf32>
    %exp3A_917 = math.exp %mul3A_916 : vector<128x128xf32>
    %jit3A_918 = arith.constant 0.000000e+00 : f32
    %jit3A_919 = arith.constant 1.000000e+00 : f32
    %max3A_920 = vector.broadcast %jit3A_918 : f32 to vector<128x128xf32>
    %max3A_921 = arith.maximumf %max3A_920, %exp3A_917 : vector<128x128xf32>
    %min3A_922 = vector.broadcast %jit3A_919 : f32 to vector<128x128xf32>
    %min3A_923 = arith.minimumf %min3A_922, %max3A_921 : vector<128x128xf32>
    %slice3A_924 = vector.extract_strided_slice %slice3A {offsets = [1792, 0], sizes = [128, 128], strides = [1, 1]} : vector<2048x128xf32> to vector<128x128xf32>
    %dot_general3A_925 = arith.constant dense<0.000000e+00> : vector<128x128xf32>
    %dot_general3A_926 = tpu.matmul %min3A_923, %slice3A_924, %dot_general3A_925 {dimension_numbers = #tpu.dot_dimension_numbers<[1], [0], [0], [1], [0, 0, 1, 1], [], []>, transpose_lhs_hint = false} : vector<128x128xf32>, vector<128x128xf32>, vector<128x128xf32> -> vector<128x128xf32>
    %slice3A_927 = vector.extract_strided_slice %div3A_108 {offsets = [1792, 0], sizes = [128, 128], strides = [1, 1]} : vector<2048x128xf32> to vector<128x128xf32>
    %mul3A_928 = arith.mulf %slice3A_927, %dot_general3A_926 : vector<128x128xf32>
    %sub3A_929 = arith.constant 1.000000e+00 : f32
    %sub3A_930 = vector.broadcast %sub3A_929 : f32 to vector<128x128xf32>
    %sub3A_931 = arith.subf %sub3A_930, %slice3A_927 : vector<128x128xf32>
    %slice3A_932 = vector.extract_strided_slice %slice3A_109 {offsets = [1792, 0], sizes = [128, 128], strides = [1, 1]} : vector<2048x128xf32> to vector<128x128xf32>
    %mul3A_933 = arith.mulf %sub3A_931, %slice3A_932 : vector<128x128xf32>
    %add3A_934 = arith.addf %mul3A_928, %mul3A_933 : vector<128x128xf32>
    %gt3A_935 = arith.constant 0.000000e+00 : f32
    %gt3A_936 = vector.broadcast %gt3A_935 : f32 to vector<128x128xf32>
    %gt3A_937 = arith.cmpf ogt, %add3A_934, %gt3A_936 : vector<128x128xf32>
    %exp3A_938 = math.exp %add3A_934 : vector<128x128xf32>
    %sub3A_939 = arith.constant 1.000000e+00 : f32
    %sub3A_940 = vector.broadcast %sub3A_939 : f32 to vector<128x128xf32>
    %sub3A_941 = arith.subf %exp3A_938, %sub3A_940 : vector<128x128xf32>
    %select_n3A_942 = arith.select %gt3A_937, %add3A_934, %sub3A_941 : vector<128x128xi1>, vector<128x128xf32>
    %swap3A_943 = arith.constant 1792 : index
    %swap3A_944 = arith.constant 0 : index
    %swap3A_945 = vector.load %arg12[%swap3A_943, %swap3A_944] : memref<2048x128xf32, #tpu.memory_space<vmem>>, vector<128x128xf32>
    tpu.vector_store %arg12[%swap3A_943, %swap3A_944], %select_n3A_942 {strides = array<i32>} : memref<2048x128xf32, #tpu.memory_space<vmem>>, vector<128x128xf32>,
    %slice3A_946 = vector.extract_strided_slice %select_n3A_86 {offsets = [1920, 0], sizes = [128, 64], strides = [1, 1]} : vector<2048x64xf32> to vector<128x64xf32>
    %dot_general3A_947 = arith.constant dense<0.000000e+00> : vector<128x128xf32>
    %dot_general3A_948 = tpu.matmul %slice3A_946, %slice3A_946, %dot_general3A_947 {dimension_numbers = #tpu.dot_dimension_numbers<[1], [1], [0], [0], [0, 0, 1, 0], [], []>, transpose_lhs_hint = false} : vector<128x64xf32>, vector<128x64xf32>, vector<128x128xf32> -> vector<128x128xf32>
    %mul3A_949 = arith.mulf %slice3A_946, %slice3A_946 : vector<128x64xf32>
    %reduce_sum3A_950 = arith.constant dense<0.000000e+00> : vector<128xf32>
    %reduce_sum3A_951 = vector.multi_reduction <add>, %mul3A_949, %reduce_sum3A_950 [1] : vector<128x64xf32> to vector<128xf32>
    %broadcast_in_dim3A_952 = vector.shape_cast %reduce_sum3A_951 : vector<128xf32> to vector<128x1xf32>
    %broadcast_in_dim3A_953 = arith.constant 1.000000e+00 : f32
    %broadcast_in_dim3A_954 = vector.broadcast %broadcast_in_dim3A_953 : f32 to vector<128x1xf32>
    %dot_general3A_955 = arith.constant dense<0.000000e+00> : vector<128x128xf32>
    %dot_general3A_956 = tpu.matmul %broadcast_in_dim3A_954, %broadcast_in_dim3A_952, %dot_general3A_955 {dimension_numbers = #tpu.dot_dimension_numbers<[1], [1], [0], [0], [0, 0, 1, 0], [], []>, transpose_lhs_hint = false} : vector<128x1xf32>, vector<128x1xf32>, vector<128x128xf32> -> vector<128x128xf32>
    %mul3A_957 = arith.constant 2.000000e+00 : f32
    %mul3A_958 = vector.broadcast %mul3A_957 : f32 to vector<128x128xf32>
    %mul3A_959 = arith.mulf %mul3A_958, %dot_general3A_948 : vector<128x128xf32>
    %sub3A_960 = vector.broadcast %broadcast_in_dim3A_952 : vector<128x1xf32> to vector<128x128xf32>
    %sub3A_961 = arith.subf %sub3A_960, %mul3A_959 : vector<128x128xf32>
    %add3A_962 = arith.addf %sub3A_961, %dot_general3A_956 : vector<128x128xf32>
    %jit3A_963 = arith.constant 9.99999997E-7 : f32
    %jit3A_964 = arith.constant 1.000000e+06 : f32
    %max3A_965 = vector.broadcast %jit3A_963 : f32 to vector<128x128xf32>
    %max3A_966 = arith.maximumf %max3A_965, %add3A_962 : vector<128x128xf32>
    %min3A_967 = vector.broadcast %jit3A_964 : f32 to vector<128x128xf32>
    %min3A_968 = arith.minimumf %min3A_967, %max3A_966 : vector<128x128xf32>
    %sqrt3A_969 = math.sqrt %min3A_968 : vector<128x128xf32>
    %mul3A_970 = arith.constant -1.000000e-01 : f32
    %mul3A_971 = vector.broadcast %mul3A_970 : f32 to vector<128x128xf32>
    %mul3A_972 = arith.mulf %mul3A_971, %sqrt3A_969 : vector<128x128xf32>
    %exp3A_973 = math.exp %mul3A_972 : vector<128x128xf32>
    %jit3A_974 = arith.constant 0.000000e+00 : f32
    %jit3A_975 = arith.constant 1.000000e+00 : f32
    %max3A_976 = vector.broadcast %jit3A_974 : f32 to vector<128x128xf32>
    %max3A_977 = arith.maximumf %max3A_976, %exp3A_973 : vector<128x128xf32>
    %min3A_978 = vector.broadcast %jit3A_975 : f32 to vector<128x128xf32>
    %min3A_979 = arith.minimumf %min3A_978, %max3A_977 : vector<128x128xf32>
    %slice3A_980 = vector.extract_strided_slice %slice3A {offsets = [1920, 0], sizes = [128, 128], strides = [1, 1]} : vector<2048x128xf32> to vector<128x128xf32>
    %dot_general3A_981 = arith.constant dense<0.000000e+00> : vector<128x128xf32>
    %dot_general3A_982 = tpu.matmul %min3A_979, %slice3A_980, %dot_general3A_981 {dimension_numbers = #tpu.dot_dimension_numbers<[1], [0], [0], [1], [0, 0, 1, 1], [], []>, transpose_lhs_hint = false} : vector<128x128xf32>, vector<128x128xf32>, vector<128x128xf32> -> vector<128x128xf32>
    %slice3A_983 = vector.extract_strided_slice %div3A_108 {offsets = [1920, 0], sizes = [128, 128], strides = [1, 1]} : vector<2048x128xf32> to vector<128x128xf32>
    %mul3A_984 = arith.mulf %slice3A_983, %dot_general3A_982 : vector<128x128xf32>
    %sub3A_985 = arith.constant 1.000000e+00 : f32
    %sub3A_986 = vector.broadcast %sub3A_985 : f32 to vector<128x128xf32>
    %sub3A_987 = arith.subf %sub3A_986, %slice3A_983 : vector<128x128xf32>
    %slice3A_988 = vector.extract_strided_slice %slice3A_109 {offsets = [1920, 0], sizes = [128, 128], strides = [1, 1]} : vector<2048x128xf32> to vector<128x128xf32>
    %mul3A_989 = arith.mulf %sub3A_987, %slice3A_988 : vector<128x128xf32>
    %add3A_990 = arith.addf %mul3A_984, %mul3A_989 : vector<128x128xf32>
    %gt3A_991 = arith.constant 0.000000e+00 : f32
    %gt3A_992 = vector.broadcast %gt3A_991 : f32 to vector<128x128xf32>
    %gt3A_993 = arith.cmpf ogt, %add3A_990, %gt3A_992 : vector<128x128xf32>
    %exp3A_994 = math.exp %add3A_990 : vector<128x128xf32>
    %sub3A_995 = arith.constant 1.000000e+00 : f32
    %sub3A_996 = vector.broadcast %sub3A_995 : f32 to vector<128x128xf32>
    %sub3A_997 = arith.subf %exp3A_994, %sub3A_996 : vector<128x128xf32>
    %select_n3A_998 = arith.select %gt3A_993, %add3A_990, %sub3A_997 : vector<128x128xi1>, vector<128x128xf32>
    %swap3A_999 = arith.constant 1920 : index
    %swap3A_1000 = arith.constant 0 : index
    %swap3A_1001 = vector.load %arg12[%swap3A_999, %swap3A_1000] : memref<2048x128xf32, #tpu.memory_space<vmem>>, vector<128x128xf32>
    tpu.vector_store %arg12[%swap3A_999, %swap3A_1000], %select_n3A_998 {strides = array<i32>} : memref<2048x128xf32, #tpu.memory_space<vmem>>, vector<128x128xf32>,
    return
  }
  func.func @transform_0(%arg0: i32) -> (i32, i32) {
    %c0_i32 = arith.constant 0 : i32
    %c0_i32_0 = arith.constant 0 : i32
    return %arg0, %c0_i32 : i32, i32
  }
  func.func @transform_1(%arg0: i32) -> (i32, i32) {
    %c0_i32 = arith.constant 0 : i32
    %c0_i32_0 = arith.constant 0 : i32
    %c0_i32_1 = arith.constant 0 : i32
    return %c0_i32, %c0_i32_0 : i32, i32
  }
  func.func @transform_2(%arg0: i32) -> (i32, i32) {
    %c0_i32 = arith.constant 0 : i32
    %c0_i32_0 = arith.constant 0 : i32
    %c0_i32_1 = arith.constant 0 : i32
    return %c0_i32, %c0_i32_0 : i32, i32
  }
  func.func @transform_3(%arg0: i32) -> (i32, i32) {
    %c0_i32 = arith.constant 0 : i32
    %c0_i32_0 = arith.constant 0 : i32
    %c0_i32_1 = arith.constant 0 : i32
    return %c0_i32, %c0_i32_0 : i32, i32
  }
  func.func @transform_4(%arg0: i32) -> (i32, i32) {
    %c0_i32 = arith.constant 0 : i32
    %c0_i32_0 = arith.constant 0 : i32
    %c0_i32_1 = arith.constant 0 : i32
    return %c0_i32, %c0_i32_0 : i32, i32
  }
  func.func @transform_5(%arg0: i32) -> (i32, i32) {
    %c0_i32 = arith.constant 0 : i32
    %c0_i32_0 = arith.constant 0 : i32
    %c0_i32_1 = arith.constant 0 : i32
    return %c0_i32, %c0_i32_0 : i32, i32
  }
  func.func @transform_6(%arg0: i32) -> (i32, i32) {
    %c0_i32 = arith.constant 0 : i32
    %c0_i32_0 = arith.constant 0 : i32
    %c0_i32_1 = arith.constant 0 : i32
    return %c0_i32, %c0_i32_0 : i32, i32
  }
  func.func @transform_7(%arg0: i32) -> (i32, i32) {
    %c0_i32 = arith.constant 0 : i32
    %c0_i32_0 = arith.constant 0 : i32
    %c0_i32_1 = arith.constant 0 : i32
    return %c0_i32, %c0_i32_0 : i32, i32
  }
  func.func @transform_8(%arg0: i32) -> (i32, i32) {
    %c0_i32 = arith.constant 0 : i32
    %c0_i32_0 = arith.constant 0 : i32
    %c0_i32_1 = arith.constant 0 : i32
    return %c0_i32, %c0_i32_0 : i32, i32
  }
  func.func @transform_9(%arg0: i32) -> (i32, i32) {
    %c0_i32 = arith.constant 0 : i32
    %c0_i32_0 = arith.constant 0 : i32
    %c0_i32_1 = arith.constant 0 : i32
    return %c0_i32, %c0_i32_0 : i32, i32
  }
  func.func @transform_10(%arg0: i32) -> (i32, i32) {
    %c0_i32 = arith.constant 0 : i32
    %c0_i32_0 = arith.constant 0 : i32
    %c0_i32_1 = arith.constant 0 : i32
    return %c0_i32, %c0_i32_0 : i32, i32
  }
  func.func @transform_11(%arg0: i32) -> (i32, i32) {
    %c0_i32 = arith.constant 0 : i32
    %c0_i32_0 = arith.constant 0 : i32
    return %arg0, %c0_i32 : i32, i32
  }
}

</mosaic_0001>

<sc_bundles>
// kernel: kernel.6.cloned.1.call-start
scs
__scs_entry_jumppad:
0x0: {  	(pc) =	sbr.rel $0x88, $3  }
0x1: {  	(tag) =	ssettag $0x0;
	lr =	simm.s32 $0x1  }
0x2: {  	[smem:$0x3F92] =	sst lr;
	_ =	strace $0xD0000000  }
0x3: {  	_ = 	snop  }
0x4: {  	_ = 	snop  }
0x5: {  	_ = 	snop  }
0x6: {  	_ = 	snop  }
0x7: {  	_ = 	snop  }
__scs_overlays_trampoline_lowered:
0x8: {  	[smem:$0x3FA1] =	sst s0  }
0x9: {  	[smem:$0x3FA2] =	sst s1  }
0xa: {  	[smem:$0x3FA3] =	sst s2  }
0xb: {  	[smem:$0x3FA4] =	sst s3  }
0xc: {  	[smem:$0x3FA5] =	sst s4  }
0xd: {  	[smem:$0x3FA6] =	sst s5  }
0xe: {  	[smem:$0x3FA7] =	sst s6  }
0xf: {  	[smem:$0x3FA8] =	sst s7  }
0x10: {  	[smem:$0x3FA9] =	sst s8  }
0x11: {  	[smem:$0x3FAA] =	sst s9;
	s0 =	simm.s32 @!p0 $0x0  }
0x12: {  	s1 =	sld [smem:$0x3F90];
	s0 =	simm.s32 @p0 $0x1  }
0x13: {  	[smem:$0x3FAB] =	sst s0;
	s0 =	simm.s32 @!p1 $0x0  }
0x14: {  	s2 =	sld [smem:$0x3F8F];
	s0 =	simm.s32 @p1 $0x1  }
0x15: {  	[smem:$0x3FAC] =	sst s0;
	s0 =	simm.s32 @!p2 $0x0  }
0x16: {  	s3 =	sld [smem:$0x3FDB];
	s0 =	simm.s32 @p2 $0x1  }
0x17: {  	s4 =	simm.s32 $0x1BF5;
	[smem:$0x3FAE] =	sst s0  }
0x18: {  	s0 =	sld [smem:$0x3F91];
	_ =	swait.ge [sflag:s4], $0x0  }
0x19: {  	s7 =	sld [smem:$0x3F92]  }
0x1a: {  	s8 =	sadd.s32 $0xFFFFE003, lr  }
0x1b: {  	s9 =	sadd.s32 $0xFFFFFEF7, lr;
	s5 =	simm.s32 $0xFFFFFFFF;
	p2 =	slt.u32 s8, $0xFFFFF086  }
0x1c: {  	p1 =	slt.u32 s9, $0xF7A;
	s5 =	simm.s32 @!p2 $0x0  }
0x1d: {  	s5 =	simm.s32 @p1 $0x1;
	p0 =	seq.s32 s7, s2  }
0x1e: {  	s7 =	smul.u32 @!p0 $0xF7A, s2;
	p2 =	seq.s32 @!p0 s5, $0x0  }
0x1f: {  	s9 =	smul.u32 $0xF7A, s1;
	s8 =	simm.s32 @!p0 $0x1BF5;
	p2 =	por !p2, p0  }
0x20: {  	[sflag:s8] =	ssyncset.s32 @!p0 $0xFFFFF086;
	s6 =	sadd.s32 @!p0 s3, s7;
	s7 =	simm.s32 @!p0 $0x108  }
0x21: {  	s3 =	sadd.s32 s3, s9;
	s6 =	sadd.s32 @!p0 $0x88, s6;
	s7 =	simm.s32 @p2 $0x1082  }
0x22: {  	[simem:s7], [sflag:s8] =	dma.local @!p0 [hbm:s6], $0xF7A  }
0x23: {  	s9 =	sor.u32 $0xD0000000, s2;
	s6 =	simm.s32 $0x108;
	_ =	swait.ge @!p0 [sflag:s8], $0x0  }
0x24: {  	s3 =	sadd.s32 $0x88, s3;
	s6 =	simm.s32 @!p1 $0x1082;
	[sflag:s4] =	ssyncset.s32 $0xFFFFF086  }
0x25: {  	[simem:s6], [sflag:s4] =	dma.local [hbm:s3], $0xF7A  }
0x26: {  	[smem:$0x3F92] =	sst s1;
	(tag) =	ssettag s2;
	_ =	strace s9  }
0x27: {  	s1 =	sld [smem:$0x3FA2]  }
0x28: {  	s2 =	sld [smem:$0x3FA3]  }
0x29: {  	s4 =	sld [smem:$0x3FA5]  }
0x2a: {  	p0 =	seq.s32 s5, $0x0;
	s5 =	sld [smem:$0x3FA6]  }
0x2b: {  	s6 =	sld [smem:$0x3FA7]  }
0x2c: {  	s7 =	sld [smem:$0x3FA8]  }
0x2d: {  	s3 =	simm.s32 $0x108;
	s8 =	sld [smem:$0x3FA9]  }
0x2e: {  	s3 =	simm.s32 @!p0 $0x1082;
	s9 =	sld [smem:$0x3FAA]  }
0x2f: {  	lr =	sadd.s32 s0, s3;
	s0 =	sld [smem:$0x3FA1]  }
0x30: {  	s3 =	sld [smem:$0x3FA4]  }
0x31: {  	[smem:$0x3FAD] =	sst s10  }
0x32: {  	s10 =	sld [smem:$0x3FAB];
	_ =	sdelay $0x3  }
0x33: {  	p0 =	seq.s32 s10, $0x1;
	s10 =	sld [smem:$0x3FAD];
	_ =	sdelay $0x3  }
0x34: {  	[smem:$0x3FAD] =	sst s10  }
0x35: {  	s10 =	sld [smem:$0x3FAC];
	_ =	sdelay $0x3  }
0x36: {  	p1 =	seq.s32 s10, $0x1;
	s10 =	sld [smem:$0x3FAD];
	_ =	sdelay $0x3  }
0x37: {  	[smem:$0x3FAD] =	sst s10  }
0x38: {  	s10 =	sld [smem:$0x3FAE]  }
0x39: {  	_ = 	snop;
	(pc) =	sbr.ind lr, $3  }
0x3a: {  	_ = 	snop  }
0x3b: {  	_ = 	snop  }
0x3c: {  	p2 =	seq.s32 s10, $0x1;
	s10 =	sld [smem:$0x3FAD]  }
0x3d: {  	_ =	shalt  }
0x3e: {  	_ =	shalt  }
0x3f: {  	_ =	shalt  }
0x40: {  	_ =	shalt  }
0x41: {  	_ =	shalt  }
0x42: {  	_ =	shalt  }
0x43: {  	_ =	shalt  }
0x44: {  	_ =	shalt  }
0x45: {  	_ =	shalt  }
0x46: {  	_ =	shalt  }
0x47: {  	_ =	shalt  }
0x48: {  	_ =	shalt  }
0x49: {  	_ =	shalt  }
0x4a: {  	_ =	shalt  }
0x4b: {  	_ =	shalt  }
0x4c: {  	_ =	shalt  }
0x4d: {  	_ =	shalt  }
0x4e: {  	_ =	shalt  }
0x4f: {  	_ =	shalt  }
0x50: {  	_ =	shalt  }
0x51: {  	_ =	shalt  }
0x52: {  	_ =	shalt  }
0x53: {  	_ =	shalt  }
0x54: {  	_ =	shalt  }
0x55: {  	_ =	shalt  }
0x56: {  	_ =	shalt  }
0x57: {  	_ =	shalt  }
0x58: {  	_ =	shalt  }
0x59: {  	_ =	shalt  }
0x5a: {  	_ =	shalt  }
0x5b: {  	_ =	shalt  }
0x5c: {  	_ =	shalt  }
0x5d: {  	_ =	shalt  }
0x5e: {  	_ =	shalt  }
0x5f: {  	_ =	shalt  }
0x60: {  	_ =	shalt  }
0x61: {  	_ =	shalt  }
0x62: {  	_ =	shalt  }
0x63: {  	_ =	shalt  }
0x64: {  	_ =	shalt  }
0x65: {  	_ =	shalt  }
0x66: {  	_ =	shalt  }
0x67: {  	_ =	shalt  }
0x68: {  	_ =	shalt  }
0x69: {  	_ =	shalt  }
0x6a: {  	_ =	shalt  }
0x6b: {  	_ =	shalt  }
0x6c: {  	_ =	shalt  }
0x6d: {  	_ =	shalt  }
0x6e: {  	_ =	shalt  }
0x6f: {  	_ =	shalt  }
0x70: {  	_ =	shalt  }
0x71: {  	_ =	shalt  }
0x72: {  	_ =	shalt  }
0x73: {  	_ =	shalt  }
0x74: {  	_ =	shalt  }
0x75: {  	_ =	shalt  }
0x76: {  	_ =	shalt  }
0x77: {  	_ =	shalt  }
0x78: {  	_ =	shalt  }
0x79: {  	_ =	shalt  }
0x7a: {  	_ =	shalt  }
0x7b: {  	_ =	shalt  }
0x7c: {  	_ =	shalt  }
0x7d: {  	_ =	shalt  }
0x7e: {  	_ =	shalt  }
0x7f: {  	_ =	shalt  }
0x80: {  	_ =	shalt  }
0x81: {  	_ =	shalt  }
0x82: {  	_ =	shalt  }
0x83: {  	_ =	shalt  }
0x84: {  	_ =	shalt  }
0x85: {  	_ =	shalt  }
0x86: {  	_ =	shalt  }
0x87: {  	_ =	shalt  }
.Lfunc_end0:
.L_simem_size_0:
called_computation_lowered:
.L_overlay_start_0:
0x88: {  	s2 =	sld [smem:$0x3FD9]  }
0x89: {  	s3 =	sld [smem:$0x3FFE];
	_ =	sdelay $0x1  }
0x8a: {  	s1 =	srdreg.scid  }
0x8b: {  	s0 =	sand.u32 $0x1, s1  }
0x8c: {  	s17 =	sshll.u32 s0, $0xA;
	s2 =	sadd.s32 s3, s2  }
0x8d: {  	s2 =	sadd.s32 s2, s17  }
0x8e: {  	[smem:$0x3FB9] =	sst s2  }
0x8f: {  	_ = 	snop  }
0x90: {  	s2 =	sld [smem:$0x3FC9]  }
0x91: {  	s18 =	sld [smem:$0x3FD0];
	(tm) =	ssettm $0x1  }
0x92: {  	s4 =	sld [smem:$0x3FFB];
	_ =	sdelay $0x3  }
0x93: {  	_ =	strace s4  }
0x94: {  	s4 =	sld [smem:$0x3FFC];
	_ =	sdelay $0x3  }
0x95: {  	_ =	strace s4  }
0x96: {  	s4 =	sld [smem:$0x3FFD];
	_ =	sdelay $0x3  }
0x97: {  	_ =	strace s4  }
0x98: {  	_ =	strace $0x8FFFFFFF  }
0x99: {  	s19 =	sld [smem:$0x3FDB];
	_ =	sdelay $0x1  }
0x9a: {  	s5 =	simm.s32 $_scs_section_size  }
0x9b: {  	s6 =	simm.s32 $_size__tile_overlayer_lowered;
	s7 =	simm.s32 $_tile_overlayer_lowered  }
0x9c: {  	s22 =	simm.s32 $0x1BFF;
	s21 =	sshll.u32 s7, $0x1;
	s4 =	sadd.s32 s5, s19  }
0x9d: {  	s8 =	simm.s32 $0x0;
	s20 =	sshll.u32 s6, $0x1;
	s6 =	sadd.s32 s21, s4  }
0x9e: {  	[timem:s8], [sflag:s22] =	dma.local [hbm:s6], s20  }
0x9f: {  	_ =	swait.ge [sflag:s22], s20  }
0xa0: {  	s5 =	ssub.s32 $0x0, s20;
	[sflag:s22] =	ssyncset.done $0x0  }
0xa1: {  	[sflag:s22] =	ssyncadd.s32 s5;
	_ =	sdelay $0x1  }
0xa2: {  	s23 =	simm.s32 $0x1B8B  }
0xa3: {  	_ =	swait.ge [sflag:s23], $0x1  }
0xa4: {  	[sflag:s23] =	ssyncset.done $0x0  }
0xa5: {  	s25 =	simm.s32 $0x1B8E;
	s24 =	sld [smem:$0x3FFE];
	[sflag:s23] =	ssyncadd.s32 $0xFFFFFFFF  }
0xa6: {  	s26 =	simm.s32 $execute0_lowered;
	[smem:$0x3FD2] =	sst s25  }
0xa7: {  	s6 =	sshll.u32 s26, $0x1;
	_ =	strace $0x80000046;
	[dreg:$0x1] =	wrdreg $0xFFFFFFFF  }
0xa8: {  	s28 =	simm.s32 $_size_execute0_lowered;
	s4 =	sadd.s32 s4, s6;
	[dreg:$0x0] =	wrdreg $0x0  }
0xa9: {  	s6 =	sshll.u32 s28, $0x1;
	[dreg:$0x2] =	wrdreg s4  }
0xaa: {  	[dreg:$0x3] =	wrdreg s6  }
0xab: {  	[dreg:$0x4] =	wrdreg $0xC0  }
0xac: {  	_ =	task [dreg:s8], $0x5FFFF  }
0xad: {  	[dreg:$0x1] =	wrdreg $0xFFFFFFFF  }
0xae: {  	[dreg:$0x0] =	wrdreg $0x60  }
0xaf: {  	[dreg:$0x2] =	wrdreg s2  }
0xb0: {  	[dreg:$0x3] =	wrdreg s24  }
0xb1: {  	[dreg:$0x4] =	wrdreg s18  }
0xb2: {  	[dreg:$0x5] =	wrdreg $0x9  }
0xb3: {  	_ =	task.clear_ibuf [dreg:s8], $0x6FFFF;
	_ =	strace $0x90000046  }
0xb4: {  	s29 =	simm.s32 $0x9;
	_ =	strace $0x80000048  }
0xb5: {  	_ =	swait.ge [sflag:s29], $0x1  }
0xb6: {  	[sflag:s29] =	ssyncadd.s32 $0xFFFFFFFF  }
0xb7: {  	_ =	strace $0x90000048  }
0xb8: {  	_ =	sfence  }
0xb9: {  	s30 =	sld [smem:$0x0];
	_ =	sdelay $0x2  }
0xba: {  	s31 =	sshll.u32 s1, $0xD;
	s1 =	sshrl.u32 s1, $0x2  }
0xbb: {  	s3 =	sand.u32 $0x4000, s31;
	s1 =	sadd.s32 s1, s30  }
0xbc: {  	s0 =	sor.u32 s3, s0;
	s1 =	sshll.u32 s1, $0x11  }
0xbd: {  	s0 =	sor.u32 s1, s0  }
0xbe: {  	s0 =	sadd.s32 $0x8F2B, s0  }
0xbf: {  	[sflag:s0] =	ssyncadd.remote.s32 $0x1  }
0xc0: {  	_ =	sfence.sel $0xFFFF  }
0xc1: {  	[dreg:$0x0] =	wrdreg $0xFFFFFFFF;
	(pc) =	sbr.abs _section_cstart, $3  }
0xc2: {  	[dreg:$0x1] =	wrdreg $0xFFFFFFFF  }
0xc3: {  	_ =	task.clear_ibuf [dreg:s8], $0x2FFFF;
	_ =	strace $0x9FFFFFFF  }
0xc4: {  	(tm) =	ssettm $0x7FFFFFFF  }
0xc5: {  	_ =	shalt  }
tec
execute0_lowered:
.L_overlay_start_1:
0x0: {  	(tag) =	ssettag $0x1  }
0x1: {  	s1 =	srdreg.scid  }
0x2: {  	s0 =	stileid.u32;
	s1 =	sand.u32 $0x1, s1  }
0x3: {  	s4 =	rddreg [dreg:$0x0];
	s6 =	sshll.u32 s0, $0xB;
	s7 =	sshll.u32 s1, $0xA  }
0x4: {  	s5 =	rddreg [dreg:$0x1];
	s6 =	sor.u32 s7, s6  }
0x5: {  	s2 =	rddreg [dreg:$0x2];
	s3 =	simm.s32 $0x0;
	s7 =	sshrl.u32 s6, $0x3  }
0x6: {  	[smem:$0x7FF] =	sst s3;
	s25 =	sshll.u32 s6, $0x4;
	s5 =	sadd.s32 s5, s7  }
0x7: {  	_ =	strace $0x80000047;
	s4 =	sadd.s32 s4, s25;
	[dreg:$0x4] =	wrdreg s5  }
0x8: {  	s5 =	sadd.s32 $0x800, s4;
	s26 =	rddreg [dreg:$0x4]  }
0x9: {  	[dreg:$0x5] =	wrdreg s5;
	s5 =	simm.s32 $0x9  }
0xa: {  	[tilespmem:s3], [sflag:$0x9] =	stream.linear.gather [hbm4b:s26+s3], $0x400, $0x38;
	[tilespmem:$0x10400] =	vst v63  }
0xb: {  	_ =	swait.ge [sflag:s5], $0x400  }
0xc: {  	[sflag:s5] =	ssyncset.done $0x0  }
0xd: {  	s6 =	simm.s32 $0x400;
	[sflag:s5] =	ssyncadd.s32 $0xFFFFFC00  }
0xe: {  	[tilespmem:s6], [sflag:$0x1] =	stream.linear.gather [hbm4b:s4+s3], $0x4000, $0x38;
	[tilespmem:$0x10400] =	vst v63  }
0xf: {  	s8 =	simm.s32 $0x1;
	s7 =	simm.s32 $0x4400;
	s9 =	rddreg [dreg:$0x5]  }
0x10: {  	[tilespmem:s7], [sflag:$0x2] =	stream.linear.gather [hbm4b:s9+s3], $0x4000, $0x38;
	[tilespmem:$0x10400] =	vst v63  }
0x11: {  	_ =	swait.ge [sflag:s8], $0x4000  }
0x12: {  	[sflag:s8] =	ssyncset.done $0x0  }
0x13: {  	s9 =	simm.s32 $0x80;
	[sflag:s8] =	ssyncadd.s32 $0xFFFFC000  }
0x14: {  	[hbm4b:s2+s9] =	stream.indirect.scatter [tilespmem:s6], [sflag:$0x5], $0x80, s3, s9, $0xb8;
	[tilespmem:$0x10400] =	vst v63  }
0x15: {  	s11 =	simm.s32 $0x8400;
	s12 =	simm.s32 $0x2;
	s10 =	sadd.s32 $0x1000, s4  }
0x16: {  	[tilespmem:s11], [sflag:$0x3] =	stream.linear.gather [hbm4b:s10+s3], $0x4000, $0x38;
	[tilespmem:$0x10400] =	vst v63  }
0x17: {  	_ =	swait.ge [sflag:s12], $0x4000  }
0x18: {  	[sflag:s12] =	ssyncset.done $0x0  }
0x19: {  	[sflag:s12] =	ssyncadd.s32 $0xFFFFC000  }
0x1a: {  	[hbm4b:s2+s9] =	stream.indirect.scatter [tilespmem:s7], [sflag:$0x6], $0x80, s9, s9, $0xb8;
	[tilespmem:$0x10400] =	vst v63  }
0x1b: {  	s14 =	simm.s32 $0xC400;
	s15 =	simm.s32 $0x3;
	s13 =	sadd.s32 $0x1800, s4  }
0x1c: {  	[tilespmem:s14], [sflag:$0x4] =	stream.linear.gather [hbm4b:s13+s3], $0x4000, $0x38;
	[tilespmem:$0x10400] =	vst v63  }
0x1d: {  	_ =	swait.ge [sflag:s15], $0x4000  }
0x1e: {  	[sflag:s15] =	ssyncset.done $0x0  }
0x1f: {  	s16 =	simm.s32 $0x100;
	s17 =	simm.s32 $0x5;
	[sflag:s15] =	ssyncadd.s32 $0xFFFFC000  }
0x20: {  	[hbm4b:s2+s9] =	stream.indirect.scatter [tilespmem:s11], [sflag:$0x7], $0x80, s16, s9, $0xb8;
	[tilespmem:$0x10400] =	vst v63  }
0x21: {  	_ =	swait.ge [sflag:s17], $0x4000  }
0x22: {  	[sflag:s17] =	ssyncset.done $0x0  }
0x23: {  	s19 =	simm.s32 $0x4;
	s18 =	sadd.s32 $0x2000, s4;
	[sflag:s17] =	ssyncadd.s32 $0xFFFFC000  }
0x24: {  	[tilespmem:s6], [sflag:$0x1] =	stream.linear.gather [hbm4b:s18+s3], $0x4000, $0x38;
	[tilespmem:$0x10400] =	vst v63  }
0x25: {  	_ =	swait.ge [sflag:s19], $0x4000  }
0x26: {  	[sflag:s19] =	ssyncset.done $0x0  }
0x27: {  	s20 =	simm.s32 $0x180;
	s21 =	simm.s32 $0x6;
	[sflag:s19] =	ssyncadd.s32 $0xFFFFC000  }
0x28: {  	[hbm4b:s2+s9] =	stream.indirect.scatter [tilespmem:s14], [sflag:$0x8], $0x80, s20, s9, $0xb8;
	[tilespmem:$0x10400] =	vst v63  }
0x29: {  	_ =	swait.ge [sflag:s21], $0x4000  }
0x2a: {  	[sflag:s21] =	ssyncset.done $0x0  }
0x2b: {  	s22 =	sadd.s32 $0x2800, s4;
	[sflag:s21] =	ssyncadd.s32 $0xFFFFC000  }
0x2c: {  	[tilespmem:s7], [sflag:$0x2] =	stream.linear.gather [hbm4b:s22+s3], $0x4000, $0x38;
	[tilespmem:$0x10400] =	vst v63  }
0x2d: {  	_ =	swait.ge [sflag:s8], $0x4000  }
0x2e: {  	[sflag:s8] =	ssyncset.done $0x0  }
0x2f: {  	s23 =	simm.s32 $0x200;
	s24 =	simm.s32 $0x7;
	[sflag:s8] =	ssyncadd.s32 $0xFFFFC000  }
0x30: {  	[hbm4b:s2+s9] =	stream.indirect.scatter [tilespmem:s6], [sflag:$0x5], $0x80, s23, s9, $0xb8;
	[tilespmem:$0x10400] =	vst v63  }
0x31: {  	_ =	swait.ge [sflag:s24], $0x4000  }
0x32: {  	[sflag:s24] =	ssyncset.done $0x0  }
0x33: {  	s25 =	sadd.s32 $0x3000, s4;
	[sflag:s24] =	ssyncadd.s32 $0xFFFFC000  }
0x34: {  	[tilespmem:s11], [sflag:$0x3] =	stream.linear.gather [hbm4b:s25+s3], $0x4000, $0x38;
	[tilespmem:$0x10400] =	vst v63  }
0x35: {  	_ =	swait.ge [sflag:s12], $0x4000  }
0x36: {  	[sflag:s12] =	ssyncset.done $0x0  }
0x37: {  	s28 =	simm.s32 $0x280;
	s26 =	simm.s32 $0x8;
	[sflag:s12] =	ssyncadd.s32 $0xFFFFC000  }
0x38: {  	[hbm4b:s2+s9] =	stream.indirect.scatter [tilespmem:s7], [sflag:$0x6], $0x80, s28, s9, $0xb8;
	[tilespmem:$0x10400] =	vst v63  }
0x39: {  	_ =	swait.ge [sflag:s26], $0x4000  }
0x3a: {  	[sflag:s26] =	ssyncset.done $0x0  }
0x3b: {  	s29 =	sadd.s32 $0x3800, s4;
	[sflag:s26] =	ssyncadd.s32 $0xFFFFC000  }
0x3c: {  	[tilespmem:s14], [sflag:$0x4] =	stream.linear.gather [hbm4b:s29+s3], $0x4000, $0x38;
	[tilespmem:$0x10400] =	vst v63  }
0x3d: {  	_ =	swait.ge [sflag:s15], $0x4000  }
0x3e: {  	[sflag:s15] =	ssyncset.done $0x0  }
0x3f: {  	s30 =	simm.s32 $0x300;
	[sflag:s15] =	ssyncadd.s32 $0xFFFFC000  }
0x40: {  	[hbm4b:s2+s9] =	stream.indirect.scatter [tilespmem:s11], [sflag:$0x7], $0x80, s30, s9, $0xb8;
	[tilespmem:$0x10400] =	vst v63  }
0x41: {  	_ =	swait.ge [sflag:s17], $0x4000  }
0x42: {  	[sflag:s17] =	ssyncset.done $0x0  }
0x43: {  	[sflag:s17] =	ssyncadd.s32 $0xFFFFC000  }
0x44: {  	s1 =	ssub.s32 $0x2, s1;
	_ =	swait.ge [sflag:s19], $0x4000  }
0x45: {  	s0 =	sshrl.u32 s1, $0x1;
	[sflag:s19] =	ssyncset.done $0x0  }
0x46: {  	s31 =	simm.s32 $0x380;
	s0 =	ssub.s32 s1, s0;
	[sflag:s19] =	ssyncadd.s32 $0xFFFFC000  }
0x47: {  	[hbm4b:s2+s9] =	stream.indirect.scatter [tilespmem:s14], [sflag:$0x8], $0x80, s31, s9, $0xb8;
	[tilespmem:$0x10400] =	vst v63  }
0x48: {  	s0 =	smax.u32 s0, $0x1;
	_ =	swait.ge [sflag:s21], $0x4000  }
0x49: {  	p0 =	sne.s32 s0, $0x1;
	[sflag:s21] =	ssyncset.done $0x0  }
.Ltmp0:
0x4a: {  	[sflag:s21] =	ssyncadd.s32 $0xFFFFC000;
	(pc) =	sbr.rel @!p0 .LBB2_2-.Ltmp0, $4  }
0x4b: {  	_ =	swait.ge [sflag:s24], $0x4000  }
0x4c: {  	[sflag:s24] =	ssyncset.done $0x0  }
0x4d: {  	[sflag:s24] =	ssyncadd.s32 $0xFFFFC000  }
0x4e: {  	s1 =	sadd.s32 $0xFFFFFFFF, s0;
	_ =	swait.ge [sflag:s26], $0x4000  }
.LBB2_1:
0x4f: {  	[sflag:s26] =	ssyncset.done $0x0  }
0x50: {  	s0 =	rddreg [dreg:$0x4];
	[sflag:s26] =	ssyncadd.s32 $0xFFFFC000  }
0x51: {  	[tilespmem:s3], [sflag:$0x9] =	stream.linear.gather [hbm4b:s0+s3], $0x400, $0x38;
	[tilespmem:$0x10400] =	vst v63  }
0x52: {  	_ =	swait.ge [sflag:s5], $0x400  }
0x53: {  	[sflag:s5] =	ssyncset.done $0x0  }
0x54: {  	[sflag:s5] =	ssyncadd.s32 $0xFFFFFC00  }
0x55: {  	[tilespmem:s6], [sflag:$0x1] =	stream.linear.gather [hbm4b:s4+s3], $0x4000, $0x38;
	[tilespmem:$0x10400] =	vst v63  }
0x56: {  	s0 =	rddreg [dreg:$0x5]  }
0x57: {  	[tilespmem:s7], [sflag:$0x2] =	stream.linear.gather [hbm4b:s0+s3], $0x4000, $0x38;
	[tilespmem:$0x10400] =	vst v63  }
0x58: {  	_ =	swait.ge [sflag:s8], $0x4000  }
0x59: {  	[sflag:s8] =	ssyncset.done $0x0  }
0x5a: {  	[sflag:s8] =	ssyncadd.s32 $0xFFFFC000  }
0x5b: {  	[hbm4b:s2+s9] =	stream.indirect.scatter [tilespmem:s6], [sflag:$0x5], $0x80, s3, s9, $0xb8;
	[tilespmem:$0x10400] =	vst v63  }
0x5c: {  	_ = 	snop  }
0x5d: {  	[tilespmem:s11], [sflag:$0x3] =	stream.linear.gather [hbm4b:s10+s3], $0x4000, $0x38;
	[tilespmem:$0x10400] =	vst v63  }
0x5e: {  	_ =	swait.ge [sflag:s12], $0x4000  }
0x5f: {  	[sflag:s12] =	ssyncset.done $0x0  }
0x60: {  	[sflag:s12] =	ssyncadd.s32 $0xFFFFC000  }
0x61: {  	[hbm4b:s2+s9] =	stream.indirect.scatter [tilespmem:s7], [sflag:$0x6], $0x80, s9, s9, $0xb8;
	[tilespmem:$0x10400] =	vst v63  }
0x62: {  	_ = 	snop  }
0x63: {  	[tilespmem:s14], [sflag:$0x4] =	stream.linear.gather [hbm4b:s13+s3], $0x4000, $0x38;
	[tilespmem:$0x10400] =	vst v63  }
0x64: {  	_ =	swait.ge [sflag:s15], $0x4000  }
0x65: {  	[sflag:s15] =	ssyncset.done $0x0  }
0x66: {  	[sflag:s15] =	ssyncadd.s32 $0xFFFFC000  }
0x67: {  	[hbm4b:s2+s9] =	stream.indirect.scatter [tilespmem:s11], [sflag:$0x7], $0x80, s16, s9, $0xb8;
	[tilespmem:$0x10400] =	vst v63  }
0x68: {  	_ =	swait.ge [sflag:s17], $0x4000  }
0x69: {  	[sflag:s17] =	ssyncset.done $0x0  }
0x6a: {  	[sflag:s17] =	ssyncadd.s32 $0xFFFFC000  }
0x6b: {  	[tilespmem:s6], [sflag:$0x1] =	stream.linear.gather [hbm4b:s18+s3], $0x4000, $0x38;
	[tilespmem:$0x10400] =	vst v63  }
0x6c: {  	_ =	swait.ge [sflag:s19], $0x4000  }
0x6d: {  	[sflag:s19] =	ssyncset.done $0x0  }
0x6e: {  	[sflag:s19] =	ssyncadd.s32 $0xFFFFC000  }
0x6f: {  	[hbm4b:s2+s9] =	stream.indirect.scatter [tilespmem:s14], [sflag:$0x8], $0x80, s20, s9, $0xb8;
	[tilespmem:$0x10400] =	vst v63  }
0x70: {  	_ =	swait.ge [sflag:s21], $0x4000  }
0x71: {  	[sflag:s21] =	ssyncset.done $0x0  }
0x72: {  	[sflag:s21] =	ssyncadd.s32 $0xFFFFC000  }
0x73: {  	[tilespmem:s7], [sflag:$0x2] =	stream.linear.gather [hbm4b:s22+s3], $0x4000, $0x38;
	[tilespmem:$0x10400] =	vst v63  }
0x74: {  	_ =	swait.ge [sflag:s8], $0x4000  }
0x75: {  	[sflag:s8] =	ssyncset.done $0x0  }
0x76: {  	[sflag:s8] =	ssyncadd.s32 $0xFFFFC000  }
0x77: {  	[hbm4b:s2+s9] =	stream.indirect.scatter [tilespmem:s6], [sflag:$0x5], $0x80, s23, s9, $0xb8;
	[tilespmem:$0x10400] =	vst v63  }
0x78: {  	_ =	swait.ge [sflag:s24], $0x4000  }
0x79: {  	[sflag:s24] =	ssyncset.done $0x0  }
0x7a: {  	[sflag:s24] =	ssyncadd.s32 $0xFFFFC000  }
0x7b: {  	[tilespmem:s11], [sflag:$0x3] =	stream.linear.gather [hbm4b:s25+s3], $0x4000, $0x38;
	[tilespmem:$0x10400] =	vst v63  }
0x7c: {  	_ =	swait.ge [sflag:s12], $0x4000  }
0x7d: {  	[sflag:s12] =	ssyncset.done $0x0  }
0x7e: {  	[sflag:s12] =	ssyncadd.s32 $0xFFFFC000  }
0x7f: {  	[hbm4b:s2+s9] =	stream.indirect.scatter [tilespmem:s7], [sflag:$0x6], $0x80, s28, s9, $0xb8;
	[tilespmem:$0x10400] =	vst v63  }
0x80: {  	_ =	swait.ge [sflag:s26], $0x4000  }
0x81: {  	[sflag:s26] =	ssyncset.done $0x0  }
0x82: {  	[sflag:s26] =	ssyncadd.s32 $0xFFFFC000  }
0x83: {  	[tilespmem:s14], [sflag:$0x4] =	stream.linear.gather [hbm4b:s29+s3], $0x4000, $0x38;
	[tilespmem:$0x10400] =	vst v63  }
0x84: {  	_ =	swait.ge [sflag:s15], $0x4000  }
0x85: {  	[sflag:s15] =	ssyncset.done $0x0  }
0x86: {  	[sflag:s15] =	ssyncadd.s32 $0xFFFFC000  }
0x87: {  	[hbm4b:s2+s9] =	stream.indirect.scatter [tilespmem:s11], [sflag:$0x7], $0x80, s30, s9, $0xb8;
	[tilespmem:$0x10400] =	vst v63  }
0x88: {  	_ =	swait.ge [sflag:s17], $0x4000  }
0x89: {  	[sflag:s17] =	ssyncset.done $0x0  }
0x8a: {  	[sflag:s17] =	ssyncadd.s32 $0xFFFFC000  }
0x8b: {  	_ =	swait.ge [sflag:s19], $0x4000  }
0x8c: {  	[sflag:s19] =	ssyncset.done $0x0  }
0x8d: {  	[sflag:s19] =	ssyncadd.s32 $0xFFFFC000  }
0x8e: {  	[hbm4b:s2+s9] =	stream.indirect.scatter [tilespmem:s14], [sflag:$0x8], $0x80, s31, s9, $0xb8;
	[tilespmem:$0x10400] =	vst v63  }
0x8f: {  	_ =	swait.ge [sflag:s21], $0x4000  }
0x90: {  	p0 =	sne.s32 s1, $0x1;
	[sflag:s21] =	ssyncset.done $0x0  }
.Ltmp1:
0x91: {  	[sflag:s21] =	ssyncadd.s32 $0xFFFFC000;
	(pc) =	sbr.rel @p0 .LBB2_1-.Ltmp1, $4  }
0x92: {  	_ =	swait.ge [sflag:s24], $0x4000  }
0x93: {  	[sflag:s24] =	ssyncset.done $0x0  }
0x94: {  	[sflag:s24] =	ssyncadd.s32 $0xFFFFC000  }
0x95: {  	s1 =	sadd.s32 $0xFFFFFFFF, s1;
	_ =	swait.ge [sflag:s26], $0x4000  }
.LBB2_2:
0x96: {  	[sflag:s26] =	ssyncset.done $0x0  }
0x97: {  	[sflag:s26] =	ssyncadd.s32 $0xFFFFC000  }
0x98: {  	_ =	sfence.sel $0x180000  }
0x99: {  	[bflag:$0x0] =	sbarrier.arrive $0xFFFF  }
0x9a: {  	_ =	strace $0x90000047  }
0x9b: {  	s0 =	stileid.u32;
	[bflag:$0x2] =	sbarrier.arrive $0xFFFF  }
0x9c: {  	p0 =	sne.s32 s0, $0x0;
	s0 =	rddreg [dreg:$0x3]  }
0x9d: {  	s0 =	sadd.s32 @!p0 $0x100000, s0  }
0x9e: {  	[sflag:s0] =	ssyncadd.tile.s32 @!p0 $0x1;
	_ =	shalt  }
.Lfunc_end2:
_tile_overlayer_lowered:
.L_overlay_start_2:
0x9f: {  	(tag) =	ssettag $0x2  }
0xa0: {  	s0 =	rddreg [dreg:$0x0];
	s2 =	stileid.u32  }
0xa1: {  	s1 =	rddreg [dreg:$0x1];
	p0 =	sne.s32 s2, $0x0  }
0xa2: {  	s3 =	rddreg [dreg:$0x2];
	[bflag:$0x3] =	sbarrier.arrive $0xFFFF;
	s2 =	simm.s32 @!p0 $0x1C09  }
0xa3: {  	[timem:s3], [sflag:s2] =	dma.local @!p0 [hbm:s0], s1  }
0xa4: {  	s0 =	simm.s32 @!p0 $0x9  }
0xa5: {  	_ =	swait.ge @!p0 [sflag:s0], s1  }
0xa6: {  	s1 =	ssub.s32 @!p0 $0x0, s1;
	[sflag:s0] =	ssyncset.done @!p0 $0x0  }
0xa7: {  	[sflag:s0] =	ssyncadd.s32 @!p0 s1  }
0xa8: {  	[bflag:$0x3] =	sbarrier.arrive $0xFFFF  }
0xa9: {  	_ =	shalt  }

// kernel: kernel.9.cloned.1.call-start
scs
__scs_entry_jumppad:
0x0: {  	(pc) =	sbr.rel $0x88, $3  }
0x1: {  	(tag) =	ssettag $0x0;
	lr =	simm.s32 $0x1  }
0x2: {  	[smem:$0x3F92] =	sst lr;
	_ =	strace $0xD0000000  }
0x3: {  	_ = 	snop  }
0x4: {  	_ = 	snop  }
0x5: {  	_ = 	snop  }
0x6: {  	_ = 	snop  }
0x7: {  	_ = 	snop  }
__scs_overlays_trampoline_lowered:
0x8: {  	[smem:$0x3FA1] =	sst s0  }
0x9: {  	[smem:$0x3FA2] =	sst s1  }
0xa: {  	[smem:$0x3FA3] =	sst s2  }
0xb: {  	[smem:$0x3FA4] =	sst s3  }
0xc: {  	[smem:$0x3FA5] =	sst s4  }
0xd: {  	[smem:$0x3FA6] =	sst s5  }
0xe: {  	[smem:$0x3FA7] =	sst s6  }
0xf: {  	[smem:$0x3FA8] =	sst s7  }
0x10: {  	[smem:$0x3FA9] =	sst s8  }
0x11: {  	[smem:$0x3FAA] =	sst s9;
	s0 =	simm.s32 @!p0 $0x0  }
0x12: {  	s1 =	sld [smem:$0x3F90];
	s0 =	simm.s32 @p0 $0x1  }
0x13: {  	[smem:$0x3FAB] =	sst s0;
	s0 =	simm.s32 @!p1 $0x0  }
0x14: {  	s2 =	sld [smem:$0x3F8F];
	s0 =	simm.s32 @p1 $0x1  }
0x15: {  	[smem:$0x3FAC] =	sst s0;
	s0 =	simm.s32 @!p2 $0x0  }
0x16: {  	s3 =	sld [smem:$0x3FDB];
	s0 =	simm.s32 @p2 $0x1  }
0x17: {  	s4 =	simm.s32 $0x1BF5;
	[smem:$0x3FAE] =	sst s0  }
0x18: {  	s0 =	sld [smem:$0x3F91];
	_ =	swait.ge [sflag:s4], $0x0  }
0x19: {  	s7 =	sld [smem:$0x3F92]  }
0x1a: {  	s8 =	sadd.s32 $0xFFFFE003, lr  }
0x1b: {  	s9 =	sadd.s32 $0xFFFFFEF7, lr;
	s5 =	simm.s32 $0xFFFFFFFF;
	p2 =	slt.u32 s8, $0xFFFFF086  }
0x1c: {  	p1 =	slt.u32 s9, $0xF7A;
	s5 =	simm.s32 @!p2 $0x0  }
0x1d: {  	s5 =	simm.s32 @p1 $0x1;
	p0 =	seq.s32 s7, s2  }
0x1e: {  	s7 =	smul.u32 @!p0 $0xF7A, s2;
	p2 =	seq.s32 @!p0 s5, $0x0  }
0x1f: {  	s9 =	smul.u32 $0xF7A, s1;
	s8 =	simm.s32 @!p0 $0x1BF5;
	p2 =	por !p2, p0  }
0x20: {  	[sflag:s8] =	ssyncset.s32 @!p0 $0xFFFFF086;
	s6 =	sadd.s32 @!p0 s3, s7;
	s7 =	simm.s32 @!p0 $0x108  }
0x21: {  	s3 =	sadd.s32 s3, s9;
	s6 =	sadd.s32 @!p0 $0x88, s6;
	s7 =	simm.s32 @p2 $0x1082  }
0x22: {  	[simem:s7], [sflag:s8] =	dma.local @!p0 [hbm:s6], $0xF7A  }
0x23: {  	s9 =	sor.u32 $0xD0000000, s2;
	s6 =	simm.s32 $0x108;
	_ =	swait.ge @!p0 [sflag:s8], $0x0  }
0x24: {  	s3 =	sadd.s32 $0x88, s3;
	s6 =	simm.s32 @!p1 $0x1082;
	[sflag:s4] =	ssyncset.s32 $0xFFFFF086  }
0x25: {  	[simem:s6], [sflag:s4] =	dma.local [hbm:s3], $0xF7A  }
0x26: {  	[smem:$0x3F92] =	sst s1;
	(tag) =	ssettag s2;
	_ =	strace s9  }
0x27: {  	s1 =	sld [smem:$0x3FA2]  }
0x28: {  	s2 =	sld [smem:$0x3FA3]  }
0x29: {  	s4 =	sld [smem:$0x3FA5]  }
0x2a: {  	p0 =	seq.s32 s5, $0x0;
	s5 =	sld [smem:$0x3FA6]  }
0x2b: {  	s6 =	sld [smem:$0x3FA7]  }
0x2c: {  	s7 =	sld [smem:$0x3FA8]  }
0x2d: {  	s3 =	simm.s32 $0x108;
	s8 =	sld [smem:$0x3FA9]  }
0x2e: {  	s3 =	simm.s32 @!p0 $0x1082;
	s9 =	sld [smem:$0x3FAA]  }
0x2f: {  	lr =	sadd.s32 s0, s3;
	s0 =	sld [smem:$0x3FA1]  }
0x30: {  	s3 =	sld [smem:$0x3FA4]  }
0x31: {  	[smem:$0x3FAD] =	sst s10  }
0x32: {  	s10 =	sld [smem:$0x3FAB];
	_ =	sdelay $0x3  }
0x33: {  	p0 =	seq.s32 s10, $0x1;
	s10 =	sld [smem:$0x3FAD];
	_ =	sdelay $0x3  }
0x34: {  	[smem:$0x3FAD] =	sst s10  }
0x35: {  	s10 =	sld [smem:$0x3FAC];
	_ =	sdelay $0x3  }
0x36: {  	p1 =	seq.s32 s10, $0x1;
	s10 =	sld [smem:$0x3FAD];
	_ =	sdelay $0x3  }
0x37: {  	[smem:$0x3FAD] =	sst s10  }
0x38: {  	s10 =	sld [smem:$0x3FAE]  }
0x39: {  	_ = 	snop;
	(pc) =	sbr.ind lr, $3  }
0x3a: {  	_ = 	snop  }
0x3b: {  	_ = 	snop  }
0x3c: {  	p2 =	seq.s32 s10, $0x1;
	s10 =	sld [smem:$0x3FAD]  }
0x3d: {  	_ =	shalt  }
0x3e: {  	_ =	shalt  }
0x3f: {  	_ =	shalt  }
0x40: {  	_ =	shalt  }
0x41: {  	_ =	shalt  }
0x42: {  	_ =	shalt  }
0x43: {  	_ =	shalt  }
0x44: {  	_ =	shalt  }
0x45: {  	_ =	shalt  }
0x46: {  	_ =	shalt  }
0x47: {  	_ =	shalt  }
0x48: {  	_ =	shalt  }
0x49: {  	_ =	shalt  }
0x4a: {  	_ =	shalt  }
0x4b: {  	_ =	shalt  }
0x4c: {  	_ =	shalt  }
0x4d: {  	_ =	shalt  }
0x4e: {  	_ =	shalt  }
0x4f: {  	_ =	shalt  }
0x50: {  	_ =	shalt  }
0x51: {  	_ =	shalt  }
0x52: {  	_ =	shalt  }
0x53: {  	_ =	shalt  }
0x54: {  	_ =	shalt  }
0x55: {  	_ =	shalt  }
0x56: {  	_ =	shalt  }
0x57: {  	_ =	shalt  }
0x58: {  	_ =	shalt  }
0x59: {  	_ =	shalt  }
0x5a: {  	_ =	shalt  }
0x5b: {  	_ =	shalt  }
0x5c: {  	_ =	shalt  }
0x5d: {  	_ =	shalt  }
0x5e: {  	_ =	shalt  }
0x5f: {  	_ =	shalt  }
0x60: {  	_ =	shalt  }
0x61: {  	_ =	shalt  }
0x62: {  	_ =	shalt  }
0x63: {  	_ =	shalt  }
0x64: {  	_ =	shalt  }
0x65: {  	_ =	shalt  }
0x66: {  	_ =	shalt  }
0x67: {  	_ =	shalt  }
0x68: {  	_ =	shalt  }
0x69: {  	_ =	shalt  }
0x6a: {  	_ =	shalt  }
0x6b: {  	_ =	shalt  }
0x6c: {  	_ =	shalt  }
0x6d: {  	_ =	shalt  }
0x6e: {  	_ =	shalt  }
0x6f: {  	_ =	shalt  }
0x70: {  	_ =	shalt  }
0x71: {  	_ =	shalt  }
0x72: {  	_ =	shalt  }
0x73: {  	_ =	shalt  }
0x74: {  	_ =	shalt  }
0x75: {  	_ =	shalt  }
0x76: {  	_ =	shalt  }
0x77: {  	_ =	shalt  }
0x78: {  	_ =	shalt  }
0x79: {  	_ =	shalt  }
0x7a: {  	_ =	shalt  }
0x7b: {  	_ =	shalt  }
0x7c: {  	_ =	shalt  }
0x7d: {  	_ =	shalt  }
0x7e: {  	_ =	shalt  }
0x7f: {  	_ =	shalt  }
0x80: {  	_ =	shalt  }
0x81: {  	_ =	shalt  }
0x82: {  	_ =	shalt  }
0x83: {  	_ =	shalt  }
0x84: {  	_ =	shalt  }
0x85: {  	_ =	shalt  }
0x86: {  	_ =	shalt  }
0x87: {  	_ =	shalt  }
.Lfunc_end0:
.L_simem_size_0:
called_computation.1_lowered:
.L_overlay_start_0:
0x88: {  	s2 =	sld [smem:$0x3FD9]  }
0x89: {  	s3 =	sld [smem:$0x3FFE];
	_ =	sdelay $0x1  }
0x8a: {  	s1 =	srdreg.scid  }
0x8b: {  	s0 =	sand.u32 $0x1, s1  }
0x8c: {  	s17 =	sshll.u32 s0, $0xA;
	s2 =	sadd.s32 s3, s2  }
0x8d: {  	s2 =	sadd.s32 s2, s17  }
0x8e: {  	[smem:$0x3FB9] =	sst s2  }
0x8f: {  	_ = 	snop  }
0x90: {  	s2 =	sld [smem:$0x3FD0];
	(tm) =	ssettm $0x1  }
0x91: {  	s18 =	sld [smem:$0x3FFB];
	_ =	sdelay $0x3  }
0x92: {  	_ =	strace s18  }
0x93: {  	s3 =	sld [smem:$0x3FFC];
	_ =	sdelay $0x3  }
0x94: {  	_ =	strace s3  }
0x95: {  	s3 =	sld [smem:$0x3FFD];
	_ =	sdelay $0x3  }
0x96: {  	_ =	strace s3  }
0x97: {  	_ =	strace $0x8FFFFFFF  }
0x98: {  	s19 =	sld [smem:$0x3FDB];
	_ =	sdelay $0x1  }
0x99: {  	s4 =	simm.s32 $_scs_section_size  }
0x9a: {  	s5 =	simm.s32 $_size__tile_overlayer_lowered;
	s6 =	simm.s32 $_tile_overlayer_lowered  }
0x9b: {  	s22 =	simm.s32 $0x1BFF;
	s21 =	sshll.u32 s6, $0x1;
	s3 =	sadd.s32 s4, s19  }
0x9c: {  	s7 =	simm.s32 $0x0;
	s20 =	sshll.u32 s5, $0x1;
	s5 =	sadd.s32 s21, s3  }
0x9d: {  	[timem:s7], [sflag:s22] =	dma.local [hbm:s5], s20  }
0x9e: {  	_ =	swait.ge [sflag:s22], s20  }
0x9f: {  	s4 =	ssub.s32 $0x0, s20;
	[sflag:s22] =	ssyncset.done $0x0  }
0xa0: {  	[sflag:s22] =	ssyncadd.s32 s4;
	_ =	sdelay $0x1  }
0xa1: {  	s23 =	simm.s32 $0x1B8B  }
0xa2: {  	_ =	swait.ge [sflag:s23], $0x1  }
0xa3: {  	[sflag:s23] =	ssyncset.done $0x0  }
0xa4: {  	s25 =	simm.s32 $0x1B8E;
	s24 =	sld [smem:$0x3FFE];
	[sflag:s23] =	ssyncadd.s32 $0xFFFFFFFF  }
0xa5: {  	s26 =	simm.s32 $execute0_lowered;
	[smem:$0x3FD2] =	sst s25  }
0xa6: {  	s5 =	sshll.u32 s26, $0x1;
	_ =	strace $0x80000049;
	[dreg:$0x1] =	wrdreg $0xFFFFFFFF  }
0xa7: {  	s28 =	simm.s32 $_size_execute0_lowered;
	s3 =	sadd.s32 s3, s5;
	[dreg:$0x0] =	wrdreg $0x0  }
0xa8: {  	s5 =	sshll.u32 s28, $0x1;
	[dreg:$0x2] =	wrdreg s3  }
0xa9: {  	[dreg:$0x3] =	wrdreg s5  }
0xaa: {  	[dreg:$0x4] =	wrdreg $0xC0  }
0xab: {  	_ =	task [dreg:s7], $0x5FFFF  }
0xac: {  	[dreg:$0x1] =	wrdreg $0xFFFFFFFF  }
0xad: {  	[dreg:$0x0] =	wrdreg $0x60  }
0xae: {  	[dreg:$0x2] =	wrdreg s24  }
0xaf: {  	[dreg:$0x3] =	wrdreg s2  }
0xb0: {  	[dreg:$0x4] =	wrdreg $0x9  }
0xb1: {  	_ =	task.clear_ibuf [dreg:s7], $0x5FFFF;
	_ =	strace $0x90000049  }
0xb2: {  	s29 =	simm.s32 $0x9;
	_ =	strace $0x8000004B  }
0xb3: {  	_ =	swait.ge [sflag:s29], $0x1  }
0xb4: {  	[sflag:s29] =	ssyncadd.s32 $0xFFFFFFFF  }
0xb5: {  	_ =	strace $0x9000004B  }
0xb6: {  	_ =	sfence  }
0xb7: {  	s30 =	sld [smem:$0x0];
	_ =	sdelay $0x2  }
0xb8: {  	s31 =	sshll.u32 s1, $0xD;
	s1 =	sshrl.u32 s1, $0x2  }
0xb9: {  	s3 =	sand.u32 $0x4000, s31;
	s1 =	sadd.s32 s1, s30  }
0xba: {  	s0 =	sor.u32 s3, s0;
	s1 =	sshll.u32 s1, $0x11  }
0xbb: {  	s0 =	sor.u32 s1, s0  }
0xbc: {  	s0 =	sadd.s32 $0x8F2B, s0  }
0xbd: {  	[sflag:s0] =	ssyncadd.remote.s32 $0x1  }
0xbe: {  	_ =	sfence.sel $0xFFFF  }
0xbf: {  	[dreg:$0x0] =	wrdreg $0xFFFFFFFF;
	(pc) =	sbr.abs _section_cstart, $3  }
0xc0: {  	[dreg:$0x1] =	wrdreg $0xFFFFFFFF  }
0xc1: {  	_ =	task.clear_ibuf [dreg:s7], $0x2FFFF;
	_ =	strace $0x9FFFFFFF  }
0xc2: {  	(tm) =	ssettm $0x7FFFFFFF  }
0xc3: {  	_ =	shalt  }
tec
execute0_lowered:
.L_overlay_start_1:
0x0: {  	(tag) =	ssettag $0x1  }
0x1: {  	s1 =	srdreg.scid  }
0x2: {  	s0 =	stileid.u32;
	s1 =	sand.u32 $0x1, s1  }
0x3: {  	s4 =	sshll.u32 s0, $0xB;
	s6 =	sshll.u32 s1, $0xA  }
0x4: {  	s5 =	rddreg [dreg:$0x0];
	s4 =	sor.u32 s6, s4  }
0x5: {  	s3 =	rddreg [dreg:$0x1];
	s2 =	simm.s32 $0x0;
	s6 =	sshrl.u32 s4, $0x3  }
0x6: {  	[smem:$0x7FF] =	sst s2;
	s4 =	sshll.u32 s4, $0x4;
	s6 =	sadd.s32 s5, s6  }
0x7: {  	_ =	strace $0x8000004A;
	s3 =	sadd.s32 s3, s4;
	[dreg:$0x3] =	wrdreg s6  }
0x8: {  	s4 =	sadd.s32 $0x800, s3;
	s6 =	rddreg [dreg:$0x3]  }
0x9: {  	[dreg:$0x4] =	wrdreg s4;
	s4 =	simm.s32 $0x9  }
0xa: {  	[tilespmem:s2], [sflag:$0x9] =	stream.linear.gather [hbm4b:s6+s2], $0x400, $0x38;
	[tilespmem:$0x10400] =	vst v63  }
0xb: {  	_ =	swait.ge [sflag:s4], $0x400  }
0xc: {  	s7 =	simm.s32 $0x400;
	[sflag:s4] =	ssyncset.done $0x0  }
0xd: {  	s5 =	sadd.s32 $0x1000, s5;
	s6 =	simm.s32 $0x80;
	[sflag:s4] =	ssyncadd.s32 $0xFFFFFC00  }
0xe: {  	[tilespmem:s7], [sflag:$0x5] =	stream.indirect.gather [hbm4b:s5+s6], $0x80, s2, s6, $0xb8;
	[tilespmem:$0x10400] =	vst v63  }
0xf: {  	s8 =	simm.s32 $0x4400;
	s9 =	simm.s32 $0x5  }
0x10: {  	[tilespmem:s8], [sflag:$0x6] =	stream.indirect.gather [hbm4b:s5+s6], $0x80, s6, s6, $0xb8;
	[tilespmem:$0x10400] =	vst v63  }
0x11: {  	_ =	swait.ge [sflag:s9], $0x4000  }
0x12: {  	[sflag:s9] =	ssyncset.done $0x0  }
0x13: {  	[sflag:s9] =	ssyncadd.s32 $0xFFFFC000  }
0x14: {  	[hbm4b:s3+s2] =	stream.linear.scatter [tilespmem:s7], [sflag:$0x1], $0x4000, $0x38;
	[tilespmem:$0x10400] =	vst v63  }
0x15: {  	s10 =	simm.s32 $0x100;
	s11 =	simm.s32 $0x8400;
	s12 =	simm.s32 $0x6  }
0x16: {  	[tilespmem:s11], [sflag:$0x7] =	stream.indirect.gather [hbm4b:s5+s6], $0x80, s10, s6, $0xb8;
	[tilespmem:$0x10400] =	vst v63  }
0x17: {  	_ =	swait.ge [sflag:s12], $0x4000  }
0x18: {  	[sflag:s12] =	ssyncset.done $0x0  }
0x19: {  	s13 =	rddreg [dreg:$0x4];
	[sflag:s12] =	ssyncadd.s32 $0xFFFFC000  }
0x1a: {  	[hbm4b:s13+s2] =	stream.linear.scatter [tilespmem:s8], [sflag:$0x2], $0x4000, $0x38;
	[tilespmem:$0x10400] =	vst v63  }
0x1b: {  	s14 =	simm.s32 $0xC400;
	s15 =	simm.s32 $0x7;
	s13 =	simm.s32 $0x180  }
0x1c: {  	[tilespmem:s14], [sflag:$0x8] =	stream.indirect.gather [hbm4b:s5+s6], $0x80, s13, s6, $0xb8;
	[tilespmem:$0x10400] =	vst v63  }
0x1d: {  	_ =	swait.ge [sflag:s15], $0x4000  }
0x1e: {  	[sflag:s15] =	ssyncset.done $0x0  }
0x1f: {  	s17 =	simm.s32 $0x1;
	s16 =	sadd.s32 $0x1000, s3;
	[sflag:s15] =	ssyncadd.s32 $0xFFFFC000  }
0x20: {  	[hbm4b:s16+s2] =	stream.linear.scatter [tilespmem:s11], [sflag:$0x3], $0x4000, $0x38;
	[tilespmem:$0x10400] =	vst v63  }
0x21: {  	_ =	swait.ge [sflag:s17], $0x4000  }
0x22: {  	[sflag:s17] =	ssyncset.done $0x0  }
0x23: {  	s18 =	simm.s32 $0x200;
	s19 =	simm.s32 $0x8;
	[sflag:s17] =	ssyncadd.s32 $0xFFFFC000  }
0x24: {  	[tilespmem:s7], [sflag:$0x5] =	stream.indirect.gather [hbm4b:s5+s6], $0x80, s18, s6, $0xb8;
	[tilespmem:$0x10400] =	vst v63  }
0x25: {  	_ =	swait.ge [sflag:s19], $0x4000  }
0x26: {  	[sflag:s19] =	ssyncset.done $0x0  }
0x27: {  	s21 =	simm.s32 $0x2;
	s20 =	sadd.s32 $0x1800, s3;
	[sflag:s19] =	ssyncadd.s32 $0xFFFFC000  }
0x28: {  	[hbm4b:s20+s2] =	stream.linear.scatter [tilespmem:s14], [sflag:$0x4], $0x4000, $0x38;
	[tilespmem:$0x10400] =	vst v63  }
0x29: {  	_ =	swait.ge [sflag:s21], $0x4000  }
0x2a: {  	[sflag:s21] =	ssyncset.done $0x0  }
0x2b: {  	s22 =	simm.s32 $0x280;
	[sflag:s21] =	ssyncadd.s32 $0xFFFFC000  }
0x2c: {  	[tilespmem:s8], [sflag:$0x6] =	stream.indirect.gather [hbm4b:s5+s6], $0x80, s22, s6, $0xb8;
	[tilespmem:$0x10400] =	vst v63  }
0x2d: {  	_ =	swait.ge [sflag:s9], $0x4000  }
0x2e: {  	[sflag:s9] =	ssyncset.done $0x0  }
0x2f: {  	s24 =	simm.s32 $0x3;
	s23 =	sadd.s32 $0x2000, s3;
	[sflag:s9] =	ssyncadd.s32 $0xFFFFC000  }
0x30: {  	[hbm4b:s23+s2] =	stream.linear.scatter [tilespmem:s7], [sflag:$0x1], $0x4000, $0x38;
	[tilespmem:$0x10400] =	vst v63  }
0x31: {  	_ =	swait.ge [sflag:s24], $0x4000  }
0x32: {  	[sflag:s24] =	ssyncset.done $0x0  }
0x33: {  	s25 =	simm.s32 $0x300;
	[sflag:s24] =	ssyncadd.s32 $0xFFFFC000  }
0x34: {  	[tilespmem:s11], [sflag:$0x7] =	stream.indirect.gather [hbm4b:s5+s6], $0x80, s25, s6, $0xb8;
	[tilespmem:$0x10400] =	vst v63  }
0x35: {  	_ =	swait.ge [sflag:s12], $0x4000  }
0x36: {  	[sflag:s12] =	ssyncset.done $0x0  }
0x37: {  	s26 =	simm.s32 $0x4;
	s28 =	sadd.s32 $0x2800, s3;
	[sflag:s12] =	ssyncadd.s32 $0xFFFFC000  }
0x38: {  	[hbm4b:s28+s2] =	stream.linear.scatter [tilespmem:s8], [sflag:$0x2], $0x4000, $0x38;
	[tilespmem:$0x10400] =	vst v63  }
0x39: {  	_ =	swait.ge [sflag:s26], $0x4000  }
0x3a: {  	[sflag:s26] =	ssyncset.done $0x0  }
0x3b: {  	s29 =	simm.s32 $0x380;
	[sflag:s26] =	ssyncadd.s32 $0xFFFFC000  }
0x3c: {  	[tilespmem:s14], [sflag:$0x8] =	stream.indirect.gather [hbm4b:s5+s6], $0x80, s29, s6, $0xb8;
	[tilespmem:$0x10400] =	vst v63  }
0x3d: {  	_ =	swait.ge [sflag:s15], $0x4000  }
0x3e: {  	[sflag:s15] =	ssyncset.done $0x0  }
0x3f: {  	s30 =	sadd.s32 $0x3000, s3;
	[sflag:s15] =	ssyncadd.s32 $0xFFFFC000  }
0x40: {  	[hbm4b:s30+s2] =	stream.linear.scatter [tilespmem:s11], [sflag:$0x3], $0x4000, $0x38;
	[tilespmem:$0x10400] =	vst v63  }
0x41: {  	_ =	swait.ge [sflag:s17], $0x4000  }
0x42: {  	[sflag:s17] =	ssyncset.done $0x0  }
0x43: {  	[sflag:s17] =	ssyncadd.s32 $0xFFFFC000  }
0x44: {  	s1 =	ssub.s32 $0x2, s1;
	_ =	swait.ge [sflag:s19], $0x4000  }
0x45: {  	s0 =	sshrl.u32 s1, $0x1;
	[sflag:s19] =	ssyncset.done $0x0  }
0x46: {  	s0 =	ssub.s32 s1, s0;
	s31 =	sadd.s32 $0x3800, s3;
	[sflag:s19] =	ssyncadd.s32 $0xFFFFC000  }
0x47: {  	[hbm4b:s31+s2] =	stream.linear.scatter [tilespmem:s14], [sflag:$0x4], $0x4000, $0x38;
	[tilespmem:$0x10400] =	vst v63  }
0x48: {  	s0 =	smax.u32 s0, $0x1;
	_ =	swait.ge [sflag:s21], $0x4000  }
0x49: {  	p0 =	sne.s32 s0, $0x1;
	[sflag:s21] =	ssyncset.done $0x0  }
.Ltmp0:
0x4a: {  	[sflag:s21] =	ssyncadd.s32 $0xFFFFC000;
	(pc) =	sbr.rel @!p0 .LBB2_2-.Ltmp0, $4  }
0x4b: {  	_ =	swait.ge [sflag:s24], $0x4000  }
0x4c: {  	[sflag:s24] =	ssyncset.done $0x0  }
0x4d: {  	[sflag:s24] =	ssyncadd.s32 $0xFFFFC000  }
0x4e: {  	s1 =	sadd.s32 $0xFFFFFFFF, s0;
	_ =	swait.ge [sflag:s26], $0x4000  }
.LBB2_1:
0x4f: {  	[sflag:s26] =	ssyncset.done $0x0  }
0x50: {  	s0 =	rddreg [dreg:$0x3];
	[sflag:s26] =	ssyncadd.s32 $0xFFFFC000  }
0x51: {  	[tilespmem:s2], [sflag:$0x9] =	stream.linear.gather [hbm4b:s0+s2], $0x400, $0x38;
	[tilespmem:$0x10400] =	vst v63  }
0x52: {  	_ =	swait.ge [sflag:s4], $0x400  }
0x53: {  	[sflag:s4] =	ssyncset.done $0x0  }
0x54: {  	[sflag:s4] =	ssyncadd.s32 $0xFFFFFC00  }
0x55: {  	[tilespmem:s7], [sflag:$0x5] =	stream.indirect.gather [hbm4b:s5+s6], $0x80, s2, s6, $0xb8;
	[tilespmem:$0x10400] =	vst v63  }
0x56: {  	_ = 	snop  }
0x57: {  	[tilespmem:s8], [sflag:$0x6] =	stream.indirect.gather [hbm4b:s5+s6], $0x80, s6, s6, $0xb8;
	[tilespmem:$0x10400] =	vst v63  }
0x58: {  	_ =	swait.ge [sflag:s9], $0x4000  }
0x59: {  	[sflag:s9] =	ssyncset.done $0x0  }
0x5a: {  	[sflag:s9] =	ssyncadd.s32 $0xFFFFC000  }
0x5b: {  	[hbm4b:s3+s2] =	stream.linear.scatter [tilespmem:s7], [sflag:$0x1], $0x4000, $0x38;
	[tilespmem:$0x10400] =	vst v63  }
0x5c: {  	_ = 	snop  }
0x5d: {  	[tilespmem:s11], [sflag:$0x7] =	stream.indirect.gather [hbm4b:s5+s6], $0x80, s10, s6, $0xb8;
	[tilespmem:$0x10400] =	vst v63  }
0x5e: {  	_ =	swait.ge [sflag:s12], $0x4000  }
0x5f: {  	[sflag:s12] =	ssyncset.done $0x0  }
0x60: {  	s0 =	rddreg [dreg:$0x4];
	[sflag:s12] =	ssyncadd.s32 $0xFFFFC000  }
0x61: {  	[hbm4b:s0+s2] =	stream.linear.scatter [tilespmem:s8], [sflag:$0x2], $0x4000, $0x38;
	[tilespmem:$0x10400] =	vst v63  }
0x62: {  	_ = 	snop  }
0x63: {  	[tilespmem:s14], [sflag:$0x8] =	stream.indirect.gather [hbm4b:s5+s6], $0x80, s13, s6, $0xb8;
	[tilespmem:$0x10400] =	vst v63  }
0x64: {  	_ =	swait.ge [sflag:s15], $0x4000  }
0x65: {  	[sflag:s15] =	ssyncset.done $0x0  }
0x66: {  	[sflag:s15] =	ssyncadd.s32 $0xFFFFC000  }
0x67: {  	[hbm4b:s16+s2] =	stream.linear.scatter [tilespmem:s11], [sflag:$0x3], $0x4000, $0x38;
	[tilespmem:$0x10400] =	vst v63  }
0x68: {  	_ =	swait.ge [sflag:s17], $0x4000  }
0x69: {  	[sflag:s17] =	ssyncset.done $0x0  }
0x6a: {  	[sflag:s17] =	ssyncadd.s32 $0xFFFFC000  }
0x6b: {  	[tilespmem:s7], [sflag:$0x5] =	stream.indirect.gather [hbm4b:s5+s6], $0x80, s18, s6, $0xb8;
	[tilespmem:$0x10400] =	vst v63  }
0x6c: {  	_ =	swait.ge [sflag:s19], $0x4000  }
0x6d: {  	[sflag:s19] =	ssyncset.done $0x0  }
0x6e: {  	[sflag:s19] =	ssyncadd.s32 $0xFFFFC000  }
0x6f: {  	[hbm4b:s20+s2] =	stream.linear.scatter [tilespmem:s14], [sflag:$0x4], $0x4000, $0x38;
	[tilespmem:$0x10400] =	vst v63  }
0x70: {  	_ =	swait.ge [sflag:s21], $0x4000  }
0x71: {  	[sflag:s21] =	ssyncset.done $0x0  }
0x72: {  	[sflag:s21] =	ssyncadd.s32 $0xFFFFC000  }
0x73: {  	[tilespmem:s8], [sflag:$0x6] =	stream.indirect.gather [hbm4b:s5+s6], $0x80, s22, s6, $0xb8;
	[tilespmem:$0x10400] =	vst v63  }
0x74: {  	_ =	swait.ge [sflag:s9], $0x4000  }
0x75: {  	[sflag:s9] =	ssyncset.done $0x0  }
0x76: {  	[sflag:s9] =	ssyncadd.s32 $0xFFFFC000  }
0x77: {  	[hbm4b:s23+s2] =	stream.linear.scatter [tilespmem:s7], [sflag:$0x1], $0x4000, $0x38;
	[tilespmem:$0x10400] =	vst v63  }
0x78: {  	_ =	swait.ge [sflag:s24], $0x4000  }
0x79: {  	[sflag:s24] =	ssyncset.done $0x0  }
0x7a: {  	[sflag:s24] =	ssyncadd.s32 $0xFFFFC000  }
0x7b: {  	[tilespmem:s11], [sflag:$0x7] =	stream.indirect.gather [hbm4b:s5+s6], $0x80, s25, s6, $0xb8;
	[tilespmem:$0x10400] =	vst v63  }
0x7c: {  	_ =	swait.ge [sflag:s12], $0x4000  }
0x7d: {  	[sflag:s12] =	ssyncset.done $0x0  }
0x7e: {  	[sflag:s12] =	ssyncadd.s32 $0xFFFFC000  }
0x7f: {  	[hbm4b:s28+s2] =	stream.linear.scatter [tilespmem:s8], [sflag:$0x2], $0x4000, $0x38;
	[tilespmem:$0x10400] =	vst v63  }
0x80: {  	_ =	swait.ge [sflag:s26], $0x4000  }
0x81: {  	[sflag:s26] =	ssyncset.done $0x0  }
0x82: {  	[sflag:s26] =	ssyncadd.s32 $0xFFFFC000  }
0x83: {  	[tilespmem:s14], [sflag:$0x8] =	stream.indirect.gather [hbm4b:s5+s6], $0x80, s29, s6, $0xb8;
	[tilespmem:$0x10400] =	vst v63  }
0x84: {  	_ =	swait.ge [sflag:s15], $0x4000  }
0x85: {  	[sflag:s15] =	ssyncset.done $0x0  }
0x86: {  	[sflag:s15] =	ssyncadd.s32 $0xFFFFC000  }
0x87: {  	[hbm4b:s30+s2] =	stream.linear.scatter [tilespmem:s11], [sflag:$0x3], $0x4000, $0x38;
	[tilespmem:$0x10400] =	vst v63  }
0x88: {  	_ =	swait.ge [sflag:s17], $0x4000  }
0x89: {  	[sflag:s17] =	ssyncset.done $0x0  }
0x8a: {  	[sflag:s17] =	ssyncadd.s32 $0xFFFFC000  }
0x8b: {  	_ =	swait.ge [sflag:s19], $0x4000  }
0x8c: {  	[sflag:s19] =	ssyncset.done $0x0  }
0x8d: {  	[sflag:s19] =	ssyncadd.s32 $0xFFFFC000  }
0x8e: {  	[hbm4b:s31+s2] =	stream.linear.scatter [tilespmem:s14], [sflag:$0x4], $0x4000, $0x38;
	[tilespmem:$0x10400] =	vst v63  }
0x8f: {  	_ =	swait.ge [sflag:s21], $0x4000  }
0x90: {  	p0 =	sne.s32 s1, $0x1;
	[sflag:s21] =	ssyncset.done $0x0  }
.Ltmp1:
0x91: {  	[sflag:s21] =	ssyncadd.s32 $0xFFFFC000;
	(pc) =	sbr.rel @p0 .LBB2_1-.Ltmp1, $4  }
0x92: {  	_ =	swait.ge [sflag:s24], $0x4000  }
0x93: {  	[sflag:s24] =	ssyncset.done $0x0  }
0x94: {  	[sflag:s24] =	ssyncadd.s32 $0xFFFFC000  }
0x95: {  	s1 =	sadd.s32 $0xFFFFFFFF, s1;
	_ =	swait.ge [sflag:s26], $0x4000  }
.LBB2_2:
0x96: {  	[sflag:s26] =	ssyncset.done $0x0  }
0x97: {  	[sflag:s26] =	ssyncadd.s32 $0xFFFFC000  }
0x98: {  	_ =	sfence.sel $0x180000  }
0x99: {  	[bflag:$0x0] =	sbarrier.arrive $0xFFFF  }
0x9a: {  	_ =	strace $0x9000004A  }
0x9b: {  	s0 =	stileid.u32;
	[bflag:$0x2] =	sbarrier.arrive $0xFFFF  }
0x9c: {  	p0 =	sne.s32 s0, $0x0;
	s0 =	rddreg [dreg:$0x2]  }
0x9d: {  	s0 =	sadd.s32 @!p0 $0x100000, s0  }
0x9e: {  	[sflag:s0] =	ssyncadd.tile.s32 @!p0 $0x1;
	_ =	shalt  }
.Lfunc_end2:
_tile_overlayer_lowered:
.L_overlay_start_2:
0x9f: {  	(tag) =	ssettag $0x2  }
0xa0: {  	s0 =	rddreg [dreg:$0x0];
	s2 =	stileid.u32  }
0xa1: {  	s1 =	rddreg [dreg:$0x1];
	p0 =	sne.s32 s2, $0x0  }
0xa2: {  	s3 =	rddreg [dreg:$0x2];
	[bflag:$0x3] =	sbarrier.arrive $0xFFFF;
	s2 =	simm.s32 @!p0 $0x1C09  }
0xa3: {  	[timem:s3], [sflag:s2] =	dma.local @!p0 [hbm:s0], s1  }
0xa4: {  	s0 =	simm.s32 @!p0 $0x9  }
0xa5: {  	_ =	swait.ge @!p0 [sflag:s0], s1  }
0xa6: {  	s1 =	ssub.s32 @!p0 $0x0, s1;
	[sflag:s0] =	ssyncset.done @!p0 $0x0  }
0xa7: {  	[sflag:s0] =	ssyncadd.s32 @!p0 s1  }
0xa8: {  	[bflag:$0x3] =	sbarrier.arrive $0xFFFF  }
0xa9: {  	_ =	shalt  }

</sc_bundles>
